<compile_context>
chip_gen: v7x
topology: tpu7x:2x2x1
jax: 0.10.2.dev20260603
libtpu: 0.0.44.dev20260713+nightly
codegen_flags: <defaults>
</compile_context>

<pallas_src>
import jax
import jax.numpy as jnp
from jax import lax
from jax.experimental import pallas as pl
from jax.experimental.pallas import tpu as pltpu
from jax.experimental.pallas import tpu_sc as plsc

_BATCH = 16384
_RULES = 64
_ROW = 16
_LANES = 16

_info = plsc.get_sparse_core_info()
_NC = _info.num_cores
_NW = _NC * _info.num_subcores
_BPW = _BATCH // _NW


_CHUNKS = 8
_RPC = _BPW // _CHUNKS


def _sc_body(x_hbm, out_hbm, x_v, out_v, sem):
    wid = lax.axis_index("s") * _NC + lax.axis_index("c")
    base = wid * _BPW
    pltpu.sync_copy(x_hbm.at[pl.ds(base * _ROW, _BPW * _ROW)], x_v)

    lane = lax.broadcasted_iota(jnp.int32, (_LANES,), 0)
    half = lane >> 3
    c_off = 8 + (lane & 7)
    a_pats = [2 * k + half for k in range(4)]

    copies = []
    for ch in range(_CHUNKS):
        @plsc.parallel_loop(ch * _RPC, (ch + 1) * _RPC, unroll=8)
        def row(r):
            xrow = x_v.at[pl.ds(r * _ROW, _ROW)]
            c = plsc.load_gather(xrow, [c_off])
            for k in range(4):
                a = plsc.load_gather(xrow, [a_pats[k]])
                out_v[pl.ds(r * _RULES + k * _LANES, _LANES)] = jnp.minimum(a, c)

        off = ch * _RPC * _RULES
        copies.append(pltpu.async_copy(
            out_v.at[pl.ds(off, _RPC * _RULES)],
            out_hbm.at[pl.ds(base * _RULES + off, _RPC * _RULES)],
            sem))
    for cp in copies:
        cp.wait()


@jax.jit
def kernel(x):
    xf = x.reshape(_BATCH * _ROW)
    out = pl.kernel(
        _sc_body,
        out_type=jax.ShapeDtypeStruct((_BATCH * _RULES,), jnp.float32),
        mesh=plsc.VectorSubcoreMesh(core_axis_name="c", subcore_axis_name="s"),
        compiler_params=pltpu.CompilerParams(needs_layout_passes=False),
        scratch_types=[
            pltpu.VMEM((_BPW * _ROW,), jnp.float32),
            pltpu.VMEM((_BPW * _RULES,), jnp.float32),
            pltpu.SemaphoreType.DMA,
        ],
    )(xf)
    return out.reshape(_BATCH, _RULES)

# --- scband reference (transcript-rebuilt; emitter-appended) ---
"""Pipeline reference for scband-antecedent-layer-15753940041980 (READ-ONLY COPY).

The authoritative reference and input builder live on the scoring server;
editing this copy changes nothing except your own understanding.
"""

import jax, jax.numpy as jnp
import numpy as np

# Rule index table: for each of 64 rules (i,j in 0..7), antecedent pairs [[0,i],[1,j]]
# Shape [1, n_rules=64, n_antecedents=2, 2] where last dim is (input_index, mf_index)
INDEXES = np.array([[[[0, i], [1, j]] for i in range(8) for j in range(8)]], dtype=np.int64).reshape(1, 64, 2, 2)

BATCH = 16384
N_INPUTS = 2
N_MFS = 8


def setup_inputs(seed: int = 0) -> dict:
    key = jax.random.key(seed)
    # membership values in [0, 1]
    x = jax.random.uniform(key, (BATCH, N_INPUTS, N_MFS), dtype=jnp.float32)
    return {"x": x}


def reference(x):
    # build: indices = tf.repeat(indexes, batch, axis=0) -> [B, R, A, 2]
    batch = x.shape[0]
    idx = jnp.repeat(jnp.asarray(INDEXES), batch, axis=0)
    # call: weights = tf.gather_nd(x, indices, batch_dims=1)
    # weights[b, r, a] = x[b, idx[b, r, a, 0], idx[b, r, a, 1]]
    input_idx = idx[..., 0]  # [B, R, A]
    mf_idx = idx[..., 1]     # [B, R, A]
    b_idx = jnp.arange(batch)[:, None, None]
    weights = x[b_idx, input_idx, mf_idx]  # [B, R, A]
    # reduce_min over antecedent axis
    return jnp.min(weights, axis=2)  # [B, R]

if __name__ == "__main__":
    import jax
    _d = setup_inputs()
    print(jax.jit(kernel)(*tuple(_d.values())))

</pallas_src>

<mosaic_0001>
#map = affine_map<(d0, d1) -> (0)>
module attributes {stable_mosaic.version = 14 : i64} {
  func.func @_sc_body(%arg0: i32, %arg1: i32, %arg2: memref<262144xf32, #tpu.memory_space<hbm>>, %arg3: memref<1048576xf32, #tpu.memory_space<hbm>>, %arg4: memref<8192xf32, #tpu.memory_space<vmem>>, %arg5: memref<32768xf32, #tpu.memory_space<vmem>>, %arg6: memref<!tpu.dma_semaphore, #tpu.memory_space<semaphore_mem>>) attributes {dimension_semantics = [#tpu.dimension_semantics<core_parallel>, #tpu.dimension_semantics<subcore_parallel>], iteration_bounds = array<i64: 2, 16>, scalar_prefetch = 0 : i64, scratch_operands = 3 : i64, tpu.core_type = #tpu.core_type<sc_vector_subcore>, window_params = [{transform_indices = #map}, {transform_indices = #map}]} {
    %mul3A = arith.constant 2 : i32
    %mul3A_0 = arith.muli %arg1, %mul3A : i32
    %add3A = arith.addi %mul3A_0, %arg0 : i32
    %mul3A_1 = arith.constant 512 : i32
    %mul3A_2 = arith.muli %add3A, %mul3A_1 : i32
    %mul3A_3 = arith.constant 16 : i32
    %mul3A_4 = arith.muli %mul3A_2, %mul3A_3 : i32
    "tpu.region"() ({
      %run_scoped3A = tpu.sem_alloc : memref<!tpu.dma_semaphore, #tpu.memory_space<semaphore_mem>>
      %dma_start3A_173 = tpu.memref_slice %arg2[%mul3A_4] : memref<262144xf32, #tpu.memory_space<hbm>> -> memref<8192xf32, #tpu.memory_space<hbm>>
      %dma_start3A_174 = tpu.memref_slice %arg2[%mul3A_4] : memref<262144xf32, #tpu.memory_space<hbm>> -> memref<8192xf32, #tpu.memory_space<hbm>>
      tpu.enqueue_dma source(%dma_start3A_174 : memref<8192xf32, #tpu.memory_space<hbm>>) target(%arg4 : memref<8192xf32, #tpu.memory_space<vmem>>) target_semaphore(%run_scoped3A : memref<!tpu.dma_semaphore, #tpu.memory_space<semaphore_mem>>)
      %dma_wait3A_175 = tpu.memref_slice %arg2[%mul3A_4] : memref<262144xf32, #tpu.memory_space<hbm>> -> memref<8192xf32, #tpu.memory_space<hbm>>
      %dma_wait3A_176 = tpu.memref_slice %arg2[%mul3A_4] : memref<262144xf32, #tpu.memory_space<hbm>> -> memref<8192xf32, #tpu.memory_space<hbm>>
      tpu.wait_dma2 semaphore(%run_scoped3A : memref<!tpu.dma_semaphore, #tpu.memory_space<semaphore_mem>>) src(%dma_wait3A_176 : memref<8192xf32, #tpu.memory_space<hbm>>) dst(%arg4 : memref<8192xf32, #tpu.memory_space<vmem>>)
      tpu.yield
    }) : () -> ()
    %iota3A = tpu.iota {dimensions = array<i32: 0>} : vector<16xi32>
    %shift_right_arithmetic3A = arith.constant 3 : i32
    %shift_right_arithmetic3A_5 = vector.broadcast %shift_right_arithmetic3A : i32 to vector<16xi32>
    %shift_right_arithmetic3A_6 = arith.shrsi %iota3A, %shift_right_arithmetic3A_5 : vector<16xi32>
    %and3A = arith.constant 7 : i32
    %and3A_7 = vector.broadcast %and3A : i32 to vector<16xi32>
    %and3A_8 = arith.andi %iota3A, %and3A_7 : vector<16xi32>
    %add3A_9 = arith.constant 8 : i32
    %add3A_10 = vector.broadcast %add3A_9 : i32 to vector<16xi32>
    %add3A_11 = arith.addi %add3A_10, %and3A_8 : vector<16xi32>
    %add3A_12 = arith.constant 0 : i32
    %add3A_13 = vector.broadcast %add3A_12 : i32 to vector<16xi32>
    %add3A_14 = arith.addi %add3A_13, %shift_right_arithmetic3A_6 : vector<16xi32>
    %add3A_15 = arith.constant 2 : i32
    %add3A_16 = vector.broadcast %add3A_15 : i32 to vector<16xi32>
    %add3A_17 = arith.addi %add3A_16, %shift_right_arithmetic3A_6 : vector<16xi32>
    %add3A_18 = arith.constant 4 : i32
    %add3A_19 = vector.broadcast %add3A_18 : i32 to vector<16xi32>
    %add3A_20 = arith.addi %add3A_19, %shift_right_arithmetic3A_6 : vector<16xi32>
    %add3A_21 = arith.constant 6 : i32
    %add3A_22 = vector.broadcast %add3A_21 : i32 to vector<16xi32>
    %add3A_23 = arith.addi %add3A_22, %shift_right_arithmetic3A_6 : vector<16xi32>
    %parallel_loop3A = arith.constant 0 : i32
    %parallel_loop3A_24 = arith.constant 64 : i32
    %parallel_loop3A_25 = arith.constant 1 : i32
    scf.for %parallel_loop3A_173 = %parallel_loop3A to %parallel_loop3A_24 step %parallel_loop3A_25  : i32 {
      %parallel_loop3A_174 = arith.constant 16 : i32
      %parallel_loop3A_175 = arith.muli %parallel_loop3A_173, %parallel_loop3A_174 : i32
      %parallel_loop3A_176 = tpu.memref_slice %arg4[%parallel_loop3A_175] : memref<8192xf32, #tpu.memory_space<vmem>> -> memref<16xf32, #tpu.memory_space<vmem>>
      %parallel_loop3A_177 = tpu.vector_load_idx %parallel_loop3A_176[%add3A_11] : memref<16xf32, #tpu.memory_space<vmem>>[vector<16xi32>], vector<16xf32>,
      %parallel_loop3A_178 = tpu.memref_slice %arg4[%parallel_loop3A_175] : memref<8192xf32, #tpu.memory_space<vmem>> -> memref<16xf32, #tpu.memory_space<vmem>>
      %parallel_loop3A_179 = tpu.vector_load_idx %parallel_loop3A_178[%add3A_14] : memref<16xf32, #tpu.memory_space<vmem>>[vector<16xi32>], vector<16xf32>,
      %parallel_loop3A_180 = arith.minimumf %parallel_loop3A_179, %parallel_loop3A_177 : vector<16xf32>
      %parallel_loop3A_181 = arith.constant 64 : i32
      %parallel_loop3A_182 = arith.muli %parallel_loop3A_173, %parallel_loop3A_181 : i32
      %parallel_loop3A_183 = arith.constant 0 : i32
      %parallel_loop3A_184 = arith.addi %parallel_loop3A_182, %parallel_loop3A_183 : i32
      %parallel_loop3A_185 = arith.index_cast %parallel_loop3A_184 : i32 to index
      %parallel_loop3A_186 = tpu.vector_load %arg5[%parallel_loop3A_185] {strides = array<i32>} : memref<32768xf32, #tpu.memory_space<vmem>>, vector<16xf32>,
      tpu.vector_store %arg5[%parallel_loop3A_185], %parallel_loop3A_180 {strides = array<i32>} : memref<32768xf32, #tpu.memory_space<vmem>>, vector<16xf32>,
      %parallel_loop3A_187 = tpu.memref_slice %arg4[%parallel_loop3A_175] : memref<8192xf32, #tpu.memory_space<vmem>> -> memref<16xf32, #tpu.memory_space<vmem>>
      %parallel_loop3A_188 = tpu.vector_load_idx %parallel_loop3A_187[%add3A_17] : memref<16xf32, #tpu.memory_space<vmem>>[vector<16xi32>], vector<16xf32>,
      %parallel_loop3A_189 = arith.minimumf %parallel_loop3A_188, %parallel_loop3A_177 : vector<16xf32>
      %parallel_loop3A_190 = arith.constant 64 : i32
      %parallel_loop3A_191 = arith.muli %parallel_loop3A_173, %parallel_loop3A_190 : i32
      %parallel_loop3A_192 = arith.constant 16 : i32
      %parallel_loop3A_193 = arith.addi %parallel_loop3A_191, %parallel_loop3A_192 : i32
      %parallel_loop3A_194 = arith.index_cast %parallel_loop3A_193 : i32 to index
      %parallel_loop3A_195 = tpu.vector_load %arg5[%parallel_loop3A_194] {strides = array<i32>} : memref<32768xf32, #tpu.memory_space<vmem>>, vector<16xf32>,
      tpu.vector_store %arg5[%parallel_loop3A_194], %parallel_loop3A_189 {strides = array<i32>} : memref<32768xf32, #tpu.memory_space<vmem>>, vector<16xf32>,
      %parallel_loop3A_196 = tpu.memref_slice %arg4[%parallel_loop3A_175] : memref<8192xf32, #tpu.memory_space<vmem>> -> memref<16xf32, #tpu.memory_space<vmem>>
      %parallel_loop3A_197 = tpu.vector_load_idx %parallel_loop3A_196[%add3A_20] : memref<16xf32, #tpu.memory_space<vmem>>[vector<16xi32>], vector<16xf32>,
      %parallel_loop3A_198 = arith.minimumf %parallel_loop3A_197, %parallel_loop3A_177 : vector<16xf32>
      %parallel_loop3A_199 = arith.constant 64 : i32
      %parallel_loop3A_200 = arith.muli %parallel_loop3A_173, %parallel_loop3A_199 : i32
      %parallel_loop3A_201 = arith.constant 32 : i32
      %parallel_loop3A_202 = arith.addi %parallel_loop3A_200, %parallel_loop3A_201 : i32
      %parallel_loop3A_203 = arith.index_cast %parallel_loop3A_202 : i32 to index
      %parallel_loop3A_204 = tpu.vector_load %arg5[%parallel_loop3A_203] {strides = array<i32>} : memref<32768xf32, #tpu.memory_space<vmem>>, vector<16xf32>,
      tpu.vector_store %arg5[%parallel_loop3A_203], %parallel_loop3A_198 {strides = array<i32>} : memref<32768xf32, #tpu.memory_space<vmem>>, vector<16xf32>,
      %parallel_loop3A_205 = tpu.memref_slice %arg4[%parallel_loop3A_175] : memref<8192xf32, #tpu.memory_space<vmem>> -> memref<16xf32, #tpu.memory_space<vmem>>
      %parallel_loop3A_206 = tpu.vector_load_idx %parallel_loop3A_205[%add3A_23] : memref<16xf32, #tpu.memory_space<vmem>>[vector<16xi32>], vector<16xf32>,
      %parallel_loop3A_207 = arith.minimumf %parallel_loop3A_206, %parallel_loop3A_177 : vector<16xf32>
      %parallel_loop3A_208 = arith.constant 64 : i32
      %parallel_loop3A_209 = arith.muli %parallel_loop3A_173, %parallel_loop3A_208 : i32
      %parallel_loop3A_210 = arith.constant 48 : i32
      %parallel_loop3A_211 = arith.addi %parallel_loop3A_209, %parallel_loop3A_210 : i32
      %parallel_loop3A_212 = arith.index_cast %parallel_loop3A_211 : i32 to index
      %parallel_loop3A_213 = tpu.vector_load %arg5[%parallel_loop3A_212] {strides = array<i32>} : memref<32768xf32, #tpu.memory_space<vmem>>, vector<16xf32>,
      tpu.vector_store %arg5[%parallel_loop3A_212], %parallel_loop3A_207 {strides = array<i32>} : memref<32768xf32, #tpu.memory_space<vmem>>, vector<16xf32>,
    } {sc.loop_unroll_factor = 8 : i64, sc.parallel_access}
    %mul3A_26 = arith.constant 64 : i32
    %mul3A_27 = arith.muli %mul3A_2, %mul3A_26 : i32
    %add3A_28 = arith.constant 0 : i32
    %add3A_29 = arith.addi %mul3A_27, %add3A_28 : i32
    %dma_start3A = arith.constant 0 : i32
    %dma_start3A_30 = tpu.memref_slice %arg5[%dma_start3A] : memref<32768xf32, #tpu.memory_space<vmem>> -> memref<4096xf32, #tpu.memory_space<vmem>>
    %dma_start3A_31 = tpu.memref_slice %arg3[%add3A_29] : memref<1048576xf32, #tpu.memory_space<hbm>> -> memref<4096xf32, #tpu.memory_space<hbm>>
    %dma_start3A_32 = tpu.memref_slice %arg3[%add3A_29] : memref<1048576xf32, #tpu.memory_space<hbm>> -> memref<4096xf32, #tpu.memory_space<hbm>>
    %dma_start3A_33 = arith.constant 0 : i32
    %dma_start3A_34 = tpu.memref_slice %arg5[%dma_start3A_33] : memref<32768xf32, #tpu.memory_space<vmem>> -> memref<4096xf32, #tpu.memory_space<vmem>>
    tpu.enqueue_dma source(%dma_start3A_34 : memref<4096xf32, #tpu.memory_space<vmem>>) target(%dma_start3A_32 : memref<4096xf32, #tpu.memory_space<hbm>>) target_semaphore(%arg6 : memref<!tpu.dma_semaphore, #tpu.memory_space<semaphore_mem>>)
    %parallel_loop3A_35 = arith.constant 64 : i32
    %parallel_loop3A_36 = arith.constant 128 : i32
    %parallel_loop3A_37 = arith.constant 1 : i32
    scf.for %parallel_loop3A_173 = %parallel_loop3A_35 to %parallel_loop3A_36 step %parallel_loop3A_37  : i32 {
      %parallel_loop3A_174 = arith.constant 16 : i32
      %parallel_loop3A_175 = arith.muli %parallel_loop3A_173, %parallel_loop3A_174 : i32
      %parallel_loop3A_176 = tpu.memref_slice %arg4[%parallel_loop3A_175] : memref<8192xf32, #tpu.memory_space<vmem>> -> memref<16xf32, #tpu.memory_space<vmem>>
      %parallel_loop3A_177 = tpu.vector_load_idx %parallel_loop3A_176[%add3A_11] : memref<16xf32, #tpu.memory_space<vmem>>[vector<16xi32>], vector<16xf32>,
      %parallel_loop3A_178 = tpu.memref_slice %arg4[%parallel_loop3A_175] : memref<8192xf32, #tpu.memory_space<vmem>> -> memref<16xf32, #tpu.memory_space<vmem>>
      %parallel_loop3A_179 = tpu.vector_load_idx %parallel_loop3A_178[%add3A_14] : memref<16xf32, #tpu.memory_space<vmem>>[vector<16xi32>], vector<16xf32>,
      %parallel_loop3A_180 = arith.minimumf %parallel_loop3A_179, %parallel_loop3A_177 : vector<16xf32>
      %parallel_loop3A_181 = arith.constant 64 : i32
      %parallel_loop3A_182 = arith.muli %parallel_loop3A_173, %parallel_loop3A_181 : i32
      %parallel_loop3A_183 = arith.constant 0 : i32
      %parallel_loop3A_184 = arith.addi %parallel_loop3A_182, %parallel_loop3A_183 : i32
      %parallel_loop3A_185 = arith.index_cast %parallel_loop3A_184 : i32 to index
      %parallel_loop3A_186 = tpu.vector_load %arg5[%parallel_loop3A_185] {strides = array<i32>} : memref<32768xf32, #tpu.memory_space<vmem>>, vector<16xf32>,
      tpu.vector_store %arg5[%parallel_loop3A_185], %parallel_loop3A_180 {strides = array<i32>} : memref<32768xf32, #tpu.memory_space<vmem>>, vector<16xf32>,
      %parallel_loop3A_187 = tpu.memref_slice %arg4[%parallel_loop3A_175] : memref<8192xf32, #tpu.memory_space<vmem>> -> memref<16xf32, #tpu.memory_space<vmem>>
      %parallel_loop3A_188 = tpu.vector_load_idx %parallel_loop3A_187[%add3A_17] : memref<16xf32, #tpu.memory_space<vmem>>[vector<16xi32>], vector<16xf32>,
      %parallel_loop3A_189 = arith.minimumf %parallel_loop3A_188, %parallel_loop3A_177 : vector<16xf32>
      %parallel_loop3A_190 = arith.constant 64 : i32
      %parallel_loop3A_191 = arith.muli %parallel_loop3A_173, %parallel_loop3A_190 : i32
      %parallel_loop3A_192 = arith.constant 16 : i32
      %parallel_loop3A_193 = arith.addi %parallel_loop3A_191, %parallel_loop3A_192 : i32
      %parallel_loop3A_194 = arith.index_cast %parallel_loop3A_193 : i32 to index
      %parallel_loop3A_195 = tpu.vector_load %arg5[%parallel_loop3A_194] {strides = array<i32>} : memref<32768xf32, #tpu.memory_space<vmem>>, vector<16xf32>,
      tpu.vector_store %arg5[%parallel_loop3A_194], %parallel_loop3A_189 {strides = array<i32>} : memref<32768xf32, #tpu.memory_space<vmem>>, vector<16xf32>,
      %parallel_loop3A_196 = tpu.memref_slice %arg4[%parallel_loop3A_175] : memref<8192xf32, #tpu.memory_space<vmem>> -> memref<16xf32, #tpu.memory_space<vmem>>
      %parallel_loop3A_197 = tpu.vector_load_idx %parallel_loop3A_196[%add3A_20] : memref<16xf32, #tpu.memory_space<vmem>>[vector<16xi32>], vector<16xf32>,
      %parallel_loop3A_198 = arith.minimumf %parallel_loop3A_197, %parallel_loop3A_177 : vector<16xf32>
      %parallel_loop3A_199 = arith.constant 64 : i32
      %parallel_loop3A_200 = arith.muli %parallel_loop3A_173, %parallel_loop3A_199 : i32
      %parallel_loop3A_201 = arith.constant 32 : i32
      %parallel_loop3A_202 = arith.addi %parallel_loop3A_200, %parallel_loop3A_201 : i32
      %parallel_loop3A_203 = arith.index_cast %parallel_loop3A_202 : i32 to index
      %parallel_loop3A_204 = tpu.vector_load %arg5[%parallel_loop3A_203] {strides = array<i32>} : memref<32768xf32, #tpu.memory_space<vmem>>, vector<16xf32>,
      tpu.vector_store %arg5[%parallel_loop3A_203], %parallel_loop3A_198 {strides = array<i32>} : memref<32768xf32, #tpu.memory_space<vmem>>, vector<16xf32>,
      %parallel_loop3A_205 = tpu.memref_slice %arg4[%parallel_loop3A_175] : memref<8192xf32, #tpu.memory_space<vmem>> -> memref<16xf32, #tpu.memory_space<vmem>>
      %parallel_loop3A_206 = tpu.vector_load_idx %parallel_loop3A_205[%add3A_23] : memref<16xf32, #tpu.memory_space<vmem>>[vector<16xi32>], vector<16xf32>,
      %parallel_loop3A_207 = arith.minimumf %parallel_loop3A_206, %parallel_loop3A_177 : vector<16xf32>
      %parallel_loop3A_208 = arith.constant 64 : i32
      %parallel_loop3A_209 = arith.muli %parallel_loop3A_173, %parallel_loop3A_208 : i32
      %parallel_loop3A_210 = arith.constant 48 : i32
      %parallel_loop3A_211 = arith.addi %parallel_loop3A_209, %parallel_loop3A_210 : i32
      %parallel_loop3A_212 = arith.index_cast %parallel_loop3A_211 : i32 to index
      %parallel_loop3A_213 = tpu.vector_load %arg5[%parallel_loop3A_212] {strides = array<i32>} : memref<32768xf32, #tpu.memory_space<vmem>>, vector<16xf32>,
      tpu.vector_store %arg5[%parallel_loop3A_212], %parallel_loop3A_207 {strides = array<i32>} : memref<32768xf32, #tpu.memory_space<vmem>>, vector<16xf32>,
    } {sc.loop_unroll_factor = 8 : i64, sc.parallel_access}
    %mul3A_38 = arith.constant 64 : i32
    %mul3A_39 = arith.muli %mul3A_2, %mul3A_38 : i32
    %add3A_40 = arith.constant 4096 : i32
    %add3A_41 = arith.addi %mul3A_39, %add3A_40 : i32
    %dma_start3A_42 = arith.constant 4096 : i32
    %dma_start3A_43 = tpu.memref_slice %arg5[%dma_start3A_42] : memref<32768xf32, #tpu.memory_space<vmem>> -> memref<4096xf32, #tpu.memory_space<vmem>>
    %dma_start3A_44 = tpu.memref_slice %arg3[%add3A_41] : memref<1048576xf32, #tpu.memory_space<hbm>> -> memref<4096xf32, #tpu.memory_space<hbm>>
    %dma_start3A_45 = tpu.memref_slice %arg3[%add3A_41] : memref<1048576xf32, #tpu.memory_space<hbm>> -> memref<4096xf32, #tpu.memory_space<hbm>>
    %dma_start3A_46 = arith.constant 4096 : i32
    %dma_start3A_47 = tpu.memref_slice %arg5[%dma_start3A_46] : memref<32768xf32, #tpu.memory_space<vmem>> -> memref<4096xf32, #tpu.memory_space<vmem>>
    tpu.enqueue_dma source(%dma_start3A_47 : memref<4096xf32, #tpu.memory_space<vmem>>) target(%dma_start3A_45 : memref<4096xf32, #tpu.memory_space<hbm>>) target_semaphore(%arg6 : memref<!tpu.dma_semaphore, #tpu.memory_space<semaphore_mem>>)
    %parallel_loop3A_48 = arith.constant 128 : i32
    %parallel_loop3A_49 = arith.constant 192 : i32
    %parallel_loop3A_50 = arith.constant 1 : i32
    scf.for %parallel_loop3A_173 = %parallel_loop3A_48 to %parallel_loop3A_49 step %parallel_loop3A_50  : i32 {
      %parallel_loop3A_174 = arith.constant 16 : i32
      %parallel_loop3A_175 = arith.muli %parallel_loop3A_173, %parallel_loop3A_174 : i32
      %parallel_loop3A_176 = tpu.memref_slice %arg4[%parallel_loop3A_175] : memref<8192xf32, #tpu.memory_space<vmem>> -> memref<16xf32, #tpu.memory_space<vmem>>
      %parallel_loop3A_177 = tpu.vector_load_idx %parallel_loop3A_176[%add3A_11] : memref<16xf32, #tpu.memory_space<vmem>>[vector<16xi32>], vector<16xf32>,
      %parallel_loop3A_178 = tpu.memref_slice %arg4[%parallel_loop3A_175] : memref<8192xf32, #tpu.memory_space<vmem>> -> memref<16xf32, #tpu.memory_space<vmem>>
      %parallel_loop3A_179 = tpu.vector_load_idx %parallel_loop3A_178[%add3A_14] : memref<16xf32, #tpu.memory_space<vmem>>[vector<16xi32>], vector<16xf32>,
      %parallel_loop3A_180 = arith.minimumf %parallel_loop3A_179, %parallel_loop3A_177 : vector<16xf32>
      %parallel_loop3A_181 = arith.constant 64 : i32
      %parallel_loop3A_182 = arith.muli %parallel_loop3A_173, %parallel_loop3A_181 : i32
      %parallel_loop3A_183 = arith.constant 0 : i32
      %parallel_loop3A_184 = arith.addi %parallel_loop3A_182, %parallel_loop3A_183 : i32
      %parallel_loop3A_185 = arith.index_cast %parallel_loop3A_184 : i32 to index
      %parallel_loop3A_186 = tpu.vector_load %arg5[%parallel_loop3A_185] {strides = array<i32>} : memref<32768xf32, #tpu.memory_space<vmem>>, vector<16xf32>,
      tpu.vector_store %arg5[%parallel_loop3A_185], %parallel_loop3A_180 {strides = array<i32>} : memref<32768xf32, #tpu.memory_space<vmem>>, vector<16xf32>,
      %parallel_loop3A_187 = tpu.memref_slice %arg4[%parallel_loop3A_175] : memref<8192xf32, #tpu.memory_space<vmem>> -> memref<16xf32, #tpu.memory_space<vmem>>
      %parallel_loop3A_188 = tpu.vector_load_idx %parallel_loop3A_187[%add3A_17] : memref<16xf32, #tpu.memory_space<vmem>>[vector<16xi32>], vector<16xf32>,
      %parallel_loop3A_189 = arith.minimumf %parallel_loop3A_188, %parallel_loop3A_177 : vector<16xf32>
      %parallel_loop3A_190 = arith.constant 64 : i32
      %parallel_loop3A_191 = arith.muli %parallel_loop3A_173, %parallel_loop3A_190 : i32
      %parallel_loop3A_192 = arith.constant 16 : i32
      %parallel_loop3A_193 = arith.addi %parallel_loop3A_191, %parallel_loop3A_192 : i32
      %parallel_loop3A_194 = arith.index_cast %parallel_loop3A_193 : i32 to index
      %parallel_loop3A_195 = tpu.vector_load %arg5[%parallel_loop3A_194] {strides = array<i32>} : memref<32768xf32, #tpu.memory_space<vmem>>, vector<16xf32>,
      tpu.vector_store %arg5[%parallel_loop3A_194], %parallel_loop3A_189 {strides = array<i32>} : memref<32768xf32, #tpu.memory_space<vmem>>, vector<16xf32>,
      %parallel_loop3A_196 = tpu.memref_slice %arg4[%parallel_loop3A_175] : memref<8192xf32, #tpu.memory_space<vmem>> -> memref<16xf32, #tpu.memory_space<vmem>>
      %parallel_loop3A_197 = tpu.vector_load_idx %parallel_loop3A_196[%add3A_20] : memref<16xf32, #tpu.memory_space<vmem>>[vector<16xi32>], vector<16xf32>,
      %parallel_loop3A_198 = arith.minimumf %parallel_loop3A_197, %parallel_loop3A_177 : vector<16xf32>
      %parallel_loop3A_199 = arith.constant 64 : i32
      %parallel_loop3A_200 = arith.muli %parallel_loop3A_173, %parallel_loop3A_199 : i32
      %parallel_loop3A_201 = arith.constant 32 : i32
      %parallel_loop3A_202 = arith.addi %parallel_loop3A_200, %parallel_loop3A_201 : i32
      %parallel_loop3A_203 = arith.index_cast %parallel_loop3A_202 : i32 to index
      %parallel_loop3A_204 = tpu.vector_load %arg5[%parallel_loop3A_203] {strides = array<i32>} : memref<32768xf32, #tpu.memory_space<vmem>>, vector<16xf32>,
      tpu.vector_store %arg5[%parallel_loop3A_203], %parallel_loop3A_198 {strides = array<i32>} : memref<32768xf32, #tpu.memory_space<vmem>>, vector<16xf32>,
      %parallel_loop3A_205 = tpu.memref_slice %arg4[%parallel_loop3A_175] : memref<8192xf32, #tpu.memory_space<vmem>> -> memref<16xf32, #tpu.memory_space<vmem>>
      %parallel_loop3A_206 = tpu.vector_load_idx %parallel_loop3A_205[%add3A_23] : memref<16xf32, #tpu.memory_space<vmem>>[vector<16xi32>], vector<16xf32>,
      %parallel_loop3A_207 = arith.minimumf %parallel_loop3A_206, %parallel_loop3A_177 : vector<16xf32>
      %parallel_loop3A_208 = arith.constant 64 : i32
      %parallel_loop3A_209 = arith.muli %parallel_loop3A_173, %parallel_loop3A_208 : i32
      %parallel_loop3A_210 = arith.constant 48 : i32
      %parallel_loop3A_211 = arith.addi %parallel_loop3A_209, %parallel_loop3A_210 : i32
      %parallel_loop3A_212 = arith.index_cast %parallel_loop3A_211 : i32 to index
      %parallel_loop3A_213 = tpu.vector_load %arg5[%parallel_loop3A_212] {strides = array<i32>} : memref<32768xf32, #tpu.memory_space<vmem>>, vector<16xf32>,
      tpu.vector_store %arg5[%parallel_loop3A_212], %parallel_loop3A_207 {strides = array<i32>} : memref<32768xf32, #tpu.memory_space<vmem>>, vector<16xf32>,
    } {sc.loop_unroll_factor = 8 : i64, sc.parallel_access}
    %mul3A_51 = arith.constant 64 : i32
    %mul3A_52 = arith.muli %mul3A_2, %mul3A_51 : i32
    %add3A_53 = arith.constant 8192 : i32
    %add3A_54 = arith.addi %mul3A_52, %add3A_53 : i32
    %dma_start3A_55 = arith.constant 8192 : i32
    %dma_start3A_56 = tpu.memref_slice %arg5[%dma_start3A_55] : memref<32768xf32, #tpu.memory_space<vmem>> -> memref<4096xf32, #tpu.memory_space<vmem>>
    %dma_start3A_57 = tpu.memref_slice %arg3[%add3A_54] : memref<1048576xf32, #tpu.memory_space<hbm>> -> memref<4096xf32, #tpu.memory_space<hbm>>
    %dma_start3A_58 = tpu.memref_slice %arg3[%add3A_54] : memref<1048576xf32, #tpu.memory_space<hbm>> -> memref<4096xf32, #tpu.memory_space<hbm>>
    %dma_start3A_59 = arith.constant 8192 : i32
    %dma_start3A_60 = tpu.memref_slice %arg5[%dma_start3A_59] : memref<32768xf32, #tpu.memory_space<vmem>> -> memref<4096xf32, #tpu.memory_space<vmem>>
    tpu.enqueue_dma source(%dma_start3A_60 : memref<4096xf32, #tpu.memory_space<vmem>>) target(%dma_start3A_58 : memref<4096xf32, #tpu.memory_space<hbm>>) target_semaphore(%arg6 : memref<!tpu.dma_semaphore, #tpu.memory_space<semaphore_mem>>)
    %parallel_loop3A_61 = arith.constant 192 : i32
    %parallel_loop3A_62 = arith.constant 256 : i32
    %parallel_loop3A_63 = arith.constant 1 : i32
    scf.for %parallel_loop3A_173 = %parallel_loop3A_61 to %parallel_loop3A_62 step %parallel_loop3A_63  : i32 {
      %parallel_loop3A_174 = arith.constant 16 : i32
      %parallel_loop3A_175 = arith.muli %parallel_loop3A_173, %parallel_loop3A_174 : i32
      %parallel_loop3A_176 = tpu.memref_slice %arg4[%parallel_loop3A_175] : memref<8192xf32, #tpu.memory_space<vmem>> -> memref<16xf32, #tpu.memory_space<vmem>>
      %parallel_loop3A_177 = tpu.vector_load_idx %parallel_loop3A_176[%add3A_11] : memref<16xf32, #tpu.memory_space<vmem>>[vector<16xi32>], vector<16xf32>,
      %parallel_loop3A_178 = tpu.memref_slice %arg4[%parallel_loop3A_175] : memref<8192xf32, #tpu.memory_space<vmem>> -> memref<16xf32, #tpu.memory_space<vmem>>
      %parallel_loop3A_179 = tpu.vector_load_idx %parallel_loop3A_178[%add3A_14] : memref<16xf32, #tpu.memory_space<vmem>>[vector<16xi32>], vector<16xf32>,
      %parallel_loop3A_180 = arith.minimumf %parallel_loop3A_179, %parallel_loop3A_177 : vector<16xf32>
      %parallel_loop3A_181 = arith.constant 64 : i32
      %parallel_loop3A_182 = arith.muli %parallel_loop3A_173, %parallel_loop3A_181 : i32
      %parallel_loop3A_183 = arith.constant 0 : i32
      %parallel_loop3A_184 = arith.addi %parallel_loop3A_182, %parallel_loop3A_183 : i32
      %parallel_loop3A_185 = arith.index_cast %parallel_loop3A_184 : i32 to index
      %parallel_loop3A_186 = tpu.vector_load %arg5[%parallel_loop3A_185] {strides = array<i32>} : memref<32768xf32, #tpu.memory_space<vmem>>, vector<16xf32>,
      tpu.vector_store %arg5[%parallel_loop3A_185], %parallel_loop3A_180 {strides = array<i32>} : memref<32768xf32, #tpu.memory_space<vmem>>, vector<16xf32>,
      %parallel_loop3A_187 = tpu.memref_slice %arg4[%parallel_loop3A_175] : memref<8192xf32, #tpu.memory_space<vmem>> -> memref<16xf32, #tpu.memory_space<vmem>>
      %parallel_loop3A_188 = tpu.vector_load_idx %parallel_loop3A_187[%add3A_17] : memref<16xf32, #tpu.memory_space<vmem>>[vector<16xi32>], vector<16xf32>,
      %parallel_loop3A_189 = arith.minimumf %parallel_loop3A_188, %parallel_loop3A_177 : vector<16xf32>
      %parallel_loop3A_190 = arith.constant 64 : i32
      %parallel_loop3A_191 = arith.muli %parallel_loop3A_173, %parallel_loop3A_190 : i32
      %parallel_loop3A_192 = arith.constant 16 : i32
      %parallel_loop3A_193 = arith.addi %parallel_loop3A_191, %parallel_loop3A_192 : i32
      %parallel_loop3A_194 = arith.index_cast %parallel_loop3A_193 : i32 to index
      %parallel_loop3A_195 = tpu.vector_load %arg5[%parallel_loop3A_194] {strides = array<i32>} : memref<32768xf32, #tpu.memory_space<vmem>>, vector<16xf32>,
      tpu.vector_store %arg5[%parallel_loop3A_194], %parallel_loop3A_189 {strides = array<i32>} : memref<32768xf32, #tpu.memory_space<vmem>>, vector<16xf32>,
      %parallel_loop3A_196 = tpu.memref_slice %arg4[%parallel_loop3A_175] : memref<8192xf32, #tpu.memory_space<vmem>> -> memref<16xf32, #tpu.memory_space<vmem>>
      %parallel_loop3A_197 = tpu.vector_load_idx %parallel_loop3A_196[%add3A_20] : memref<16xf32, #tpu.memory_space<vmem>>[vector<16xi32>], vector<16xf32>,
      %parallel_loop3A_198 = arith.minimumf %parallel_loop3A_197, %parallel_loop3A_177 : vector<16xf32>
      %parallel_loop3A_199 = arith.constant 64 : i32
      %parallel_loop3A_200 = arith.muli %parallel_loop3A_173, %parallel_loop3A_199 : i32
      %parallel_loop3A_201 = arith.constant 32 : i32
      %parallel_loop3A_202 = arith.addi %parallel_loop3A_200, %parallel_loop3A_201 : i32
      %parallel_loop3A_203 = arith.index_cast %parallel_loop3A_202 : i32 to index
      %parallel_loop3A_204 = tpu.vector_load %arg5[%parallel_loop3A_203] {strides = array<i32>} : memref<32768xf32, #tpu.memory_space<vmem>>, vector<16xf32>,
      tpu.vector_store %arg5[%parallel_loop3A_203], %parallel_loop3A_198 {strides = array<i32>} : memref<32768xf32, #tpu.memory_space<vmem>>, vector<16xf32>,
      %parallel_loop3A_205 = tpu.memref_slice %arg4[%parallel_loop3A_175] : memref<8192xf32, #tpu.memory_space<vmem>> -> memref<16xf32, #tpu.memory_space<vmem>>
      %parallel_loop3A_206 = tpu.vector_load_idx %parallel_loop3A_205[%add3A_23] : memref<16xf32, #tpu.memory_space<vmem>>[vector<16xi32>], vector<16xf32>,
      %parallel_loop3A_207 = arith.minimumf %parallel_loop3A_206, %parallel_loop3A_177 : vector<16xf32>
      %parallel_loop3A_208 = arith.constant 64 : i32
      %parallel_loop3A_209 = arith.muli %parallel_loop3A_173, %parallel_loop3A_208 : i32
      %parallel_loop3A_210 = arith.constant 48 : i32
      %parallel_loop3A_211 = arith.addi %parallel_loop3A_209, %parallel_loop3A_210 : i32
      %parallel_loop3A_212 = arith.index_cast %parallel_loop3A_211 : i32 to index
      %parallel_loop3A_213 = tpu.vector_load %arg5[%parallel_loop3A_212] {strides = array<i32>} : memref<32768xf32, #tpu.memory_space<vmem>>, vector<16xf32>,
      tpu.vector_store %arg5[%parallel_loop3A_212], %parallel_loop3A_207 {strides = array<i32>} : memref<32768xf32, #tpu.memory_space<vmem>>, vector<16xf32>,
    } {sc.loop_unroll_factor = 8 : i64, sc.parallel_access}
    %mul3A_64 = arith.constant 64 : i32
    %mul3A_65 = arith.muli %mul3A_2, %mul3A_64 : i32
    %add3A_66 = arith.constant 12288 : i32
    %add3A_67 = arith.addi %mul3A_65, %add3A_66 : i32
    %dma_start3A_68 = arith.constant 12288 : i32
    %dma_start3A_69 = tpu.memref_slice %arg5[%dma_start3A_68] : memref<32768xf32, #tpu.memory_space<vmem>> -> memref<4096xf32, #tpu.memory_space<vmem>>
    %dma_start3A_70 = tpu.memref_slice %arg3[%add3A_67] : memref<1048576xf32, #tpu.memory_space<hbm>> -> memref<4096xf32, #tpu.memory_space<hbm>>
    %dma_start3A_71 = tpu.memref_slice %arg3[%add3A_67] : memref<1048576xf32, #tpu.memory_space<hbm>> -> memref<4096xf32, #tpu.memory_space<hbm>>
    %dma_start3A_72 = arith.constant 12288 : i32
    %dma_start3A_73 = tpu.memref_slice %arg5[%dma_start3A_72] : memref<32768xf32, #tpu.memory_space<vmem>> -> memref<4096xf32, #tpu.memory_space<vmem>>
    tpu.enqueue_dma source(%dma_start3A_73 : memref<4096xf32, #tpu.memory_space<vmem>>) target(%dma_start3A_71 : memref<4096xf32, #tpu.memory_space<hbm>>) target_semaphore(%arg6 : memref<!tpu.dma_semaphore, #tpu.memory_space<semaphore_mem>>)
    %parallel_loop3A_74 = arith.constant 256 : i32
    %parallel_loop3A_75 = arith.constant 320 : i32
    %parallel_loop3A_76 = arith.constant 1 : i32
    scf.for %parallel_loop3A_173 = %parallel_loop3A_74 to %parallel_loop3A_75 step %parallel_loop3A_76  : i32 {
      %parallel_loop3A_174 = arith.constant 16 : i32
      %parallel_loop3A_175 = arith.muli %parallel_loop3A_173, %parallel_loop3A_174 : i32
      %parallel_loop3A_176 = tpu.memref_slice %arg4[%parallel_loop3A_175] : memref<8192xf32, #tpu.memory_space<vmem>> -> memref<16xf32, #tpu.memory_space<vmem>>
      %parallel_loop3A_177 = tpu.vector_load_idx %parallel_loop3A_176[%add3A_11] : memref<16xf32, #tpu.memory_space<vmem>>[vector<16xi32>], vector<16xf32>,
      %parallel_loop3A_178 = tpu.memref_slice %arg4[%parallel_loop3A_175] : memref<8192xf32, #tpu.memory_space<vmem>> -> memref<16xf32, #tpu.memory_space<vmem>>
      %parallel_loop3A_179 = tpu.vector_load_idx %parallel_loop3A_178[%add3A_14] : memref<16xf32, #tpu.memory_space<vmem>>[vector<16xi32>], vector<16xf32>,
      %parallel_loop3A_180 = arith.minimumf %parallel_loop3A_179, %parallel_loop3A_177 : vector<16xf32>
      %parallel_loop3A_181 = arith.constant 64 : i32
      %parallel_loop3A_182 = arith.muli %parallel_loop3A_173, %parallel_loop3A_181 : i32
      %parallel_loop3A_183 = arith.constant 0 : i32
      %parallel_loop3A_184 = arith.addi %parallel_loop3A_182, %parallel_loop3A_183 : i32
      %parallel_loop3A_185 = arith.index_cast %parallel_loop3A_184 : i32 to index
      %parallel_loop3A_186 = tpu.vector_load %arg5[%parallel_loop3A_185] {strides = array<i32>} : memref<32768xf32, #tpu.memory_space<vmem>>, vector<16xf32>,
      tpu.vector_store %arg5[%parallel_loop3A_185], %parallel_loop3A_180 {strides = array<i32>} : memref<32768xf32, #tpu.memory_space<vmem>>, vector<16xf32>,
      %parallel_loop3A_187 = tpu.memref_slice %arg4[%parallel_loop3A_175] : memref<8192xf32, #tpu.memory_space<vmem>> -> memref<16xf32, #tpu.memory_space<vmem>>
      %parallel_loop3A_188 = tpu.vector_load_idx %parallel_loop3A_187[%add3A_17] : memref<16xf32, #tpu.memory_space<vmem>>[vector<16xi32>], vector<16xf32>,
      %parallel_loop3A_189 = arith.minimumf %parallel_loop3A_188, %parallel_loop3A_177 : vector<16xf32>
      %parallel_loop3A_190 = arith.constant 64 : i32
      %parallel_loop3A_191 = arith.muli %parallel_loop3A_173, %parallel_loop3A_190 : i32
      %parallel_loop3A_192 = arith.constant 16 : i32
      %parallel_loop3A_193 = arith.addi %parallel_loop3A_191, %parallel_loop3A_192 : i32
      %parallel_loop3A_194 = arith.index_cast %parallel_loop3A_193 : i32 to index
      %parallel_loop3A_195 = tpu.vector_load %arg5[%parallel_loop3A_194] {strides = array<i32>} : memref<32768xf32, #tpu.memory_space<vmem>>, vector<16xf32>,
      tpu.vector_store %arg5[%parallel_loop3A_194], %parallel_loop3A_189 {strides = array<i32>} : memref<32768xf32, #tpu.memory_space<vmem>>, vector<16xf32>,
      %parallel_loop3A_196 = tpu.memref_slice %arg4[%parallel_loop3A_175] : memref<8192xf32, #tpu.memory_space<vmem>> -> memref<16xf32, #tpu.memory_space<vmem>>
      %parallel_loop3A_197 = tpu.vector_load_idx %parallel_loop3A_196[%add3A_20] : memref<16xf32, #tpu.memory_space<vmem>>[vector<16xi32>], vector<16xf32>,
      %parallel_loop3A_198 = arith.minimumf %parallel_loop3A_197, %parallel_loop3A_177 : vector<16xf32>
      %parallel_loop3A_199 = arith.constant 64 : i32
      %parallel_loop3A_200 = arith.muli %parallel_loop3A_173, %parallel_loop3A_199 : i32
      %parallel_loop3A_201 = arith.constant 32 : i32
      %parallel_loop3A_202 = arith.addi %parallel_loop3A_200, %parallel_loop3A_201 : i32
      %parallel_loop3A_203 = arith.index_cast %parallel_loop3A_202 : i32 to index
      %parallel_loop3A_204 = tpu.vector_load %arg5[%parallel_loop3A_203] {strides = array<i32>} : memref<32768xf32, #tpu.memory_space<vmem>>, vector<16xf32>,
      tpu.vector_store %arg5[%parallel_loop3A_203], %parallel_loop3A_198 {strides = array<i32>} : memref<32768xf32, #tpu.memory_space<vmem>>, vector<16xf32>,
      %parallel_loop3A_205 = tpu.memref_slice %arg4[%parallel_loop3A_175] : memref<8192xf32, #tpu.memory_space<vmem>> -> memref<16xf32, #tpu.memory_space<vmem>>
      %parallel_loop3A_206 = tpu.vector_load_idx %parallel_loop3A_205[%add3A_23] : memref<16xf32, #tpu.memory_space<vmem>>[vector<16xi32>], vector<16xf32>,
      %parallel_loop3A_207 = arith.minimumf %parallel_loop3A_206, %parallel_loop3A_177 : vector<16xf32>
      %parallel_loop3A_208 = arith.constant 64 : i32
      %parallel_loop3A_209 = arith.muli %parallel_loop3A_173, %parallel_loop3A_208 : i32
      %parallel_loop3A_210 = arith.constant 48 : i32
      %parallel_loop3A_211 = arith.addi %parallel_loop3A_209, %parallel_loop3A_210 : i32
      %parallel_loop3A_212 = arith.index_cast %parallel_loop3A_211 : i32 to index
      %parallel_loop3A_213 = tpu.vector_load %arg5[%parallel_loop3A_212] {strides = array<i32>} : memref<32768xf32, #tpu.memory_space<vmem>>, vector<16xf32>,
      tpu.vector_store %arg5[%parallel_loop3A_212], %parallel_loop3A_207 {strides = array<i32>} : memref<32768xf32, #tpu.memory_space<vmem>>, vector<16xf32>,
    } {sc.loop_unroll_factor = 8 : i64, sc.parallel_access}
    %mul3A_77 = arith.constant 64 : i32
    %mul3A_78 = arith.muli %mul3A_2, %mul3A_77 : i32
    %add3A_79 = arith.constant 16384 : i32
    %add3A_80 = arith.addi %mul3A_78, %add3A_79 : i32
    %dma_start3A_81 = arith.constant 16384 : i32
    %dma_start3A_82 = tpu.memref_slice %arg5[%dma_start3A_81] : memref<32768xf32, #tpu.memory_space<vmem>> -> memref<4096xf32, #tpu.memory_space<vmem>>
    %dma_start3A_83 = tpu.memref_slice %arg3[%add3A_80] : memref<1048576xf32, #tpu.memory_space<hbm>> -> memref<4096xf32, #tpu.memory_space<hbm>>
    %dma_start3A_84 = tpu.memref_slice %arg3[%add3A_80] : memref<1048576xf32, #tpu.memory_space<hbm>> -> memref<4096xf32, #tpu.memory_space<hbm>>
    %dma_start3A_85 = arith.constant 16384 : i32
    %dma_start3A_86 = tpu.memref_slice %arg5[%dma_start3A_85] : memref<32768xf32, #tpu.memory_space<vmem>> -> memref<4096xf32, #tpu.memory_space<vmem>>
    tpu.enqueue_dma source(%dma_start3A_86 : memref<4096xf32, #tpu.memory_space<vmem>>) target(%dma_start3A_84 : memref<4096xf32, #tpu.memory_space<hbm>>) target_semaphore(%arg6 : memref<!tpu.dma_semaphore, #tpu.memory_space<semaphore_mem>>)
    %parallel_loop3A_87 = arith.constant 320 : i32
    %parallel_loop3A_88 = arith.constant 384 : i32
    %parallel_loop3A_89 = arith.constant 1 : i32
    scf.for %parallel_loop3A_173 = %parallel_loop3A_87 to %parallel_loop3A_88 step %parallel_loop3A_89  : i32 {
      %parallel_loop3A_174 = arith.constant 16 : i32
      %parallel_loop3A_175 = arith.muli %parallel_loop3A_173, %parallel_loop3A_174 : i32
      %parallel_loop3A_176 = tpu.memref_slice %arg4[%parallel_loop3A_175] : memref<8192xf32, #tpu.memory_space<vmem>> -> memref<16xf32, #tpu.memory_space<vmem>>
      %parallel_loop3A_177 = tpu.vector_load_idx %parallel_loop3A_176[%add3A_11] : memref<16xf32, #tpu.memory_space<vmem>>[vector<16xi32>], vector<16xf32>,
      %parallel_loop3A_178 = tpu.memref_slice %arg4[%parallel_loop3A_175] : memref<8192xf32, #tpu.memory_space<vmem>> -> memref<16xf32, #tpu.memory_space<vmem>>
      %parallel_loop3A_179 = tpu.vector_load_idx %parallel_loop3A_178[%add3A_14] : memref<16xf32, #tpu.memory_space<vmem>>[vector<16xi32>], vector<16xf32>,
      %parallel_loop3A_180 = arith.minimumf %parallel_loop3A_179, %parallel_loop3A_177 : vector<16xf32>
      %parallel_loop3A_181 = arith.constant 64 : i32
      %parallel_loop3A_182 = arith.muli %parallel_loop3A_173, %parallel_loop3A_181 : i32
      %parallel_loop3A_183 = arith.constant 0 : i32
      %parallel_loop3A_184 = arith.addi %parallel_loop3A_182, %parallel_loop3A_183 : i32
      %parallel_loop3A_185 = arith.index_cast %parallel_loop3A_184 : i32 to index
      %parallel_loop3A_186 = tpu.vector_load %arg5[%parallel_loop3A_185] {strides = array<i32>} : memref<32768xf32, #tpu.memory_space<vmem>>, vector<16xf32>,
      tpu.vector_store %arg5[%parallel_loop3A_185], %parallel_loop3A_180 {strides = array<i32>} : memref<32768xf32, #tpu.memory_space<vmem>>, vector<16xf32>,
      %parallel_loop3A_187 = tpu.memref_slice %arg4[%parallel_loop3A_175] : memref<8192xf32, #tpu.memory_space<vmem>> -> memref<16xf32, #tpu.memory_space<vmem>>
      %parallel_loop3A_188 = tpu.vector_load_idx %parallel_loop3A_187[%add3A_17] : memref<16xf32, #tpu.memory_space<vmem>>[vector<16xi32>], vector<16xf32>,
      %parallel_loop3A_189 = arith.minimumf %parallel_loop3A_188, %parallel_loop3A_177 : vector<16xf32>
      %parallel_loop3A_190 = arith.constant 64 : i32
      %parallel_loop3A_191 = arith.muli %parallel_loop3A_173, %parallel_loop3A_190 : i32
      %parallel_loop3A_192 = arith.constant 16 : i32
      %parallel_loop3A_193 = arith.addi %parallel_loop3A_191, %parallel_loop3A_192 : i32
      %parallel_loop3A_194 = arith.index_cast %parallel_loop3A_193 : i32 to index
      %parallel_loop3A_195 = tpu.vector_load %arg5[%parallel_loop3A_194] {strides = array<i32>} : memref<32768xf32, #tpu.memory_space<vmem>>, vector<16xf32>,
      tpu.vector_store %arg5[%parallel_loop3A_194], %parallel_loop3A_189 {strides = array<i32>} : memref<32768xf32, #tpu.memory_space<vmem>>, vector<16xf32>,
      %parallel_loop3A_196 = tpu.memref_slice %arg4[%parallel_loop3A_175] : memref<8192xf32, #tpu.memory_space<vmem>> -> memref<16xf32, #tpu.memory_space<vmem>>
      %parallel_loop3A_197 = tpu.vector_load_idx %parallel_loop3A_196[%add3A_20] : memref<16xf32, #tpu.memory_space<vmem>>[vector<16xi32>], vector<16xf32>,
      %parallel_loop3A_198 = arith.minimumf %parallel_loop3A_197, %parallel_loop3A_177 : vector<16xf32>
      %parallel_loop3A_199 = arith.constant 64 : i32
      %parallel_loop3A_200 = arith.muli %parallel_loop3A_173, %parallel_loop3A_199 : i32
      %parallel_loop3A_201 = arith.constant 32 : i32
      %parallel_loop3A_202 = arith.addi %parallel_loop3A_200, %parallel_loop3A_201 : i32
      %parallel_loop3A_203 = arith.index_cast %parallel_loop3A_202 : i32 to index
      %parallel_loop3A_204 = tpu.vector_load %arg5[%parallel_loop3A_203] {strides = array<i32>} : memref<32768xf32, #tpu.memory_space<vmem>>, vector<16xf32>,
      tpu.vector_store %arg5[%parallel_loop3A_203], %parallel_loop3A_198 {strides = array<i32>} : memref<32768xf32, #tpu.memory_space<vmem>>, vector<16xf32>,
      %parallel_loop3A_205 = tpu.memref_slice %arg4[%parallel_loop3A_175] : memref<8192xf32, #tpu.memory_space<vmem>> -> memref<16xf32, #tpu.memory_space<vmem>>
      %parallel_loop3A_206 = tpu.vector_load_idx %parallel_loop3A_205[%add3A_23] : memref<16xf32, #tpu.memory_space<vmem>>[vector<16xi32>], vector<16xf32>,
      %parallel_loop3A_207 = arith.minimumf %parallel_loop3A_206, %parallel_loop3A_177 : vector<16xf32>
      %parallel_loop3A_208 = arith.constant 64 : i32
      %parallel_loop3A_209 = arith.muli %parallel_loop3A_173, %parallel_loop3A_208 : i32
      %parallel_loop3A_210 = arith.constant 48 : i32
      %parallel_loop3A_211 = arith.addi %parallel_loop3A_209, %parallel_loop3A_210 : i32
      %parallel_loop3A_212 = arith.index_cast %parallel_loop3A_211 : i32 to index
      %parallel_loop3A_213 = tpu.vector_load %arg5[%parallel_loop3A_212] {strides = array<i32>} : memref<32768xf32, #tpu.memory_space<vmem>>, vector<16xf32>,
      tpu.vector_store %arg5[%parallel_loop3A_212], %parallel_loop3A_207 {strides = array<i32>} : memref<32768xf32, #tpu.memory_space<vmem>>, vector<16xf32>,
    } {sc.loop_unroll_factor = 8 : i64, sc.parallel_access}
    %mul3A_90 = arith.constant 64 : i32
    %mul3A_91 = arith.muli %mul3A_2, %mul3A_90 : i32
    %add3A_92 = arith.constant 20480 : i32
    %add3A_93 = arith.addi %mul3A_91, %add3A_92 : i32
    %dma_start3A_94 = arith.constant 20480 : i32
    %dma_start3A_95 = tpu.memref_slice %arg5[%dma_start3A_94] : memref<32768xf32, #tpu.memory_space<vmem>> -> memref<4096xf32, #tpu.memory_space<vmem>>
    %dma_start3A_96 = tpu.memref_slice %arg3[%add3A_93] : memref<1048576xf32, #tpu.memory_space<hbm>> -> memref<4096xf32, #tpu.memory_space<hbm>>
    %dma_start3A_97 = tpu.memref_slice %arg3[%add3A_93] : memref<1048576xf32, #tpu.memory_space<hbm>> -> memref<4096xf32, #tpu.memory_space<hbm>>
    %dma_start3A_98 = arith.constant 20480 : i32
    %dma_start3A_99 = tpu.memref_slice %arg5[%dma_start3A_98] : memref<32768xf32, #tpu.memory_space<vmem>> -> memref<4096xf32, #tpu.memory_space<vmem>>
    tpu.enqueue_dma source(%dma_start3A_99 : memref<4096xf32, #tpu.memory_space<vmem>>) target(%dma_start3A_97 : memref<4096xf32, #tpu.memory_space<hbm>>) target_semaphore(%arg6 : memref<!tpu.dma_semaphore, #tpu.memory_space<semaphore_mem>>)
    %parallel_loop3A_100 = arith.constant 384 : i32
    %parallel_loop3A_101 = arith.constant 448 : i32
    %parallel_loop3A_102 = arith.constant 1 : i32
    scf.for %parallel_loop3A_173 = %parallel_loop3A_100 to %parallel_loop3A_101 step %parallel_loop3A_102  : i32 {
      %parallel_loop3A_174 = arith.constant 16 : i32
      %parallel_loop3A_175 = arith.muli %parallel_loop3A_173, %parallel_loop3A_174 : i32
      %parallel_loop3A_176 = tpu.memref_slice %arg4[%parallel_loop3A_175] : memref<8192xf32, #tpu.memory_space<vmem>> -> memref<16xf32, #tpu.memory_space<vmem>>
      %parallel_loop3A_177 = tpu.vector_load_idx %parallel_loop3A_176[%add3A_11] : memref<16xf32, #tpu.memory_space<vmem>>[vector<16xi32>], vector<16xf32>,
      %parallel_loop3A_178 = tpu.memref_slice %arg4[%parallel_loop3A_175] : memref<8192xf32, #tpu.memory_space<vmem>> -> memref<16xf32, #tpu.memory_space<vmem>>
      %parallel_loop3A_179 = tpu.vector_load_idx %parallel_loop3A_178[%add3A_14] : memref<16xf32, #tpu.memory_space<vmem>>[vector<16xi32>], vector<16xf32>,
      %parallel_loop3A_180 = arith.minimumf %parallel_loop3A_179, %parallel_loop3A_177 : vector<16xf32>
      %parallel_loop3A_181 = arith.constant 64 : i32
      %parallel_loop3A_182 = arith.muli %parallel_loop3A_173, %parallel_loop3A_181 : i32
      %parallel_loop3A_183 = arith.constant 0 : i32
      %parallel_loop3A_184 = arith.addi %parallel_loop3A_182, %parallel_loop3A_183 : i32
      %parallel_loop3A_185 = arith.index_cast %parallel_loop3A_184 : i32 to index
      %parallel_loop3A_186 = tpu.vector_load %arg5[%parallel_loop3A_185] {strides = array<i32>} : memref<32768xf32, #tpu.memory_space<vmem>>, vector<16xf32>,
      tpu.vector_store %arg5[%parallel_loop3A_185], %parallel_loop3A_180 {strides = array<i32>} : memref<32768xf32, #tpu.memory_space<vmem>>, vector<16xf32>,
      %parallel_loop3A_187 = tpu.memref_slice %arg4[%parallel_loop3A_175] : memref<8192xf32, #tpu.memory_space<vmem>> -> memref<16xf32, #tpu.memory_space<vmem>>
      %parallel_loop3A_188 = tpu.vector_load_idx %parallel_loop3A_187[%add3A_17] : memref<16xf32, #tpu.memory_space<vmem>>[vector<16xi32>], vector<16xf32>,
      %parallel_loop3A_189 = arith.minimumf %parallel_loop3A_188, %parallel_loop3A_177 : vector<16xf32>
      %parallel_loop3A_190 = arith.constant 64 : i32
      %parallel_loop3A_191 = arith.muli %parallel_loop3A_173, %parallel_loop3A_190 : i32
      %parallel_loop3A_192 = arith.constant 16 : i32
      %parallel_loop3A_193 = arith.addi %parallel_loop3A_191, %parallel_loop3A_192 : i32
      %parallel_loop3A_194 = arith.index_cast %parallel_loop3A_193 : i32 to index
      %parallel_loop3A_195 = tpu.vector_load %arg5[%parallel_loop3A_194] {strides = array<i32>} : memref<32768xf32, #tpu.memory_space<vmem>>, vector<16xf32>,
      tpu.vector_store %arg5[%parallel_loop3A_194], %parallel_loop3A_189 {strides = array<i32>} : memref<32768xf32, #tpu.memory_space<vmem>>, vector<16xf32>,
      %parallel_loop3A_196 = tpu.memref_slice %arg4[%parallel_loop3A_175] : memref<8192xf32, #tpu.memory_space<vmem>> -> memref<16xf32, #tpu.memory_space<vmem>>
      %parallel_loop3A_197 = tpu.vector_load_idx %parallel_loop3A_196[%add3A_20] : memref<16xf32, #tpu.memory_space<vmem>>[vector<16xi32>], vector<16xf32>,
      %parallel_loop3A_198 = arith.minimumf %parallel_loop3A_197, %parallel_loop3A_177 : vector<16xf32>
      %parallel_loop3A_199 = arith.constant 64 : i32
      %parallel_loop3A_200 = arith.muli %parallel_loop3A_173, %parallel_loop3A_199 : i32
      %parallel_loop3A_201 = arith.constant 32 : i32
      %parallel_loop3A_202 = arith.addi %parallel_loop3A_200, %parallel_loop3A_201 : i32
      %parallel_loop3A_203 = arith.index_cast %parallel_loop3A_202 : i32 to index
      %parallel_loop3A_204 = tpu.vector_load %arg5[%parallel_loop3A_203] {strides = array<i32>} : memref<32768xf32, #tpu.memory_space<vmem>>, vector<16xf32>,
      tpu.vector_store %arg5[%parallel_loop3A_203], %parallel_loop3A_198 {strides = array<i32>} : memref<32768xf32, #tpu.memory_space<vmem>>, vector<16xf32>,
      %parallel_loop3A_205 = tpu.memref_slice %arg4[%parallel_loop3A_175] : memref<8192xf32, #tpu.memory_space<vmem>> -> memref<16xf32, #tpu.memory_space<vmem>>
      %parallel_loop3A_206 = tpu.vector_load_idx %parallel_loop3A_205[%add3A_23] : memref<16xf32, #tpu.memory_space<vmem>>[vector<16xi32>], vector<16xf32>,
      %parallel_loop3A_207 = arith.minimumf %parallel_loop3A_206, %parallel_loop3A_177 : vector<16xf32>
      %parallel_loop3A_208 = arith.constant 64 : i32
      %parallel_loop3A_209 = arith.muli %parallel_loop3A_173, %parallel_loop3A_208 : i32
      %parallel_loop3A_210 = arith.constant 48 : i32
      %parallel_loop3A_211 = arith.addi %parallel_loop3A_209, %parallel_loop3A_210 : i32
      %parallel_loop3A_212 = arith.index_cast %parallel_loop3A_211 : i32 to index
      %parallel_loop3A_213 = tpu.vector_load %arg5[%parallel_loop3A_212] {strides = array<i32>} : memref<32768xf32, #tpu.memory_space<vmem>>, vector<16xf32>,
      tpu.vector_store %arg5[%parallel_loop3A_212], %parallel_loop3A_207 {strides = array<i32>} : memref<32768xf32, #tpu.memory_space<vmem>>, vector<16xf32>,
    } {sc.loop_unroll_factor = 8 : i64, sc.parallel_access}
    %mul3A_103 = arith.constant 64 : i32
    %mul3A_104 = arith.muli %mul3A_2, %mul3A_103 : i32
    %add3A_105 = arith.constant 24576 : i32
    %add3A_106 = arith.addi %mul3A_104, %add3A_105 : i32
    %dma_start3A_107 = arith.constant 24576 : i32
    %dma_start3A_108 = tpu.memref_slice %arg5[%dma_start3A_107] : memref<32768xf32, #tpu.memory_space<vmem>> -> memref<4096xf32, #tpu.memory_space<vmem>>
    %dma_start3A_109 = tpu.memref_slice %arg3[%add3A_106] : memref<1048576xf32, #tpu.memory_space<hbm>> -> memref<4096xf32, #tpu.memory_space<hbm>>
    %dma_start3A_110 = tpu.memref_slice %arg3[%add3A_106] : memref<1048576xf32, #tpu.memory_space<hbm>> -> memref<4096xf32, #tpu.memory_space<hbm>>
    %dma_start3A_111 = arith.constant 24576 : i32
    %dma_start3A_112 = tpu.memref_slice %arg5[%dma_start3A_111] : memref<32768xf32, #tpu.memory_space<vmem>> -> memref<4096xf32, #tpu.memory_space<vmem>>
    tpu.enqueue_dma source(%dma_start3A_112 : memref<4096xf32, #tpu.memory_space<vmem>>) target(%dma_start3A_110 : memref<4096xf32, #tpu.memory_space<hbm>>) target_semaphore(%arg6 : memref<!tpu.dma_semaphore, #tpu.memory_space<semaphore_mem>>)
    %parallel_loop3A_113 = arith.constant 448 : i32
    %parallel_loop3A_114 = arith.constant 512 : i32
    %parallel_loop3A_115 = arith.constant 1 : i32
    scf.for %parallel_loop3A_173 = %parallel_loop3A_113 to %parallel_loop3A_114 step %parallel_loop3A_115  : i32 {
      %parallel_loop3A_174 = arith.constant 16 : i32
      %parallel_loop3A_175 = arith.muli %parallel_loop3A_173, %parallel_loop3A_174 : i32
      %parallel_loop3A_176 = tpu.memref_slice %arg4[%parallel_loop3A_175] : memref<8192xf32, #tpu.memory_space<vmem>> -> memref<16xf32, #tpu.memory_space<vmem>>
      %parallel_loop3A_177 = tpu.vector_load_idx %parallel_loop3A_176[%add3A_11] : memref<16xf32, #tpu.memory_space<vmem>>[vector<16xi32>], vector<16xf32>,
      %parallel_loop3A_178 = tpu.memref_slice %arg4[%parallel_loop3A_175] : memref<8192xf32, #tpu.memory_space<vmem>> -> memref<16xf32, #tpu.memory_space<vmem>>
      %parallel_loop3A_179 = tpu.vector_load_idx %parallel_loop3A_178[%add3A_14] : memref<16xf32, #tpu.memory_space<vmem>>[vector<16xi32>], vector<16xf32>,
      %parallel_loop3A_180 = arith.minimumf %parallel_loop3A_179, %parallel_loop3A_177 : vector<16xf32>
      %parallel_loop3A_181 = arith.constant 64 : i32
      %parallel_loop3A_182 = arith.muli %parallel_loop3A_173, %parallel_loop3A_181 : i32
      %parallel_loop3A_183 = arith.constant 0 : i32
      %parallel_loop3A_184 = arith.addi %parallel_loop3A_182, %parallel_loop3A_183 : i32
      %parallel_loop3A_185 = arith.index_cast %parallel_loop3A_184 : i32 to index
      %parallel_loop3A_186 = tpu.vector_load %arg5[%parallel_loop3A_185] {strides = array<i32>} : memref<32768xf32, #tpu.memory_space<vmem>>, vector<16xf32>,
      tpu.vector_store %arg5[%parallel_loop3A_185], %parallel_loop3A_180 {strides = array<i32>} : memref<32768xf32, #tpu.memory_space<vmem>>, vector<16xf32>,
      %parallel_loop3A_187 = tpu.memref_slice %arg4[%parallel_loop3A_175] : memref<8192xf32, #tpu.memory_space<vmem>> -> memref<16xf32, #tpu.memory_space<vmem>>
      %parallel_loop3A_188 = tpu.vector_load_idx %parallel_loop3A_187[%add3A_17] : memref<16xf32, #tpu.memory_space<vmem>>[vector<16xi32>], vector<16xf32>,
      %parallel_loop3A_189 = arith.minimumf %parallel_loop3A_188, %parallel_loop3A_177 : vector<16xf32>
      %parallel_loop3A_190 = arith.constant 64 : i32
      %parallel_loop3A_191 = arith.muli %parallel_loop3A_173, %parallel_loop3A_190 : i32
      %parallel_loop3A_192 = arith.constant 16 : i32
      %parallel_loop3A_193 = arith.addi %parallel_loop3A_191, %parallel_loop3A_192 : i32
      %parallel_loop3A_194 = arith.index_cast %parallel_loop3A_193 : i32 to index
      %parallel_loop3A_195 = tpu.vector_load %arg5[%parallel_loop3A_194] {strides = array<i32>} : memref<32768xf32, #tpu.memory_space<vmem>>, vector<16xf32>,
      tpu.vector_store %arg5[%parallel_loop3A_194], %parallel_loop3A_189 {strides = array<i32>} : memref<32768xf32, #tpu.memory_space<vmem>>, vector<16xf32>,
      %parallel_loop3A_196 = tpu.memref_slice %arg4[%parallel_loop3A_175] : memref<8192xf32, #tpu.memory_space<vmem>> -> memref<16xf32, #tpu.memory_space<vmem>>
      %parallel_loop3A_197 = tpu.vector_load_idx %parallel_loop3A_196[%add3A_20] : memref<16xf32, #tpu.memory_space<vmem>>[vector<16xi32>], vector<16xf32>,
      %parallel_loop3A_198 = arith.minimumf %parallel_loop3A_197, %parallel_loop3A_177 : vector<16xf32>
      %parallel_loop3A_199 = arith.constant 64 : i32
      %parallel_loop3A_200 = arith.muli %parallel_loop3A_173, %parallel_loop3A_199 : i32
      %parallel_loop3A_201 = arith.constant 32 : i32
      %parallel_loop3A_202 = arith.addi %parallel_loop3A_200, %parallel_loop3A_201 : i32
      %parallel_loop3A_203 = arith.index_cast %parallel_loop3A_202 : i32 to index
      %parallel_loop3A_204 = tpu.vector_load %arg5[%parallel_loop3A_203] {strides = array<i32>} : memref<32768xf32, #tpu.memory_space<vmem>>, vector<16xf32>,
      tpu.vector_store %arg5[%parallel_loop3A_203], %parallel_loop3A_198 {strides = array<i32>} : memref<32768xf32, #tpu.memory_space<vmem>>, vector<16xf32>,
      %parallel_loop3A_205 = tpu.memref_slice %arg4[%parallel_loop3A_175] : memref<8192xf32, #tpu.memory_space<vmem>> -> memref<16xf32, #tpu.memory_space<vmem>>
      %parallel_loop3A_206 = tpu.vector_load_idx %parallel_loop3A_205[%add3A_23] : memref<16xf32, #tpu.memory_space<vmem>>[vector<16xi32>], vector<16xf32>,
      %parallel_loop3A_207 = arith.minimumf %parallel_loop3A_206, %parallel_loop3A_177 : vector<16xf32>
      %parallel_loop3A_208 = arith.constant 64 : i32
      %parallel_loop3A_209 = arith.muli %parallel_loop3A_173, %parallel_loop3A_208 : i32
      %parallel_loop3A_210 = arith.constant 48 : i32
      %parallel_loop3A_211 = arith.addi %parallel_loop3A_209, %parallel_loop3A_210 : i32
      %parallel_loop3A_212 = arith.index_cast %parallel_loop3A_211 : i32 to index
      %parallel_loop3A_213 = tpu.vector_load %arg5[%parallel_loop3A_212] {strides = array<i32>} : memref<32768xf32, #tpu.memory_space<vmem>>, vector<16xf32>,
      tpu.vector_store %arg5[%parallel_loop3A_212], %parallel_loop3A_207 {strides = array<i32>} : memref<32768xf32, #tpu.memory_space<vmem>>, vector<16xf32>,
    } {sc.loop_unroll_factor = 8 : i64, sc.parallel_access}
    %mul3A_116 = arith.constant 64 : i32
    %mul3A_117 = arith.muli %mul3A_2, %mul3A_116 : i32
    %add3A_118 = arith.constant 28672 : i32
    %add3A_119 = arith.addi %mul3A_117, %add3A_118 : i32
    %dma_start3A_120 = arith.constant 28672 : i32
    %dma_start3A_121 = tpu.memref_slice %arg5[%dma_start3A_120] : memref<32768xf32, #tpu.memory_space<vmem>> -> memref<4096xf32, #tpu.memory_space<vmem>>
    %dma_start3A_122 = tpu.memref_slice %arg3[%add3A_119] : memref<1048576xf32, #tpu.memory_space<hbm>> -> memref<4096xf32, #tpu.memory_space<hbm>>
    %dma_start3A_123 = tpu.memref_slice %arg3[%add3A_119] : memref<1048576xf32, #tpu.memory_space<hbm>> -> memref<4096xf32, #tpu.memory_space<hbm>>
    %dma_start3A_124 = arith.constant 28672 : i32
    %dma_start3A_125 = tpu.memref_slice %arg5[%dma_start3A_124] : memref<32768xf32, #tpu.memory_space<vmem>> -> memref<4096xf32, #tpu.memory_space<vmem>>
    tpu.enqueue_dma source(%dma_start3A_125 : memref<4096xf32, #tpu.memory_space<vmem>>) target(%dma_start3A_123 : memref<4096xf32, #tpu.memory_space<hbm>>) target_semaphore(%arg6 : memref<!tpu.dma_semaphore, #tpu.memory_space<semaphore_mem>>)
    %dma_wait3A = arith.constant 0 : i32
    %dma_wait3A_126 = tpu.memref_slice %arg5[%dma_wait3A] : memref<32768xf32, #tpu.memory_space<vmem>> -> memref<4096xf32, #tpu.memory_space<vmem>>
    %dma_wait3A_127 = tpu.memref_slice %arg3[%add3A_29] : memref<1048576xf32, #tpu.memory_space<hbm>> -> memref<4096xf32, #tpu.memory_space<hbm>>
    %dma_wait3A_128 = tpu.memref_slice %arg3[%add3A_29] : memref<1048576xf32, #tpu.memory_space<hbm>> -> memref<4096xf32, #tpu.memory_space<hbm>>
    %dma_wait3A_129 = arith.constant 0 : i32
    %dma_wait3A_130 = tpu.memref_slice %arg5[%dma_wait3A_129] : memref<32768xf32, #tpu.memory_space<vmem>> -> memref<4096xf32, #tpu.memory_space<vmem>>
    tpu.wait_dma2 semaphore(%arg6 : memref<!tpu.dma_semaphore, #tpu.memory_space<semaphore_mem>>) src(%dma_wait3A_130 : memref<4096xf32, #tpu.memory_space<vmem>>) dst(%dma_wait3A_128 : memref<4096xf32, #tpu.memory_space<hbm>>)
    %dma_wait3A_131 = arith.constant 4096 : i32
    %dma_wait3A_132 = tpu.memref_slice %arg5[%dma_wait3A_131] : memref<32768xf32, #tpu.memory_space<vmem>> -> memref<4096xf32, #tpu.memory_space<vmem>>
    %dma_wait3A_133 = tpu.memref_slice %arg3[%add3A_41] : memref<1048576xf32, #tpu.memory_space<hbm>> -> memref<4096xf32, #tpu.memory_space<hbm>>
    %dma_wait3A_134 = tpu.memref_slice %arg3[%add3A_41] : memref<1048576xf32, #tpu.memory_space<hbm>> -> memref<4096xf32, #tpu.memory_space<hbm>>
    %dma_wait3A_135 = arith.constant 4096 : i32
    %dma_wait3A_136 = tpu.memref_slice %arg5[%dma_wait3A_135] : memref<32768xf32, #tpu.memory_space<vmem>> -> memref<4096xf32, #tpu.memory_space<vmem>>
    tpu.wait_dma2 semaphore(%arg6 : memref<!tpu.dma_semaphore, #tpu.memory_space<semaphore_mem>>) src(%dma_wait3A_136 : memref<4096xf32, #tpu.memory_space<vmem>>) dst(%dma_wait3A_134 : memref<4096xf32, #tpu.memory_space<hbm>>)
    %dma_wait3A_137 = arith.constant 8192 : i32
    %dma_wait3A_138 = tpu.memref_slice %arg5[%dma_wait3A_137] : memref<32768xf32, #tpu.memory_space<vmem>> -> memref<4096xf32, #tpu.memory_space<vmem>>
    %dma_wait3A_139 = tpu.memref_slice %arg3[%add3A_54] : memref<1048576xf32, #tpu.memory_space<hbm>> -> memref<4096xf32, #tpu.memory_space<hbm>>
    %dma_wait3A_140 = tpu.memref_slice %arg3[%add3A_54] : memref<1048576xf32, #tpu.memory_space<hbm>> -> memref<4096xf32, #tpu.memory_space<hbm>>
    %dma_wait3A_141 = arith.constant 8192 : i32
    %dma_wait3A_142 = tpu.memref_slice %arg5[%dma_wait3A_141] : memref<32768xf32, #tpu.memory_space<vmem>> -> memref<4096xf32, #tpu.memory_space<vmem>>
    tpu.wait_dma2 semaphore(%arg6 : memref<!tpu.dma_semaphore, #tpu.memory_space<semaphore_mem>>) src(%dma_wait3A_142 : memref<4096xf32, #tpu.memory_space<vmem>>) dst(%dma_wait3A_140 : memref<4096xf32, #tpu.memory_space<hbm>>)
    %dma_wait3A_143 = arith.constant 12288 : i32
    %dma_wait3A_144 = tpu.memref_slice %arg5[%dma_wait3A_143] : memref<32768xf32, #tpu.memory_space<vmem>> -> memref<4096xf32, #tpu.memory_space<vmem>>
    %dma_wait3A_145 = tpu.memref_slice %arg3[%add3A_67] : memref<1048576xf32, #tpu.memory_space<hbm>> -> memref<4096xf32, #tpu.memory_space<hbm>>
    %dma_wait3A_146 = tpu.memref_slice %arg3[%add3A_67] : memref<1048576xf32, #tpu.memory_space<hbm>> -> memref<4096xf32, #tpu.memory_space<hbm>>
    %dma_wait3A_147 = arith.constant 12288 : i32
    %dma_wait3A_148 = tpu.memref_slice %arg5[%dma_wait3A_147] : memref<32768xf32, #tpu.memory_space<vmem>> -> memref<4096xf32, #tpu.memory_space<vmem>>
    tpu.wait_dma2 semaphore(%arg6 : memref<!tpu.dma_semaphore, #tpu.memory_space<semaphore_mem>>) src(%dma_wait3A_148 : memref<4096xf32, #tpu.memory_space<vmem>>) dst(%dma_wait3A_146 : memref<4096xf32, #tpu.memory_space<hbm>>)
    %dma_wait3A_149 = arith.constant 16384 : i32
    %dma_wait3A_150 = tpu.memref_slice %arg5[%dma_wait3A_149] : memref<32768xf32, #tpu.memory_space<vmem>> -> memref<4096xf32, #tpu.memory_space<vmem>>
    %dma_wait3A_151 = tpu.memref_slice %arg3[%add3A_80] : memref<1048576xf32, #tpu.memory_space<hbm>> -> memref<4096xf32, #tpu.memory_space<hbm>>
    %dma_wait3A_152 = tpu.memref_slice %arg3[%add3A_80] : memref<1048576xf32, #tpu.memory_space<hbm>> -> memref<4096xf32, #tpu.memory_space<hbm>>
    %dma_wait3A_153 = arith.constant 16384 : i32
    %dma_wait3A_154 = tpu.memref_slice %arg5[%dma_wait3A_153] : memref<32768xf32, #tpu.memory_space<vmem>> -> memref<4096xf32, #tpu.memory_space<vmem>>
    tpu.wait_dma2 semaphore(%arg6 : memref<!tpu.dma_semaphore, #tpu.memory_space<semaphore_mem>>) src(%dma_wait3A_154 : memref<4096xf32, #tpu.memory_space<vmem>>) dst(%dma_wait3A_152 : memref<4096xf32, #tpu.memory_space<hbm>>)
    %dma_wait3A_155 = arith.constant 20480 : i32
    %dma_wait3A_156 = tpu.memref_slice %arg5[%dma_wait3A_155] : memref<32768xf32, #tpu.memory_space<vmem>> -> memref<4096xf32, #tpu.memory_space<vmem>>
    %dma_wait3A_157 = tpu.memref_slice %arg3[%add3A_93] : memref<1048576xf32, #tpu.memory_space<hbm>> -> memref<4096xf32, #tpu.memory_space<hbm>>
    %dma_wait3A_158 = tpu.memref_slice %arg3[%add3A_93] : memref<1048576xf32, #tpu.memory_space<hbm>> -> memref<4096xf32, #tpu.memory_space<hbm>>
    %dma_wait3A_159 = arith.constant 20480 : i32
    %dma_wait3A_160 = tpu.memref_slice %arg5[%dma_wait3A_159] : memref<32768xf32, #tpu.memory_space<vmem>> -> memref<4096xf32, #tpu.memory_space<vmem>>
    tpu.wait_dma2 semaphore(%arg6 : memref<!tpu.dma_semaphore, #tpu.memory_space<semaphore_mem>>) src(%dma_wait3A_160 : memref<4096xf32, #tpu.memory_space<vmem>>) dst(%dma_wait3A_158 : memref<4096xf32, #tpu.memory_space<hbm>>)
    %dma_wait3A_161 = arith.constant 24576 : i32
    %dma_wait3A_162 = tpu.memref_slice %arg5[%dma_wait3A_161] : memref<32768xf32, #tpu.memory_space<vmem>> -> memref<4096xf32, #tpu.memory_space<vmem>>
    %dma_wait3A_163 = tpu.memref_slice %arg3[%add3A_106] : memref<1048576xf32, #tpu.memory_space<hbm>> -> memref<4096xf32, #tpu.memory_space<hbm>>
    %dma_wait3A_164 = tpu.memref_slice %arg3[%add3A_106] : memref<1048576xf32, #tpu.memory_space<hbm>> -> memref<4096xf32, #tpu.memory_space<hbm>>
    %dma_wait3A_165 = arith.constant 24576 : i32
    %dma_wait3A_166 = tpu.memref_slice %arg5[%dma_wait3A_165] : memref<32768xf32, #tpu.memory_space<vmem>> -> memref<4096xf32, #tpu.memory_space<vmem>>
    tpu.wait_dma2 semaphore(%arg6 : memref<!tpu.dma_semaphore, #tpu.memory_space<semaphore_mem>>) src(%dma_wait3A_166 : memref<4096xf32, #tpu.memory_space<vmem>>) dst(%dma_wait3A_164 : memref<4096xf32, #tpu.memory_space<hbm>>)
    %dma_wait3A_167 = arith.constant 28672 : i32
    %dma_wait3A_168 = tpu.memref_slice %arg5[%dma_wait3A_167] : memref<32768xf32, #tpu.memory_space<vmem>> -> memref<4096xf32, #tpu.memory_space<vmem>>
    %dma_wait3A_169 = tpu.memref_slice %arg3[%add3A_119] : memref<1048576xf32, #tpu.memory_space<hbm>> -> memref<4096xf32, #tpu.memory_space<hbm>>
    %dma_wait3A_170 = tpu.memref_slice %arg3[%add3A_119] : memref<1048576xf32, #tpu.memory_space<hbm>> -> memref<4096xf32, #tpu.memory_space<hbm>>
    %dma_wait3A_171 = arith.constant 28672 : i32
    %dma_wait3A_172 = tpu.memref_slice %arg5[%dma_wait3A_171] : memref<32768xf32, #tpu.memory_space<vmem>> -> memref<4096xf32, #tpu.memory_space<vmem>>
    tpu.wait_dma2 semaphore(%arg6 : memref<!tpu.dma_semaphore, #tpu.memory_space<semaphore_mem>>) src(%dma_wait3A_172 : memref<4096xf32, #tpu.memory_space<vmem>>) dst(%dma_wait3A_170 : memref<4096xf32, #tpu.memory_space<hbm>>)
    return
  }
}

</mosaic_0001>

<sc_bundles>
// kernel: kernel.3.cloned.1.call-start
scs
__scs_entry_jumppad:
0x0: {  	(pc) =	sbr.rel $0x88, $3  }
0x1: {  	(tag) =	ssettag $0x0;
	lr =	simm.s32 $0x1  }
0x2: {  	[smem:$0x3FA0] =	sst lr;
	_ =	strace $0xD0000000  }
0x3: {  	_ = 	snop  }
0x4: {  	_ = 	snop  }
0x5: {  	_ = 	snop  }
0x6: {  	_ = 	snop  }
0x7: {  	_ = 	snop  }
__scs_overlays_trampoline_lowered:
0x8: {  	[smem:$0x3FAF] =	sst s0  }
0x9: {  	[smem:$0x3FB0] =	sst s1  }
0xa: {  	[smem:$0x3FB1] =	sst s2  }
0xb: {  	[smem:$0x3FB2] =	sst s3  }
0xc: {  	[smem:$0x3FB3] =	sst s4  }
0xd: {  	[smem:$0x3FB4] =	sst s5  }
0xe: {  	[smem:$0x3FB5] =	sst s6  }
0xf: {  	[smem:$0x3FB6] =	sst s7  }
0x10: {  	[smem:$0x3FB7] =	sst s8  }
0x11: {  	[smem:$0x3FB8] =	sst s9;
	s0 =	simm.s32 @!p0 $0x0  }
0x12: {  	s1 =	sld [smem:$0x3F9E];
	s0 =	simm.s32 @p0 $0x1  }
0x13: {  	[smem:$0x3FB9] =	sst s0;
	s0 =	simm.s32 @!p1 $0x0  }
0x14: {  	s2 =	sld [smem:$0x3F9D];
	s0 =	simm.s32 @p1 $0x1  }
0x15: {  	[smem:$0x3FBA] =	sst s0;
	s0 =	simm.s32 @!p2 $0x0  }
0x16: {  	s3 =	sld [smem:$0x3FDB];
	s0 =	simm.s32 @p2 $0x1  }
0x17: {  	s4 =	simm.s32 $0x1BF5;
	[smem:$0x3FBC] =	sst s0  }
0x18: {  	s0 =	sld [smem:$0x3F9F];
	_ =	swait.ge [sflag:s4], $0x0  }
0x19: {  	s7 =	sld [smem:$0x3FA0]  }
0x1a: {  	s8 =	sadd.s32 $0xFFFFE003, lr  }
0x1b: {  	s9 =	sadd.s32 $0xFFFFFEF7, lr;
	s5 =	simm.s32 $0xFFFFFFFF;
	p2 =	slt.u32 s8, $0xFFFFF086  }
0x1c: {  	p1 =	slt.u32 s9, $0xF7A;
	s5 =	simm.s32 @!p2 $0x0  }
0x1d: {  	s5 =	simm.s32 @p1 $0x1;
	p0 =	seq.s32 s7, s2  }
0x1e: {  	s7 =	smul.u32 @!p0 $0xF7A, s2;
	p2 =	seq.s32 @!p0 s5, $0x0  }
0x1f: {  	s9 =	smul.u32 $0xF7A, s1;
	s8 =	simm.s32 @!p0 $0x1BF5;
	p2 =	por !p2, p0  }
0x20: {  	[sflag:s8] =	ssyncset.s32 @!p0 $0xFFFFF086;
	s6 =	sadd.s32 @!p0 s3, s7;
	s7 =	simm.s32 @!p0 $0x108  }
0x21: {  	s3 =	sadd.s32 s3, s9;
	s6 =	sadd.s32 @!p0 $0x88, s6;
	s7 =	simm.s32 @p2 $0x1082  }
0x22: {  	[simem:s7], [sflag:s8] =	dma.local @!p0 [hbm:s6], $0xF7A  }
0x23: {  	s9 =	sor.u32 $0xD0000000, s2;
	s6 =	simm.s32 $0x108;
	_ =	swait.ge @!p0 [sflag:s8], $0x0  }
0x24: {  	s3 =	sadd.s32 $0x88, s3;
	s6 =	simm.s32 @!p1 $0x1082;
	[sflag:s4] =	ssyncset.s32 $0xFFFFF086  }
0x25: {  	[simem:s6], [sflag:s4] =	dma.local [hbm:s3], $0xF7A  }
0x26: {  	[smem:$0x3FA0] =	sst s1;
	(tag) =	ssettag s2;
	_ =	strace s9  }
0x27: {  	s1 =	sld [smem:$0x3FB0]  }
0x28: {  	s2 =	sld [smem:$0x3FB1]  }
0x29: {  	s4 =	sld [smem:$0x3FB3]  }
0x2a: {  	p0 =	seq.s32 s5, $0x0;
	s5 =	sld [smem:$0x3FB4]  }
0x2b: {  	s6 =	sld [smem:$0x3FB5]  }
0x2c: {  	s7 =	sld [smem:$0x3FB6]  }
0x2d: {  	s3 =	simm.s32 $0x108;
	s8 =	sld [smem:$0x3FB7]  }
0x2e: {  	s3 =	simm.s32 @!p0 $0x1082;
	s9 =	sld [smem:$0x3FB8]  }
0x2f: {  	lr =	sadd.s32 s0, s3;
	s0 =	sld [smem:$0x3FAF]  }
0x30: {  	s3 =	sld [smem:$0x3FB2]  }
0x31: {  	[smem:$0x3FBB] =	sst s10  }
0x32: {  	s10 =	sld [smem:$0x3FB9];
	_ =	sdelay $0x3  }
0x33: {  	p0 =	seq.s32 s10, $0x1;
	s10 =	sld [smem:$0x3FBB];
	_ =	sdelay $0x3  }
0x34: {  	[smem:$0x3FBB] =	sst s10  }
0x35: {  	s10 =	sld [smem:$0x3FBA];
	_ =	sdelay $0x3  }
0x36: {  	p1 =	seq.s32 s10, $0x1;
	s10 =	sld [smem:$0x3FBB];
	_ =	sdelay $0x3  }
0x37: {  	[smem:$0x3FBB] =	sst s10  }
0x38: {  	s10 =	sld [smem:$0x3FBC]  }
0x39: {  	_ = 	snop;
	(pc) =	sbr.ind lr, $3  }
0x3a: {  	_ = 	snop  }
0x3b: {  	_ = 	snop  }
0x3c: {  	p2 =	seq.s32 s10, $0x1;
	s10 =	sld [smem:$0x3FBB]  }
0x3d: {  	_ =	shalt  }
0x3e: {  	_ =	shalt  }
0x3f: {  	_ =	shalt  }
0x40: {  	_ =	shalt  }
0x41: {  	_ =	shalt  }
0x42: {  	_ =	shalt  }
0x43: {  	_ =	shalt  }
0x44: {  	_ =	shalt  }
0x45: {  	_ =	shalt  }
0x46: {  	_ =	shalt  }
0x47: {  	_ =	shalt  }
0x48: {  	_ =	shalt  }
0x49: {  	_ =	shalt  }
0x4a: {  	_ =	shalt  }
0x4b: {  	_ =	shalt  }
0x4c: {  	_ =	shalt  }
0x4d: {  	_ =	shalt  }
0x4e: {  	_ =	shalt  }
0x4f: {  	_ =	shalt  }
0x50: {  	_ =	shalt  }
0x51: {  	_ =	shalt  }
0x52: {  	_ =	shalt  }
0x53: {  	_ =	shalt  }
0x54: {  	_ =	shalt  }
0x55: {  	_ =	shalt  }
0x56: {  	_ =	shalt  }
0x57: {  	_ =	shalt  }
0x58: {  	_ =	shalt  }
0x59: {  	_ =	shalt  }
0x5a: {  	_ =	shalt  }
0x5b: {  	_ =	shalt  }
0x5c: {  	_ =	shalt  }
0x5d: {  	_ =	shalt  }
0x5e: {  	_ =	shalt  }
0x5f: {  	_ =	shalt  }
0x60: {  	_ =	shalt  }
0x61: {  	_ =	shalt  }
0x62: {  	_ =	shalt  }
0x63: {  	_ =	shalt  }
0x64: {  	_ =	shalt  }
0x65: {  	_ =	shalt  }
0x66: {  	_ =	shalt  }
0x67: {  	_ =	shalt  }
0x68: {  	_ =	shalt  }
0x69: {  	_ =	shalt  }
0x6a: {  	_ =	shalt  }
0x6b: {  	_ =	shalt  }
0x6c: {  	_ =	shalt  }
0x6d: {  	_ =	shalt  }
0x6e: {  	_ =	shalt  }
0x6f: {  	_ =	shalt  }
0x70: {  	_ =	shalt  }
0x71: {  	_ =	shalt  }
0x72: {  	_ =	shalt  }
0x73: {  	_ =	shalt  }
0x74: {  	_ =	shalt  }
0x75: {  	_ =	shalt  }
0x76: {  	_ =	shalt  }
0x77: {  	_ =	shalt  }
0x78: {  	_ =	shalt  }
0x79: {  	_ =	shalt  }
0x7a: {  	_ =	shalt  }
0x7b: {  	_ =	shalt  }
0x7c: {  	_ =	shalt  }
0x7d: {  	_ =	shalt  }
0x7e: {  	_ =	shalt  }
0x7f: {  	_ =	shalt  }
0x80: {  	_ =	shalt  }
0x81: {  	_ =	shalt  }
0x82: {  	_ =	shalt  }
0x83: {  	_ =	shalt  }
0x84: {  	_ =	shalt  }
0x85: {  	_ =	shalt  }
0x86: {  	_ =	shalt  }
0x87: {  	_ =	shalt  }
.Lfunc_end0:
.L_simem_size_0:
called_computation_lowered:
.L_overlay_start_0:
0x88: {  	s2 =	sld [smem:$0x3FD9]  }
0x89: {  	s3 =	sld [smem:$0x3FFE];
	_ =	sdelay $0x1  }
0x8a: {  	s1 =	srdreg.scid  }
0x8b: {  	s0 =	sand.u32 $0x1, s1  }
0x8c: {  	s17 =	sshll.u32 s0, $0xA;
	s2 =	sadd.s32 s3, s2  }
0x8d: {  	s2 =	sadd.s32 s2, s17  }
0x8e: {  	[smem:$0x3FC7] =	sst s2  }
0x8f: {  	_ = 	snop  }
0x90: {  	s2 =	sld [smem:$0x3FD0];
	(tm) =	ssettm $0x1  }
0x91: {  	s18 =	sld [smem:$0x3FFB];
	_ =	sdelay $0x3  }
0x92: {  	_ =	strace s18  }
0x93: {  	s3 =	sld [smem:$0x3FFC];
	_ =	sdelay $0x3  }
0x94: {  	_ =	strace s3  }
0x95: {  	s3 =	sld [smem:$0x3FFD];
	_ =	sdelay $0x3  }
0x96: {  	_ =	strace s3  }
0x97: {  	_ =	strace $0x8FFFFFFF  }
0x98: {  	s19 =	sld [smem:$0x3FDB];
	_ =	sdelay $0x1  }
0x99: {  	s4 =	simm.s32 $_scs_section_size  }
0x9a: {  	s5 =	simm.s32 $_size__tile_overlayer_lowered;
	s6 =	simm.s32 $_tile_overlayer_lowered  }
0x9b: {  	s22 =	simm.s32 $0x1BFF;
	s21 =	sshll.u32 s6, $0x1;
	s3 =	sadd.s32 s4, s19  }
0x9c: {  	s7 =	simm.s32 $0x0;
	s20 =	sshll.u32 s5, $0x1;
	s5 =	sadd.s32 s21, s3  }
0x9d: {  	[timem:s7], [sflag:s22] =	dma.local [hbm:s5], s20  }
0x9e: {  	_ =	swait.ge [sflag:s22], s20  }
0x9f: {  	s4 =	ssub.s32 $0x0, s20;
	[sflag:s22] =	ssyncset.done $0x0  }
0xa0: {  	[sflag:s22] =	ssyncadd.s32 s4;
	_ =	sdelay $0x1  }
0xa1: {  	s23 =	simm.s32 $0x1B8B  }
0xa2: {  	_ =	swait.ge [sflag:s23], $0x1  }
0xa3: {  	[sflag:s23] =	ssyncset.done $0x0  }
0xa4: {  	s25 =	simm.s32 $0x1B8E;
	s24 =	sld [smem:$0x3FFE];
	[sflag:s23] =	ssyncadd.s32 $0xFFFFFFFF  }
0xa5: {  	s26 =	simm.s32 $execute0_lowered;
	[smem:$0x3FD2] =	sst s25  }
0xa6: {  	s5 =	sshll.u32 s26, $0x1;
	_ =	strace $0x80000046;
	[dreg:$0x1] =	wrdreg $0xFFFFFFFF  }
0xa7: {  	s28 =	simm.s32 $_size_execute0_lowered;
	s3 =	sadd.s32 s3, s5;
	[dreg:$0x0] =	wrdreg $0x0  }
0xa8: {  	s5 =	sshll.u32 s28, $0x1;
	[dreg:$0x2] =	wrdreg s3  }
0xa9: {  	[dreg:$0x3] =	wrdreg s5  }
0xaa: {  	[dreg:$0x4] =	wrdreg $0xC0  }
0xab: {  	_ =	task [dreg:s7], $0x5FFFF  }
0xac: {  	[dreg:$0x1] =	wrdreg $0xFFFFFFFF  }
0xad: {  	[dreg:$0x0] =	wrdreg $0x60  }
0xae: {  	[dreg:$0x2] =	wrdreg s24  }
0xaf: {  	[dreg:$0x3] =	wrdreg s2  }
0xb0: {  	[dreg:$0x4] =	wrdreg $0x9  }
0xb1: {  	_ =	task.clear_ibuf [dreg:s7], $0x5FFFF;
	_ =	strace $0x90000046  }
0xb2: {  	s29 =	simm.s32 $0x9;
	_ =	strace $0x80000048  }
0xb3: {  	_ =	swait.ge [sflag:s29], $0x1  }
0xb4: {  	[sflag:s29] =	ssyncadd.s32 $0xFFFFFFFF  }
0xb5: {  	_ =	strace $0x90000048  }
0xb6: {  	_ =	sfence  }
0xb7: {  	s30 =	sld [smem:$0x0];
	_ =	sdelay $0x2  }
0xb8: {  	s31 =	sshll.u32 s1, $0xD;
	s1 =	sshrl.u32 s1, $0x2  }
0xb9: {  	s3 =	sand.u32 $0x4000, s31;
	s1 =	sadd.s32 s1, s30  }
0xba: {  	s0 =	sor.u32 s3, s0;
	s1 =	sshll.u32 s1, $0x11  }
0xbb: {  	s0 =	sor.u32 s1, s0  }
0xbc: {  	s0 =	sadd.s32 $0x8F2B, s0  }
0xbd: {  	[sflag:s0] =	ssyncadd.remote.s32 $0x1  }
0xbe: {  	_ =	sfence.sel $0xFFFF  }
0xbf: {  	[dreg:$0x0] =	wrdreg $0xFFFFFFFF;
	(pc) =	sbr.abs _section_cstart, $3  }
0xc0: {  	[dreg:$0x1] =	wrdreg $0xFFFFFFFF  }
0xc1: {  	_ =	task.clear_ibuf [dreg:s7], $0x2FFFF;
	_ =	strace $0x9FFFFFFF  }
0xc2: {  	(tm) =	ssettm $0x7FFFFFFF  }
0xc3: {  	_ =	shalt  }
tec
execute0_lowered:
.L_overlay_start_1:
0x0: {  	(tag) =	ssettag $0x1  }
0x1: {  	s3 =	rddreg [dreg:$0x0]  }
0x2: {  	s4 =	rddreg [dreg:$0x1]  }
0x3: {  	s0 =	rddreg [dreg:$0x2];
	s2 =	simm.s32 $0x0;
	s5 =	srdreg.scid  }
0x4: {  	s1 =	stileid.u32;
	s13 =	simm.s32 $0x2;
	s14 =	simm.s32 $0x2000  }
0x5: {  	s15 =	simm.s32 $0x3000;
	s16 =	simm.s32 $0x4000;
	s17 =	simm.s32 $0x5000  }
0x6: {  	s18 =	simm.s32 $0x6000;
	s19 =	simm.s32 $0x7000;
	s20 =	simm.s32 $0x8000  }
0x7: {  	s21 =	simm.s32 $0x9000;
	s22 =	simm.s32 $0x1;
	s23 =	simm.s32 $0x0  }
0x8: {  	[smem:$0x7FF] =	sst s2;
	s5 =	sand.u32 $0x1, s5;
	s6 =	sshll.u32 s1, $0x1  }
0x9: {  	v1 =	vlaneseq.u32;
	_ =	strace $0x80000047;
	s6 =	sor.u32 s5, s6;
	s5 =	ssub.s32 $0x2, s5  }
0xa: {  	v0 =	vor.u32 $0x8, v1;
	s7 =	sshll.u32 s6, $0xA;
	s6 =	sshll.u32 s6, $0xC;
	s8 =	sshrl.u32 s5, $0x1  }
0xb: {  	v1 =	vshrl.u32 v1, $0x3;
	s7 =	sadd.s32 s7, s3;
	s3 =	sadd.s32 s4, s6;
	s12 =	ssub.s32 s5, s8  }
0xc: {  	s4 =	sadd.s32 $0x400, s7;
	s5 =	sadd.s32 $0x200, s3;
	s6 =	sadd.s32 $0x400, s3  }
0xd: {  	s7 =	sadd.s32 $0x600, s3;
	s8 =	sadd.s32 $0x800, s3;
	s9 =	sadd.s32 $0xA00, s3  }
0xe: {  	v2 =	vor.u32 $0x2, v1;
	v3 =	vor.u32 $0x4, v1;
	v4 =	vor.u32 $0x6, v1;
	s10 =	sadd.s32 $0xC00, s3;
	s11 =	sadd.s32 $0xE00, s3;
	s12 =	smax.u32 s12, $0x1  }
.LBB2_1:
0xf: {  	[tilespmem:s2], [sflag:$0x2] =	stream.linear.gather [hbm4b:s4+s2], $0x2000, $0x38;
	[tilespmem:$0xA000] =	vst v63  }
0x10: {  	_ =	swait.ge [sflag:s13], $0x2000  }
0x11: {  	[sflag:s13] =	ssyncset.done $0x0  }
0x12: {  	s28 =	simm.s32 $0x70;
	[sflag:s13] =	ssyncadd.s32 $0xFFFFE000  }
0x13: {  	v7 =	vld.idx.msk [tilespmem:v0+s28+$0x0], $0xffff  }
0x14: {  	v5 =	vld.idx.msk [tilespmem:v1+s28+$0x0], $0xffff  }
0x15: {  	v6 =	vld.idx.msk [tilespmem:v1+s28+$0xFFFFFF90], $0xffff  }
0x16: {  	v8 =	vld.idx.msk [tilespmem:v0+s28+$0xFFFFFFA0], $0xffff  }
0x17: {  	v9 =	vld.idx.msk [tilespmem:v1+s28+$0xFFFFFFA0], $0xffff  }
0x18: {  	v10 =	vld.idx.msk [tilespmem:v0+s28+$0xFFFFFFB0], $0xffff  }
0x19: {  	v11 =	vld.idx.msk [tilespmem:v1+s28+$0xFFFFFFB0], $0xffff  }
0x1a: {  	v13 =	vld.idx.msk [tilespmem:v0+s28+$0xFFFFFFC0], $0xffff  }
0x1b: {  	v14 =	vld.idx.msk [tilespmem:v1+s28+$0xFFFFFFC0], $0xffff  }
0x1c: {  	v15 =	vld.idx.msk [tilespmem:v0+s28+$0xFFFFFFD0], $0xffff  }
0x1d: {  	v16 =	vld.idx.msk [tilespmem:v1+s28+$0xFFFFFFD0], $0xffff  }
0x1e: {  	v17 =	vld.idx.msk [tilespmem:v0+s28+$0xFFFFFFE0], $0xffff  }
0x1f: {  	v18 =	vld.idx.msk [tilespmem:v1+s28+$0xFFFFFFE0], $0xffff  }
0x20: {  	v19 =	vld.idx.msk [tilespmem:v0+s28+$0xFFFFFFF0], $0xffff  }
0x21: {  	v20 =	vld.idx.msk [tilespmem:v1+s28+$0xFFFFFFF0], $0xffff  }
0x22: {  	s24 =	simm.s32 $0x2100;
	s25 =	simm.s32 $0xF0;
	v12 =	vld.idx.msk [tilespmem:v0+s28+$0xFFFFFF90], $0xffff;
	v5 =	vmin.f32 v5, v7  }
0x23: {  	v23 =	vld.idx.msk [tilespmem:v0+s25+$0x0], $0xffff;
	[tilespmem:s24+$0xC0] =	vst v5  }
0x24: {  	v5 =	vld.idx.msk [tilespmem:v2+s28+$0x0], $0xffff  }
0x25: {  	v24 =	vld.idx.msk [tilespmem:v1+s25+$0x0], $0xffff  }
0x26: {  	v25 =	vld.idx.msk [tilespmem:v1+s25+$0xFFFFFF90], $0xffff  }
0x27: {  	v26 =	vld.idx.msk [tilespmem:v1+s25+$0xFFFFFFA0], $0xffff;
	v9 =	vmin.f32 v9, v8  }
0x28: {  	v27 =	vld.idx.msk [tilespmem:v1+s25+$0xFFFFFFB0], $0xffff;
	v6 =	vmin.f32 v6, v12;
	[tilespmem:s24+$0xFFFFFF40] =	vst v9  }
0x29: {  	v61 =	vld.idx.msk [tilespmem:v1+s25+$0xFFFFFFC0], $0xffff;
	[tilespmem:s24+$0xFFFFFF00] =	vst v6;
	v5 =	vmin.f32 v5, v7  }
0x2a: {  	[tilespmem:s24+$0xD0] =	vst v5;
	v5 =	vmin.f32 v11, v10;
	v11 =	vld.idx.msk [tilespmem:v2+s28+$0xFFFFFFA0], $0xffff  }
0x2b: {  	v9 =	vld.idx.msk [tilespmem:v3+s28+$0x0], $0xffff;
	[tilespmem:s24+$0xFFFFFF80] =	vst v5;
	v5 =	vmin.f32 v14, v13  }
0x2c: {  	[tilespmem:s24+$0xFFFFFFC0] =	vst v5;
	v5 =	vmin.f32 v16, v15;
	v14 =	vld.idx.msk [tilespmem:v2+s28+$0xFFFFFFB0], $0xffff  }
0x2d: {  	[tilespmem:s24+$0x0] =	vst v5;
	v5 =	vmin.f32 v18, v17;
	v16 =	vld.idx.msk [tilespmem:v2+s28+$0xFFFFFFC0], $0xffff  }
0x2e: {  	v18 =	vmin.f32 v20, v19;
	[tilespmem:s24+$0x40] =	vst v5;
	v5 =	vld.idx.msk [tilespmem:v2+s28+$0xFFFFFFD0], $0xffff  }
0x2f: {  	[tilespmem:s24+$0x80] =	vst v18;
	v18 =	vld.idx.msk [tilespmem:v2+s28+$0xFFFFFF90], $0xffff  }
0x30: {  	v20 =	vld.idx.msk [tilespmem:v2+s28+$0xFFFFFFE0], $0xffff;
	v11 =	vmin.f32 v11, v8  }
0x31: {  	v6 =	vld.idx.msk [tilespmem:v2+s28+$0xFFFFFFF0], $0xffff;
	v9 =	vmin.f32 v9, v7;
	[tilespmem:s24+$0xFFFFFF50] =	vst v11  }
0x32: {  	[tilespmem:s24+$0xE0] =	vst v9;
	v9 =	vmin.f32 v14, v10;
	v14 =	vld.idx.msk [tilespmem:v3+s28+$0xFFFFFFA0], $0xffff  }
0x33: {  	v11 =	vld.idx.msk [tilespmem:v4+s28+$0x0], $0xffff;
	[tilespmem:s24+$0xFFFFFF90] =	vst v9;
	v9 =	vmin.f32 v16, v13  }
0x34: {  	v16 =	vld.idx.msk [tilespmem:v3+s28+$0xFFFFFFB0], $0xffff;
	[tilespmem:s24+$0xFFFFFFD0] =	vst v9;
	v5 =	vmin.f32 v5, v15  }
0x35: {  	v9 =	vld.idx.msk [tilespmem:v3+s28+$0xFFFFFFC0], $0xffff;
	[tilespmem:s24+$0x10] =	vst v5;
	v5 =	vmin.f32 v20, v17  }
0x36: {  	v20 =	vld.idx.msk [tilespmem:v3+s28+$0xFFFFFFD0], $0xffff;
	[tilespmem:s24+$0x50] =	vst v5;
	v5 =	vmin.f32 v6, v19  }
0x37: {  	v6 =	vmin.f32 v18, v12;
	v18 =	vld.idx.msk [tilespmem:v3+s28+$0xFFFFFFE0], $0xffff;
	[tilespmem:s24+$0x90] =	vst v5  }
0x38: {  	[tilespmem:s24+$0xFFFFFF10] =	vst v6;
	v6 =	vmin.f32 v14, v8;
	v5 =	vld.idx.msk [tilespmem:v3+s28+$0xFFFFFFF0], $0xffff  }
0x39: {  	v14 =	vld.idx.msk [tilespmem:v3+s28+$0xFFFFFF90], $0xffff;
	[tilespmem:s24+$0xFFFFFF60] =	vst v6;
	v7 =	vmin.f32 v11, v7  }
0x3a: {  	s26 =	simm.s32 $0x2300;
	v11 =	vmin.f32 v24, v23;
	v6 =	vmin.f32 v16, v10;
	v16 =	vld.idx.msk [tilespmem:v4+s28+$0xFFFFFFA0], $0xffff;
	[tilespmem:s24+$0xF0] =	vst v7  }
0x3b: {  	v7 =	vld.idx.msk [tilespmem:v0+s25+$0xFFFFFFC0], $0xffff;
	[tilespmem:s26+$0xC0] =	vst v11  }
0x3c: {  	v11 =	vld.idx.msk [tilespmem:v0+s25+$0xFFFFFFF0], $0xffff;
	[tilespmem:s24+$0xFFFFFFA0] =	vst v6;
	v6 =	vmin.f32 v9, v13  }
0x3d: {  	v9 =	vld.idx.msk [tilespmem:v4+s28+$0xFFFFFFB0], $0xffff;
	[tilespmem:s24+$0xFFFFFFE0] =	vst v6;
	v6 =	vmin.f32 v20, v15  }
0x3e: {  	v20 =	vld.idx.msk [tilespmem:v4+s28+$0xFFFFFFC0], $0xffff;
	[tilespmem:s24+$0x20] =	vst v6  }
0x3f: {  	v6 =	vmin.f32 v18, v17;
	v18 =	vld.idx.msk [tilespmem:v4+s28+$0xFFFFFFD0], $0xffff  }
0x40: {  	[tilespmem:s24+$0x60] =	vst v6;
	v6 =	vld.idx.msk [tilespmem:v0+s25+$0xFFFFFFB0], $0xffff  }
0x41: {  	v5 =	vmin.f32 v5, v19;
	v21 =	vld.idx.msk [tilespmem:v4+s28+$0xFFFFFFE0], $0xffff  }
0x42: {  	v14 =	vmin.f32 v14, v12;
	[tilespmem:s24+$0xA0] =	vst v5;
	v5 =	vld.idx.msk [tilespmem:v0+s25+$0xFFFFFFA0], $0xffff  }
0x43: {  	[tilespmem:s24+$0xFFFFFF20] =	vst v14;
	v8 =	vmin.f32 v16, v8;
	v14 =	vld.idx.msk [tilespmem:v2+s25+$0x0], $0xffff  }
0x44: {  	v16 =	vld.idx.msk [tilespmem:v1+s25+$0xFFFFFFF0], $0xffff;
	[tilespmem:s24+$0xFFFFFF70] =	vst v8;
	v8 =	vmin.f32 v9, v10  }
0x45: {  	v22 =	vld.idx.msk [tilespmem:v4+s28+$0xFFFFFFF0], $0xffff;
	[tilespmem:s24+$0xFFFFFFB0] =	vst v8;
	v8 =	vmin.f32 v20, v13  }
0x46: {  	v63 =	vld.idx.msk [tilespmem:v4+s28+$0xFFFFFF90], $0xffff;
	[tilespmem:s24+$0xFFFFFFF0] =	vst v8;
	v8 =	vmin.f32 v18, v15  }
0x47: {  	v9 =	vld.idx.msk [tilespmem:v0+s25+$0xFFFFFFD0], $0xffff;
	[tilespmem:s24+$0x30] =	vst v8;
	v8 =	vmin.f32 v21, v17  }
0x48: {  	v10 =	vld.idx.msk [tilespmem:v0+s25+$0xFFFFFFE0], $0xffff;
	v14 =	vmin.f32 v14, v23;
	[tilespmem:s24+$0x70] =	vst v8  }
0x49: {  	v13 =	vld.idx.msk [tilespmem:v1+s25+$0xFFFFFFD0], $0xffff;
	v17 =	vmin.f32 v26, v5;
	[tilespmem:s26+$0xD0] =	vst v14  }
0x4a: {  	v15 =	vld.idx.msk [tilespmem:v1+s25+$0xFFFFFFE0], $0xffff;
	v8 =	vmin.f32 v22, v19;
	[tilespmem:s26+$0xFFFFFF40] =	vst v17  }
0x4b: {  	v16 =	vmin.f32 v16, v11;
	[tilespmem:s24+$0xB0] =	vst v8;
	v8 =	vld.idx.msk [tilespmem:v0+s25+$0xFFFFFF90], $0xffff  }
0x4c: {  	v14 =	vmin.f32 v27, v6;
	[tilespmem:s26+$0x80] =	vst v16;
	v17 =	vld.idx.msk [tilespmem:v3+s25+$0x0], $0xffff  }
0x4d: {  	[tilespmem:s26+$0xFFFFFF80] =	vst v14;
	v14 =	vmin.f32 v61, v7;
	v18 =	vld.idx.msk [tilespmem:v2+s25+$0xFFFFFFA0], $0xffff  }
0x4e: {  	[tilespmem:s26+$0xFFFFFFC0] =	vst v14;
	v13 =	vmin.f32 v13, v9;
	v14 =	vld.idx.msk [tilespmem:v2+s25+$0xFFFFFFB0], $0xffff  }
0x4f: {  	[tilespmem:s26+$0x0] =	vst v13;
	v13 =	vmin.f32 v15, v10;
	v15 =	vld.idx.msk [tilespmem:v2+s25+$0xFFFFFFC0], $0xffff  }
0x50: {  	[tilespmem:s26+$0x40] =	vst v13;
	v13 =	vld.idx.msk [tilespmem:v2+s25+$0xFFFFFFD0], $0xffff;
	v19 =	vmin.f32 v25, v8  }
0x51: {  	v20 =	vld.idx.msk [tilespmem:v2+s25+$0xFFFFFFE0], $0xffff;
	v17 =	vmin.f32 v17, v23;
	[tilespmem:s26+$0xFFFFFF00] =	vst v19  }
0x52: {  	v16 =	vld.idx.msk [tilespmem:v2+s25+$0xFFFFFFF0], $0xffff;
	v18 =	vmin.f32 v18, v5;
	[tilespmem:s26+$0xE0] =	vst v17  }
0x53: {  	[tilespmem:s26+$0xFFFFFF50] =	vst v18;
	v14 =	vmin.f32 v14, v6;
	v19 =	vld.idx.msk [tilespmem:v2+s25+$0xFFFFFF90], $0xffff  }
0x54: {  	v17 =	vld.idx.msk [tilespmem:v4+s25+$0x0], $0xffff;
	[tilespmem:s26+$0xFFFFFF90] =	vst v14;
	v14 =	vmin.f32 v15, v7  }
0x55: {  	v18 =	vld.idx.msk [tilespmem:v3+s25+$0xFFFFFFA0], $0xffff;
	[tilespmem:s26+$0xFFFFFFD0] =	vst v14;
	v13 =	vmin.f32 v13, v9  }
0x56: {  	v15 =	vld.idx.msk [tilespmem:v3+s25+$0xFFFFFFB0], $0xffff;
	[tilespmem:s26+$0x10] =	vst v13;
	v13 =	vmin.f32 v20, v10  }
0x57: {  	v14 =	vld.idx.msk [tilespmem:v3+s25+$0xFFFFFFC0], $0xffff;
	[tilespmem:s26+$0x50] =	vst v13;
	v13 =	vmin.f32 v16, v11  }
0x58: {  	v20 =	vld.idx.msk [tilespmem:v3+s25+$0xFFFFFFD0], $0xffff;
	[tilespmem:s26+$0x90] =	vst v13;
	v16 =	vmin.f32 v19, v8  }
0x59: {  	v19 =	vld.idx.msk [tilespmem:v3+s25+$0xFFFFFFE0], $0xffff;
	v13 =	vmin.f32 v17, v23;
	[tilespmem:s26+$0xFFFFFF10] =	vst v16  }
0x5a: {  	v62 =	vld.idx.msk [tilespmem:v3+s25+$0xFFFFFFF0], $0xffff;
	v16 =	vmin.f32 v18, v5;
	[tilespmem:s26+$0xF0] =	vst v13  }
0x5b: {  	v13 =	vmin.f32 v15, v6;
	v17 =	vld.idx.msk [tilespmem:v3+s25+$0xFFFFFF90], $0xffff;
	[tilespmem:s26+$0xFFFFFF60] =	vst v16  }
0x5c: {  	[tilespmem:s26+$0xFFFFFFA0] =	vst v13;
	v13 =	vmin.f32 v14, v7;
	v16 =	vld.idx.msk [tilespmem:v4+s25+$0xFFFFFFA0], $0xffff  }
0x5d: {  	v14 =	vld.idx.msk [tilespmem:v4+s25+$0xFFFFFFB0], $0xffff;
	[tilespmem:s26+$0xFFFFFFE0] =	vst v13;
	v15 =	vmin.f32 v20, v9  }
0x5e: {  	v13 =	vld.idx.msk [tilespmem:v4+s25+$0xFFFFFFC0], $0xffff;
	[tilespmem:s26+$0x20] =	vst v15;
	v18 =	vmin.f32 v19, v10  }
0x5f: {  	v15 =	vld.idx.msk [tilespmem:v4+s25+$0xFFFFFFD0], $0xffff;
	[tilespmem:s26+$0x60] =	vst v18;
	v18 =	vmin.f32 v62, v11  }
0x60: {  	v19 =	vmin.f32 v17, v8;
	v17 =	vld.idx.msk [tilespmem:v4+s25+$0xFFFFFFE0], $0xffff;
	[tilespmem:s26+$0xA0] =	vst v18  }
0x61: {  	s29 =	simm.s32 $0x170;
	s28 =	simm.s32 $0x8;
	v12 =	vmin.f32 v63, v12;
	[tilespmem:s26+$0xFFFFFF20] =	vst v19;
	v18 =	vld.idx.msk [tilespmem:v4+s25+$0xFFFFFFF0], $0xffff  }
.LBB2_2:
0x62: {  	v19 =	vld.idx.msk [tilespmem:v0+s29+$0x0], $0xffff;
	v5 =	vmin.f32 v16, v5;
	[tilespmem:s24+$0xFFFFFF30] =	vst v12;
	s24 =	smov.u32 s26  }
0x63: {  	s28 =	sadd.s32 $0x8, s28;
	v12 =	vld.idx.msk [tilespmem:v1+s29+$0x0], $0xffff;
	[tilespmem:s26+$0xFFFFFF70] =	vst v5;
	v5 =	vmin.f32 v14, v6  }
0x64: {  	p0 =	slt.u32 s28, $0x38;
	v6 =	vmin.f32 v13, v7;
	v14 =	vld.idx.msk [tilespmem:v1+s29+$0xFFFFFF90], $0xffff;
	[tilespmem:s26+$0xFFFFFFB0] =	vst v5  }
0x65: {  	v5 =	vld.idx.msk [tilespmem:v0+s29+$0xFFFFFFA0], $0xffff;
	[tilespmem:s26+$0xFFFFFFF0] =	vst v6;
	v6 =	vmin.f32 v15, v9  }
0x66: {  	v7 =	vmin.f32 v17, v10;
	v9 =	vld.idx.msk [tilespmem:v1+s29+$0xFFFFFFA0], $0xffff;
	[tilespmem:s26+$0x30] =	vst v6  }
0x67: {  	v6 =	vld.idx.msk [tilespmem:v0+s29+$0xFFFFFFB0], $0xffff;
	[tilespmem:s26+$0x70] =	vst v7;
	v7 =	vmin.f32 v18, v11  }
0x68: {  	v10 =	vld.idx.msk [tilespmem:v1+s29+$0xFFFFFFB0], $0xffff;
	[tilespmem:s26+$0xB0] =	vst v7  }
0x69: {  	v11 =	vmin.f32 v12, v19;
	s26 =	sadd.s32 $0x200, s26;
	v7 =	vld.idx.msk [tilespmem:v0+s29+$0xFFFFFFC0], $0xffff  }
0x6a: {  	v12 =	vld.idx.msk [tilespmem:v1+s29+$0xFFFFFFC0], $0xffff;
	[tilespmem:s26+$0xC0] =	vst v11  }
0x6b: {  	v13 =	vld.idx.msk [tilespmem:v2+s29+$0x0], $0xffff  }
0x6c: {  	v11 =	vmin.f32 v9, v5;
	v9 =	vld.idx.msk [tilespmem:v0+s29+$0xFFFFFFD0], $0xffff  }
0x6d: {  	[tilespmem:s26+$0xFFFFFF40] =	vst v11;
	v15 =	vld.idx.msk [tilespmem:v1+s29+$0xFFFFFFD0], $0xffff  }
0x6e: {  	v11 =	vmin.f32 v10, v6;
	v10 =	vld.idx.msk [tilespmem:v0+s29+$0xFFFFFFE0], $0xffff  }
0x6f: {  	[tilespmem:s26+$0xFFFFFF80] =	vst v11;
	v16 =	vld.idx.msk [tilespmem:v1+s29+$0xFFFFFFE0], $0xffff  }
0x70: {  	v12 =	vmin.f32 v12, v7;
	v11 =	vld.idx.msk [tilespmem:v0+s29+$0xFFFFFFF0], $0xffff  }
0x71: {  	v13 =	vmin.f32 v13, v19;
	[tilespmem:s26+$0xFFFFFFC0] =	vst v12;
	v12 =	vld.idx.msk [tilespmem:v1+s29+$0xFFFFFFF0], $0xffff  }
0x72: {  	v20 =	vld.idx.msk [tilespmem:v0+s29+$0xFFFFFF90], $0xffff;
	[tilespmem:s26+$0xD0] =	vst v13  }
0x73: {  	v13 =	vmin.f32 v15, v9;
	v15 =	vld.idx.msk [tilespmem:v3+s29+$0x0], $0xffff  }
0x74: {  	v17 =	vld.idx.msk [tilespmem:v2+s29+$0xFFFFFFA0], $0xffff;
	[tilespmem:s26+$0x0] =	vst v13  }
0x75: {  	v16 =	vmin.f32 v16, v10;
	v13 =	vld.idx.msk [tilespmem:v2+s29+$0xFFFFFFB0], $0xffff  }
0x76: {  	v18 =	vld.idx.msk [tilespmem:v2+s29+$0xFFFFFFC0], $0xffff;
	[tilespmem:s26+$0x40] =	vst v16  }
0x77: {  	v12 =	vmin.f32 v12, v11;
	v16 =	vld.idx.msk [tilespmem:v2+s29+$0xFFFFFFD0], $0xffff  }
0x78: {  	v14 =	vmin.f32 v14, v20;
	v21 =	vld.idx.msk [tilespmem:v2+s29+$0xFFFFFFE0], $0xffff;
	[tilespmem:s26+$0x80] =	vst v12  }
0x79: {  	[tilespmem:s26+$0xFFFFFF00] =	vst v14;
	v12 =	vld.idx.msk [tilespmem:v2+s29+$0xFFFFFFF0], $0xffff;
	v14 =	vmin.f32 v15, v19  }
0x7a: {  	v17 =	vmin.f32 v17, v5;
	v15 =	vld.idx.msk [tilespmem:v2+s29+$0xFFFFFF90], $0xffff;
	[tilespmem:s26+$0xE0] =	vst v14  }
0x7b: {  	v13 =	vmin.f32 v13, v6;
	[tilespmem:s26+$0xFFFFFF50] =	vst v17;
	v14 =	vld.idx.msk [tilespmem:v4+s29+$0x0], $0xffff  }
0x7c: {  	v17 =	vld.idx.msk [tilespmem:v3+s29+$0xFFFFFFA0], $0xffff;
	[tilespmem:s26+$0xFFFFFF90] =	vst v13;
	v13 =	vmin.f32 v18, v7  }
0x7d: {  	v18 =	vld.idx.msk [tilespmem:v3+s29+$0xFFFFFFB0], $0xffff;
	[tilespmem:s26+$0xFFFFFFD0] =	vst v13;
	v13 =	vmin.f32 v16, v9  }
0x7e: {  	v22 =	vld.idx.msk [tilespmem:v3+s29+$0xFFFFFFC0], $0xffff;
	[tilespmem:s26+$0x10] =	vst v13;
	v13 =	vmin.f32 v21, v10  }
0x7f: {  	v12 =	vmin.f32 v12, v11;
	v21 =	vld.idx.msk [tilespmem:v3+s29+$0xFFFFFFD0], $0xffff;
	[tilespmem:s26+$0x50] =	vst v13  }
0x80: {  	v13 =	vmin.f32 v15, v20;
	v15 =	vld.idx.msk [tilespmem:v3+s29+$0xFFFFFFE0], $0xffff;
	[tilespmem:s26+$0x90] =	vst v12  }
0x81: {  	[tilespmem:s26+$0xFFFFFF10] =	vst v13;
	v12 =	vld.idx.msk [tilespmem:v3+s29+$0xFFFFFFF0], $0xffff;
	v13 =	vmin.f32 v14, v19  }
0x82: {  	v14 =	vmin.f32 v17, v5;
	v19 =	vld.idx.msk [tilespmem:v3+s29+$0xFFFFFF90], $0xffff;
	[tilespmem:s26+$0xF0] =	vst v13  }
0x83: {  	v13 =	vmin.f32 v18, v6;
	[tilespmem:s26+$0xFFFFFF60] =	vst v14;
	v23 =	vld.idx.msk [tilespmem:v4+s25+$0xFFFFFF90], $0xffff;
	s25 =	smov.u32 s29  }
0x84: {  	v16 =	vld.idx.msk [tilespmem:v4+s29+$0xFFFFFFA0], $0xffff;
	[tilespmem:s26+$0xFFFFFFA0] =	vst v13;
	v13 =	vmin.f32 v22, v7  }
.Ltmp0:
0x85: {  	v17 =	vmin.f32 v21, v9;
	v14 =	vld.idx.msk [tilespmem:v4+s29+$0xFFFFFFB0], $0xffff;
	[tilespmem:s26+$0xFFFFFFE0] =	vst v13;
	(pc) =	sbr.rel @p0 .LBB2_2-.Ltmp0, $4  }
0x86: {  	v13 =	vld.idx.msk [tilespmem:v4+s29+$0xFFFFFFC0], $0xffff;
	[tilespmem:s26+$0x20] =	vst v17;
	v17 =	vmin.f32 v15, v10  }
0x87: {  	v12 =	vmin.f32 v12, v11;
	v15 =	vld.idx.msk [tilespmem:v4+s29+$0xFFFFFFD0], $0xffff;
	[tilespmem:s26+$0x60] =	vst v17  }
0x88: {  	v18 =	vmin.f32 v19, v20;
	v17 =	vld.idx.msk [tilespmem:v4+s29+$0xFFFFFFE0], $0xffff;
	[tilespmem:s26+$0xA0] =	vst v12  }
0x89: {  	s29 =	sadd.s32 $0x80, s29;
	v12 =	vmin.f32 v23, v8;
	v8 =	vmov v20;
	[tilespmem:s26+$0xFFFFFF20] =	vst v18;
	v18 =	vld.idx.msk [tilespmem:v4+s25+$0xFFFFFFF0], $0xffff  }
0x8a: {  	_ =	sdelay $0x2  }
0x8b: {  	v5 =	vmin.f32 v16, v5;
	[tilespmem:s24+$0xFFFFFF30] =	vst v12  }
0x8c: {  	[tilespmem:s26+$0xFFFFFF70] =	vst v5;
	v5 =	vmin.f32 v14, v6;
	v6 =	vld.idx.msk [tilespmem:v4+s25+$0xFFFFFF90], $0xffff  }
0x8d: {  	[tilespmem:s26+$0xFFFFFFB0] =	vst v5;
	v5 =	vmin.f32 v13, v7  }
0x8e: {  	[tilespmem:s26+$0xFFFFFFF0] =	vst v5;
	v5 =	vmin.f32 v15, v9  }
0x8f: {  	[tilespmem:s26+$0x30] =	vst v5;
	v5 =	vmin.f32 v17, v10  }
0x90: {  	[tilespmem:s26+$0x70] =	vst v5;
	v5 =	vmin.f32 v18, v11  }
0x91: {  	[tilespmem:s26+$0xB0] =	vst v5;
	v5 =	vmin.f32 v6, v8  }
0x92: {  	s28 =	simm.s32 $0x470;
	[tilespmem:s26+$0xFFFFFF30] =	vst v5  }
0x93: {  	[hbm4b:s3+s2] =	stream.linear.scatter [tilespmem:s14], [sflag:$0x1], $0x1000, $0x38;
	[tilespmem:$0xA000] =	vst v63  }
0x94: {  	v7 =	vld.idx.msk [tilespmem:v0+s28+$0x0], $0xffff  }
0x95: {  	v5 =	vld.idx.msk [tilespmem:v1+s28+$0x0], $0xffff  }
0x96: {  	v6 =	vld.idx.msk [tilespmem:v1+s28+$0xFFFFFF90], $0xffff  }
0x97: {  	v8 =	vld.idx.msk [tilespmem:v0+s28+$0xFFFFFFA0], $0xffff  }
0x98: {  	v9 =	vld.idx.msk [tilespmem:v1+s28+$0xFFFFFFA0], $0xffff  }
0x99: {  	v10 =	vld.idx.msk [tilespmem:v0+s28+$0xFFFFFFB0], $0xffff  }
0x9a: {  	v11 =	vld.idx.msk [tilespmem:v1+s28+$0xFFFFFFB0], $0xffff  }
0x9b: {  	v13 =	vld.idx.msk [tilespmem:v0+s28+$0xFFFFFFC0], $0xffff  }
0x9c: {  	v14 =	vld.idx.msk [tilespmem:v1+s28+$0xFFFFFFC0], $0xffff  }
0x9d: {  	v15 =	vld.idx.msk [tilespmem:v0+s28+$0xFFFFFFD0], $0xffff  }
0x9e: {  	v16 =	vld.idx.msk [tilespmem:v1+s28+$0xFFFFFFD0], $0xffff  }
0x9f: {  	v17 =	vld.idx.msk [tilespmem:v0+s28+$0xFFFFFFE0], $0xffff  }
0xa0: {  	v18 =	vld.idx.msk [tilespmem:v1+s28+$0xFFFFFFE0], $0xffff  }
0xa1: {  	v19 =	vld.idx.msk [tilespmem:v0+s28+$0xFFFFFFF0], $0xffff  }
0xa2: {  	v20 =	vld.idx.msk [tilespmem:v1+s28+$0xFFFFFFF0], $0xffff  }
0xa3: {  	s24 =	simm.s32 $0x31F0;
	s25 =	simm.s32 $0x4F0;
	v12 =	vld.idx.msk [tilespmem:v0+s28+$0xFFFFFF90], $0xffff;
	v5 =	vmin.f32 v5, v7  }
0xa4: {  	v23 =	vld.idx.msk [tilespmem:v0+s25+$0x0], $0xffff;
	[tilespmem:s24+$0xFFFFFFD0] =	vst v5  }
0xa5: {  	v5 =	vld.idx.msk [tilespmem:v2+s28+$0x0], $0xffff  }
0xa6: {  	v24 =	vld.idx.msk [tilespmem:v1+s25+$0x0], $0xffff  }
0xa7: {  	v25 =	vld.idx.msk [tilespmem:v1+s25+$0xFFFFFF90], $0xffff  }
0xa8: {  	v26 =	vld.idx.msk [tilespmem:v1+s25+$0xFFFFFFA0], $0xffff;
	v9 =	vmin.f32 v9, v8  }
0xa9: {  	v27 =	vld.idx.msk [tilespmem:v1+s25+$0xFFFFFFB0], $0xffff;
	v6 =	vmin.f32 v6, v12;
	[tilespmem:s24+$0xFFFFFE50] =	vst v9  }
0xaa: {  	v61 =	vld.idx.msk [tilespmem:v1+s25+$0xFFFFFFC0], $0xffff;
	[tilespmem:s24+$0xFFFFFE10] =	vst v6;
	v5 =	vmin.f32 v5, v7  }
0xab: {  	[tilespmem:s24+$0xFFFFFFE0] =	vst v5;
	v5 =	vmin.f32 v11, v10;
	v11 =	vld.idx.msk [tilespmem:v2+s28+$0xFFFFFFA0], $0xffff  }
0xac: {  	v9 =	vld.idx.msk [tilespmem:v3+s28+$0x0], $0xffff;
	[tilespmem:s24+$0xFFFFFE90] =	vst v5;
	v5 =	vmin.f32 v14, v13  }
0xad: {  	[tilespmem:s24+$0xFFFFFED0] =	vst v5;
	v5 =	vmin.f32 v16, v15;
	v14 =	vld.idx.msk [tilespmem:v2+s28+$0xFFFFFFB0], $0xffff  }
0xae: {  	[tilespmem:s24+$0xFFFFFF10] =	vst v5;
	v5 =	vmin.f32 v18, v17;
	v16 =	vld.idx.msk [tilespmem:v2+s28+$0xFFFFFFC0], $0xffff  }
0xaf: {  	v18 =	vmin.f32 v20, v19;
	[tilespmem:s24+$0xFFFFFF50] =	vst v5;
	v5 =	vld.idx.msk [tilespmem:v2+s28+$0xFFFFFFD0], $0xffff  }
0xb0: {  	[tilespmem:s24+$0xFFFFFF90] =	vst v18;
	v18 =	vld.idx.msk [tilespmem:v2+s28+$0xFFFFFF90], $0xffff  }
0xb1: {  	v20 =	vld.idx.msk [tilespmem:v2+s28+$0xFFFFFFE0], $0xffff;
	v11 =	vmin.f32 v11, v8  }
0xb2: {  	v6 =	vld.idx.msk [tilespmem:v2+s28+$0xFFFFFFF0], $0xffff;
	v9 =	vmin.f32 v9, v7;
	[tilespmem:s24+$0xFFFFFE60] =	vst v11  }
0xb3: {  	[tilespmem:s24+$0xFFFFFFF0] =	vst v9;
	v9 =	vmin.f32 v14, v10;
	v14 =	vld.idx.msk [tilespmem:v3+s28+$0xFFFFFFA0], $0xffff  }
0xb4: {  	v11 =	vld.idx.msk [tilespmem:v4+s28+$0x0], $0xffff;
	[tilespmem:s24+$0xFFFFFEA0] =	vst v9;
	v9 =	vmin.f32 v16, v13  }
0xb5: {  	v16 =	vld.idx.msk [tilespmem:v3+s28+$0xFFFFFFB0], $0xffff;
	[tilespmem:s24+$0xFFFFFEE0] =	vst v9;
	v5 =	vmin.f32 v5, v15  }
0xb6: {  	v9 =	vld.idx.msk [tilespmem:v3+s28+$0xFFFFFFC0], $0xffff;
	[tilespmem:s24+$0xFFFFFF20] =	vst v5;
	v5 =	vmin.f32 v20, v17  }
0xb7: {  	v20 =	vld.idx.msk [tilespmem:v3+s28+$0xFFFFFFD0], $0xffff;
	[tilespmem:s24+$0xFFFFFF60] =	vst v5;
	v5 =	vmin.f32 v6, v19  }
0xb8: {  	v6 =	vmin.f32 v18, v12;
	v18 =	vld.idx.msk [tilespmem:v3+s28+$0xFFFFFFE0], $0xffff;
	[tilespmem:s24+$0xFFFFFFA0] =	vst v5  }
0xb9: {  	[tilespmem:s24+$0xFFFFFE20] =	vst v6;
	v6 =	vmin.f32 v14, v8;
	v5 =	vld.idx.msk [tilespmem:v3+s28+$0xFFFFFFF0], $0xffff  }
0xba: {  	v14 =	vld.idx.msk [tilespmem:v3+s28+$0xFFFFFF90], $0xffff;
	[tilespmem:s24+$0xFFFFFE70] =	vst v6;
	v7 =	vmin.f32 v11, v7  }
0xbb: {  	s26 =	simm.s32 $0x33F0;
	v11 =	vmin.f32 v24, v23;
	v6 =	vmin.f32 v16, v10;
	v16 =	vld.idx.msk [tilespmem:v4+s28+$0xFFFFFFA0], $0xffff;
	[tilespmem:s24+$0x0] =	vst v7  }
0xbc: {  	v7 =	vld.idx.msk [tilespmem:v0+s25+$0xFFFFFFC0], $0xffff;
	[tilespmem:s26+$0xFFFFFFD0] =	vst v11  }
0xbd: {  	v11 =	vld.idx.msk [tilespmem:v0+s25+$0xFFFFFFF0], $0xffff;
	[tilespmem:s24+$0xFFFFFEB0] =	vst v6;
	v6 =	vmin.f32 v9, v13  }
0xbe: {  	v9 =	vld.idx.msk [tilespmem:v4+s28+$0xFFFFFFB0], $0xffff;
	[tilespmem:s24+$0xFFFFFEF0] =	vst v6;
	v6 =	vmin.f32 v20, v15  }
0xbf: {  	v20 =	vld.idx.msk [tilespmem:v4+s28+$0xFFFFFFC0], $0xffff;
	[tilespmem:s24+$0xFFFFFF30] =	vst v6  }
0xc0: {  	v6 =	vmin.f32 v18, v17;
	v18 =	vld.idx.msk [tilespmem:v4+s28+$0xFFFFFFD0], $0xffff  }
0xc1: {  	[tilespmem:s24+$0xFFFFFF70] =	vst v6;
	v6 =	vld.idx.msk [tilespmem:v0+s25+$0xFFFFFFB0], $0xffff  }
0xc2: {  	v5 =	vmin.f32 v5, v19;
	v21 =	vld.idx.msk [tilespmem:v4+s28+$0xFFFFFFE0], $0xffff  }
0xc3: {  	v14 =	vmin.f32 v14, v12;
	[tilespmem:s24+$0xFFFFFFB0] =	vst v5;
	v5 =	vld.idx.msk [tilespmem:v0+s25+$0xFFFFFFA0], $0xffff  }
0xc4: {  	[tilespmem:s24+$0xFFFFFE30] =	vst v14;
	v8 =	vmin.f32 v16, v8;
	v14 =	vld.idx.msk [tilespmem:v2+s25+$0x0], $0xffff  }
0xc5: {  	v16 =	vld.idx.msk [tilespmem:v1+s25+$0xFFFFFFF0], $0xffff;
	[tilespmem:s24+$0xFFFFFE80] =	vst v8;
	v8 =	vmin.f32 v9, v10  }
0xc6: {  	v22 =	vld.idx.msk [tilespmem:v4+s28+$0xFFFFFFF0], $0xffff;
	[tilespmem:s24+$0xFFFFFEC0] =	vst v8;
	v8 =	vmin.f32 v20, v13  }
0xc7: {  	v63 =	vld.idx.msk [tilespmem:v4+s28+$0xFFFFFF90], $0xffff;
	[tilespmem:s24+$0xFFFFFF00] =	vst v8;
	v8 =	vmin.f32 v18, v15  }
0xc8: {  	v9 =	vld.idx.msk [tilespmem:v0+s25+$0xFFFFFFD0], $0xffff;
	[tilespmem:s24+$0xFFFFFF40] =	vst v8;
	v8 =	vmin.f32 v21, v17  }
0xc9: {  	v10 =	vld.idx.msk [tilespmem:v0+s25+$0xFFFFFFE0], $0xffff;
	v14 =	vmin.f32 v14, v23;
	[tilespmem:s24+$0xFFFFFF80] =	vst v8  }
0xca: {  	v13 =	vld.idx.msk [tilespmem:v1+s25+$0xFFFFFFD0], $0xffff;
	v17 =	vmin.f32 v26, v5;
	[tilespmem:s26+$0xFFFFFFE0] =	vst v14  }
0xcb: {  	v15 =	vld.idx.msk [tilespmem:v1+s25+$0xFFFFFFE0], $0xffff;
	v8 =	vmin.f32 v22, v19;
	[tilespmem:s26+$0xFFFFFE50] =	vst v17  }
0xcc: {  	v16 =	vmin.f32 v16, v11;
	[tilespmem:s24+$0xFFFFFFC0] =	vst v8;
	v8 =	vld.idx.msk [tilespmem:v0+s25+$0xFFFFFF90], $0xffff  }
0xcd: {  	v14 =	vmin.f32 v27, v6;
	[tilespmem:s26+$0xFFFFFF90] =	vst v16;
	v17 =	vld.idx.msk [tilespmem:v3+s25+$0x0], $0xffff  }
0xce: {  	[tilespmem:s26+$0xFFFFFE90] =	vst v14;
	v14 =	vmin.f32 v61, v7;
	v18 =	vld.idx.msk [tilespmem:v2+s25+$0xFFFFFFA0], $0xffff  }
0xcf: {  	[tilespmem:s26+$0xFFFFFED0] =	vst v14;
	v13 =	vmin.f32 v13, v9;
	v14 =	vld.idx.msk [tilespmem:v2+s25+$0xFFFFFFB0], $0xffff  }
0xd0: {  	[tilespmem:s26+$0xFFFFFF10] =	vst v13;
	v13 =	vmin.f32 v15, v10;
	v15 =	vld.idx.msk [tilespmem:v2+s25+$0xFFFFFFC0], $0xffff  }
0xd1: {  	[tilespmem:s26+$0xFFFFFF50] =	vst v13;
	v13 =	vld.idx.msk [tilespmem:v2+s25+$0xFFFFFFD0], $0xffff;
	v19 =	vmin.f32 v25, v8  }
0xd2: {  	v20 =	vld.idx.msk [tilespmem:v2+s25+$0xFFFFFFE0], $0xffff;
	v17 =	vmin.f32 v17, v23;
	[tilespmem:s26+$0xFFFFFE10] =	vst v19  }
0xd3: {  	v16 =	vld.idx.msk [tilespmem:v2+s25+$0xFFFFFFF0], $0xffff;
	v18 =	vmin.f32 v18, v5;
	[tilespmem:s26+$0xFFFFFFF0] =	vst v17  }
0xd4: {  	[tilespmem:s26+$0xFFFFFE60] =	vst v18;
	v14 =	vmin.f32 v14, v6;
	v19 =	vld.idx.msk [tilespmem:v2+s25+$0xFFFFFF90], $0xffff  }
0xd5: {  	v17 =	vld.idx.msk [tilespmem:v4+s25+$0x0], $0xffff;
	[tilespmem:s26+$0xFFFFFEA0] =	vst v14;
	v14 =	vmin.f32 v15, v7  }
0xd6: {  	v18 =	vld.idx.msk [tilespmem:v3+s25+$0xFFFFFFA0], $0xffff;
	[tilespmem:s26+$0xFFFFFEE0] =	vst v14;
	v13 =	vmin.f32 v13, v9  }
0xd7: {  	v15 =	vld.idx.msk [tilespmem:v3+s25+$0xFFFFFFB0], $0xffff;
	[tilespmem:s26+$0xFFFFFF20] =	vst v13;
	v13 =	vmin.f32 v20, v10  }
0xd8: {  	v14 =	vld.idx.msk [tilespmem:v3+s25+$0xFFFFFFC0], $0xffff;
	[tilespmem:s26+$0xFFFFFF60] =	vst v13;
	v13 =	vmin.f32 v16, v11  }
0xd9: {  	v20 =	vld.idx.msk [tilespmem:v3+s25+$0xFFFFFFD0], $0xffff;
	[tilespmem:s26+$0xFFFFFFA0] =	vst v13;
	v16 =	vmin.f32 v19, v8  }
0xda: {  	v19 =	vld.idx.msk [tilespmem:v3+s25+$0xFFFFFFE0], $0xffff;
	v13 =	vmin.f32 v17, v23;
	[tilespmem:s26+$0xFFFFFE20] =	vst v16  }
0xdb: {  	v62 =	vld.idx.msk [tilespmem:v3+s25+$0xFFFFFFF0], $0xffff;
	v16 =	vmin.f32 v18, v5;
	[tilespmem:s26+$0x0] =	vst v13  }
0xdc: {  	v13 =	vmin.f32 v15, v6;
	v17 =	vld.idx.msk [tilespmem:v3+s25+$0xFFFFFF90], $0xffff;
	[tilespmem:s26+$0xFFFFFE70] =	vst v16  }
0xdd: {  	[tilespmem:s26+$0xFFFFFEB0] =	vst v13;
	v13 =	vmin.f32 v14, v7;
	v16 =	vld.idx.msk [tilespmem:v4+s25+$0xFFFFFFA0], $0xffff  }
0xde: {  	v14 =	vld.idx.msk [tilespmem:v4+s25+$0xFFFFFFB0], $0xffff;
	[tilespmem:s26+$0xFFFFFEF0] =	vst v13;
	v15 =	vmin.f32 v20, v9  }
0xdf: {  	v13 =	vld.idx.msk [tilespmem:v4+s25+$0xFFFFFFC0], $0xffff;
	[tilespmem:s26+$0xFFFFFF30] =	vst v15;
	v18 =	vmin.f32 v19, v10  }
0xe0: {  	v15 =	vld.idx.msk [tilespmem:v4+s25+$0xFFFFFFD0], $0xffff;
	[tilespmem:s26+$0xFFFFFF70] =	vst v18;
	v18 =	vmin.f32 v62, v11  }
0xe1: {  	v19 =	vmin.f32 v17, v8;
	v17 =	vld.idx.msk [tilespmem:v4+s25+$0xFFFFFFE0], $0xffff;
	[tilespmem:s26+$0xFFFFFFB0] =	vst v18  }
0xe2: {  	s29 =	simm.s32 $0x570;
	s28 =	simm.s32 $0x48;
	v12 =	vmin.f32 v63, v12;
	[tilespmem:s26+$0xFFFFFE30] =	vst v19;
	v18 =	vld.idx.msk [tilespmem:v4+s25+$0xFFFFFFF0], $0xffff  }
.LBB2_4:
0xe3: {  	v19 =	vld.idx.msk [tilespmem:v0+s29+$0x0], $0xffff;
	v5 =	vmin.f32 v16, v5;
	[tilespmem:s24+$0xFFFFFE40] =	vst v12;
	s24 =	smov.u32 s26  }
0xe4: {  	s28 =	sadd.s32 $0x8, s28;
	v12 =	vld.idx.msk [tilespmem:v1+s29+$0x0], $0xffff;
	[tilespmem:s26+$0xFFFFFE80] =	vst v5;
	v5 =	vmin.f32 v14, v6  }
0xe5: {  	p0 =	slt.u32 s28, $0x78;
	v6 =	vmin.f32 v13, v7;
	v14 =	vld.idx.msk [tilespmem:v1+s29+$0xFFFFFF90], $0xffff;
	[tilespmem:s26+$0xFFFFFEC0] =	vst v5  }
0xe6: {  	v5 =	vld.idx.msk [tilespmem:v0+s29+$0xFFFFFFA0], $0xffff;
	[tilespmem:s26+$0xFFFFFF00] =	vst v6;
	v6 =	vmin.f32 v15, v9  }
0xe7: {  	v7 =	vmin.f32 v17, v10;
	v9 =	vld.idx.msk [tilespmem:v1+s29+$0xFFFFFFA0], $0xffff;
	[tilespmem:s26+$0xFFFFFF40] =	vst v6  }
0xe8: {  	v6 =	vld.idx.msk [tilespmem:v0+s29+$0xFFFFFFB0], $0xffff;
	[tilespmem:s26+$0xFFFFFF80] =	vst v7;
	v7 =	vmin.f32 v18, v11  }
0xe9: {  	v10 =	vld.idx.msk [tilespmem:v1+s29+$0xFFFFFFB0], $0xffff;
	[tilespmem:s26+$0xFFFFFFC0] =	vst v7  }
0xea: {  	v11 =	vmin.f32 v12, v19;
	s26 =	sadd.s32 $0x200, s26;
	v7 =	vld.idx.msk [tilespmem:v0+s29+$0xFFFFFFC0], $0xffff  }
0xeb: {  	v12 =	vld.idx.msk [tilespmem:v1+s29+$0xFFFFFFC0], $0xffff;
	[tilespmem:s26+$0xFFFFFFD0] =	vst v11  }
0xec: {  	v13 =	vld.idx.msk [tilespmem:v2+s29+$0x0], $0xffff  }
0xed: {  	v11 =	vmin.f32 v9, v5;
	v9 =	vld.idx.msk [tilespmem:v0+s29+$0xFFFFFFD0], $0xffff  }
0xee: {  	[tilespmem:s26+$0xFFFFFE50] =	vst v11;
	v15 =	vld.idx.msk [tilespmem:v1+s29+$0xFFFFFFD0], $0xffff  }
0xef: {  	v11 =	vmin.f32 v10, v6;
	v10 =	vld.idx.msk [tilespmem:v0+s29+$0xFFFFFFE0], $0xffff  }
0xf0: {  	[tilespmem:s26+$0xFFFFFE90] =	vst v11;
	v16 =	vld.idx.msk [tilespmem:v1+s29+$0xFFFFFFE0], $0xffff  }
0xf1: {  	v12 =	vmin.f32 v12, v7;
	v11 =	vld.idx.msk [tilespmem:v0+s29+$0xFFFFFFF0], $0xffff  }
0xf2: {  	v13 =	vmin.f32 v13, v19;
	[tilespmem:s26+$0xFFFFFED0] =	vst v12;
	v12 =	vld.idx.msk [tilespmem:v1+s29+$0xFFFFFFF0], $0xffff  }
0xf3: {  	v20 =	vld.idx.msk [tilespmem:v0+s29+$0xFFFFFF90], $0xffff;
	[tilespmem:s26+$0xFFFFFFE0] =	vst v13  }
0xf4: {  	v13 =	vmin.f32 v15, v9;
	v15 =	vld.idx.msk [tilespmem:v3+s29+$0x0], $0xffff  }
0xf5: {  	v17 =	vld.idx.msk [tilespmem:v2+s29+$0xFFFFFFA0], $0xffff;
	[tilespmem:s26+$0xFFFFFF10] =	vst v13  }
0xf6: {  	v16 =	vmin.f32 v16, v10;
	v13 =	vld.idx.msk [tilespmem:v2+s29+$0xFFFFFFB0], $0xffff  }
0xf7: {  	v18 =	vld.idx.msk [tilespmem:v2+s29+$0xFFFFFFC0], $0xffff;
	[tilespmem:s26+$0xFFFFFF50] =	vst v16  }
0xf8: {  	v12 =	vmin.f32 v12, v11;
	v16 =	vld.idx.msk [tilespmem:v2+s29+$0xFFFFFFD0], $0xffff  }
0xf9: {  	v14 =	vmin.f32 v14, v20;
	v21 =	vld.idx.msk [tilespmem:v2+s29+$0xFFFFFFE0], $0xffff;
	[tilespmem:s26+$0xFFFFFF90] =	vst v12  }
0xfa: {  	[tilespmem:s26+$0xFFFFFE10] =	vst v14;
	v12 =	vld.idx.msk [tilespmem:v2+s29+$0xFFFFFFF0], $0xffff;
	v14 =	vmin.f32 v15, v19  }
0xfb: {  	v17 =	vmin.f32 v17, v5;
	v15 =	vld.idx.msk [tilespmem:v2+s29+$0xFFFFFF90], $0xffff;
	[tilespmem:s26+$0xFFFFFFF0] =	vst v14  }
0xfc: {  	v13 =	vmin.f32 v13, v6;
	[tilespmem:s26+$0xFFFFFE60] =	vst v17;
	v14 =	vld.idx.msk [tilespmem:v4+s29+$0x0], $0xffff  }
0xfd: {  	v17 =	vld.idx.msk [tilespmem:v3+s29+$0xFFFFFFA0], $0xffff;
	[tilespmem:s26+$0xFFFFFEA0] =	vst v13;
	v13 =	vmin.f32 v18, v7  }
0xfe: {  	v18 =	vld.idx.msk [tilespmem:v3+s29+$0xFFFFFFB0], $0xffff;
	[tilespmem:s26+$0xFFFFFEE0] =	vst v13;
	v13 =	vmin.f32 v16, v9  }
0xff: {  	v22 =	vld.idx.msk [tilespmem:v3+s29+$0xFFFFFFC0], $0xffff;
	[tilespmem:s26+$0xFFFFFF20] =	vst v13;
	v13 =	vmin.f32 v21, v10  }
0x100: {  	v12 =	vmin.f32 v12, v11;
	v21 =	vld.idx.msk [tilespmem:v3+s29+$0xFFFFFFD0], $0xffff;
	[tilespmem:s26+$0xFFFFFF60] =	vst v13  }
0x101: {  	v13 =	vmin.f32 v15, v20;
	v15 =	vld.idx.msk [tilespmem:v3+s29+$0xFFFFFFE0], $0xffff;
	[tilespmem:s26+$0xFFFFFFA0] =	vst v12  }
0x102: {  	[tilespmem:s26+$0xFFFFFE20] =	vst v13;
	v12 =	vld.idx.msk [tilespmem:v3+s29+$0xFFFFFFF0], $0xffff;
	v13 =	vmin.f32 v14, v19  }
0x103: {  	v14 =	vmin.f32 v17, v5;
	v19 =	vld.idx.msk [tilespmem:v3+s29+$0xFFFFFF90], $0xffff;
	[tilespmem:s26+$0x0] =	vst v13  }
0x104: {  	v13 =	vmin.f32 v18, v6;
	[tilespmem:s26+$0xFFFFFE70] =	vst v14;
	v23 =	vld.idx.msk [tilespmem:v4+s25+$0xFFFFFF90], $0xffff;
	s25 =	smov.u32 s29  }
0x105: {  	v16 =	vld.idx.msk [tilespmem:v4+s29+$0xFFFFFFA0], $0xffff;
	[tilespmem:s26+$0xFFFFFEB0] =	vst v13;
	v13 =	vmin.f32 v22, v7  }
.Ltmp1:
0x106: {  	v17 =	vmin.f32 v21, v9;
	v14 =	vld.idx.msk [tilespmem:v4+s29+$0xFFFFFFB0], $0xffff;
	[tilespmem:s26+$0xFFFFFEF0] =	vst v13;
	(pc) =	sbr.rel @p0 .LBB2_4-.Ltmp1, $4  }
0x107: {  	v13 =	vld.idx.msk [tilespmem:v4+s29+$0xFFFFFFC0], $0xffff;
	[tilespmem:s26+$0xFFFFFF30] =	vst v17;
	v17 =	vmin.f32 v15, v10  }
0x108: {  	v12 =	vmin.f32 v12, v11;
	v15 =	vld.idx.msk [tilespmem:v4+s29+$0xFFFFFFD0], $0xffff;
	[tilespmem:s26+$0xFFFFFF70] =	vst v17  }
0x109: {  	v18 =	vmin.f32 v19, v20;
	v17 =	vld.idx.msk [tilespmem:v4+s29+$0xFFFFFFE0], $0xffff;
	[tilespmem:s26+$0xFFFFFFB0] =	vst v12  }
0x10a: {  	s29 =	sadd.s32 $0x80, s29;
	v12 =	vmin.f32 v23, v8;
	v8 =	vmov v20;
	[tilespmem:s26+$0xFFFFFE30] =	vst v18;
	v18 =	vld.idx.msk [tilespmem:v4+s25+$0xFFFFFFF0], $0xffff  }
0x10b: {  	_ =	sdelay $0x2  }
0x10c: {  	v5 =	vmin.f32 v16, v5;
	[tilespmem:s24+$0xFFFFFE40] =	vst v12  }
0x10d: {  	[tilespmem:s26+$0xFFFFFE80] =	vst v5;
	v5 =	vmin.f32 v14, v6;
	v6 =	vld.idx.msk [tilespmem:v4+s25+$0xFFFFFF90], $0xffff  }
0x10e: {  	[tilespmem:s26+$0xFFFFFEC0] =	vst v5;
	v5 =	vmin.f32 v13, v7  }
0x10f: {  	[tilespmem:s26+$0xFFFFFF00] =	vst v5;
	v5 =	vmin.f32 v15, v9  }
0x110: {  	[tilespmem:s26+$0xFFFFFF40] =	vst v5;
	v5 =	vmin.f32 v17, v10  }
0x111: {  	[tilespmem:s26+$0xFFFFFF80] =	vst v5;
	v5 =	vmin.f32 v18, v11  }
0x112: {  	[tilespmem:s26+$0xFFFFFFC0] =	vst v5;
	v5 =	vmin.f32 v6, v8  }
0x113: {  	s28 =	simm.s32 $0x870;
	[tilespmem:s26+$0xFFFFFE40] =	vst v5  }
0x114: {  	[hbm4b:s5+s2] =	stream.linear.scatter [tilespmem:s15], [sflag:$0x1], $0x1000, $0x38;
	[tilespmem:$0xA000] =	vst v63  }
0x115: {  	v7 =	vld.idx.msk [tilespmem:v0+s28+$0x0], $0xffff  }
0x116: {  	v5 =	vld.idx.msk [tilespmem:v1+s28+$0x0], $0xffff  }
0x117: {  	v6 =	vld.idx.msk [tilespmem:v1+s28+$0xFFFFFF90], $0xffff  }
0x118: {  	v8 =	vld.idx.msk [tilespmem:v0+s28+$0xFFFFFFA0], $0xffff  }
0x119: {  	v9 =	vld.idx.msk [tilespmem:v1+s28+$0xFFFFFFA0], $0xffff  }
0x11a: {  	v10 =	vld.idx.msk [tilespmem:v0+s28+$0xFFFFFFB0], $0xffff  }
0x11b: {  	v11 =	vld.idx.msk [tilespmem:v1+s28+$0xFFFFFFB0], $0xffff  }
0x11c: {  	v13 =	vld.idx.msk [tilespmem:v0+s28+$0xFFFFFFC0], $0xffff  }
0x11d: {  	v14 =	vld.idx.msk [tilespmem:v1+s28+$0xFFFFFFC0], $0xffff  }
0x11e: {  	v15 =	vld.idx.msk [tilespmem:v0+s28+$0xFFFFFFD0], $0xffff  }
0x11f: {  	v16 =	vld.idx.msk [tilespmem:v1+s28+$0xFFFFFFD0], $0xffff  }
0x120: {  	v17 =	vld.idx.msk [tilespmem:v0+s28+$0xFFFFFFE0], $0xffff  }
0x121: {  	v18 =	vld.idx.msk [tilespmem:v1+s28+$0xFFFFFFE0], $0xffff  }
0x122: {  	v19 =	vld.idx.msk [tilespmem:v0+s28+$0xFFFFFFF0], $0xffff  }
0x123: {  	v20 =	vld.idx.msk [tilespmem:v1+s28+$0xFFFFFFF0], $0xffff  }
0x124: {  	s24 =	simm.s32 $0x41F0;
	s25 =	simm.s32 $0x8F0;
	v12 =	vld.idx.msk [tilespmem:v0+s28+$0xFFFFFF90], $0xffff;
	v5 =	vmin.f32 v5, v7  }
0x125: {  	v23 =	vld.idx.msk [tilespmem:v0+s25+$0x0], $0xffff;
	[tilespmem:s24+$0xFFFFFFD0] =	vst v5  }
0x126: {  	v5 =	vld.idx.msk [tilespmem:v2+s28+$0x0], $0xffff  }
0x127: {  	v24 =	vld.idx.msk [tilespmem:v1+s25+$0x0], $0xffff  }
0x128: {  	v25 =	vld.idx.msk [tilespmem:v1+s25+$0xFFFFFF90], $0xffff  }
0x129: {  	v26 =	vld.idx.msk [tilespmem:v1+s25+$0xFFFFFFA0], $0xffff;
	v9 =	vmin.f32 v9, v8  }
0x12a: {  	v27 =	vld.idx.msk [tilespmem:v1+s25+$0xFFFFFFB0], $0xffff;
	v6 =	vmin.f32 v6, v12;
	[tilespmem:s24+$0xFFFFFE50] =	vst v9  }
0x12b: {  	v61 =	vld.idx.msk [tilespmem:v1+s25+$0xFFFFFFC0], $0xffff;
	[tilespmem:s24+$0xFFFFFE10] =	vst v6;
	v5 =	vmin.f32 v5, v7  }
0x12c: {  	[tilespmem:s24+$0xFFFFFFE0] =	vst v5;
	v5 =	vmin.f32 v11, v10;
	v11 =	vld.idx.msk [tilespmem:v2+s28+$0xFFFFFFA0], $0xffff  }
0x12d: {  	v9 =	vld.idx.msk [tilespmem:v3+s28+$0x0], $0xffff;
	[tilespmem:s24+$0xFFFFFE90] =	vst v5;
	v5 =	vmin.f32 v14, v13  }
0x12e: {  	[tilespmem:s24+$0xFFFFFED0] =	vst v5;
	v5 =	vmin.f32 v16, v15;
	v14 =	vld.idx.msk [tilespmem:v2+s28+$0xFFFFFFB0], $0xffff  }
0x12f: {  	[tilespmem:s24+$0xFFFFFF10] =	vst v5;
	v5 =	vmin.f32 v18, v17;
	v16 =	vld.idx.msk [tilespmem:v2+s28+$0xFFFFFFC0], $0xffff  }
0x130: {  	v18 =	vmin.f32 v20, v19;
	[tilespmem:s24+$0xFFFFFF50] =	vst v5;
	v5 =	vld.idx.msk [tilespmem:v2+s28+$0xFFFFFFD0], $0xffff  }
0x131: {  	[tilespmem:s24+$0xFFFFFF90] =	vst v18;
	v18 =	vld.idx.msk [tilespmem:v2+s28+$0xFFFFFF90], $0xffff  }
0x132: {  	v20 =	vld.idx.msk [tilespmem:v2+s28+$0xFFFFFFE0], $0xffff;
	v11 =	vmin.f32 v11, v8  }
0x133: {  	v6 =	vld.idx.msk [tilespmem:v2+s28+$0xFFFFFFF0], $0xffff;
	v9 =	vmin.f32 v9, v7;
	[tilespmem:s24+$0xFFFFFE60] =	vst v11  }
0x134: {  	[tilespmem:s24+$0xFFFFFFF0] =	vst v9;
	v9 =	vmin.f32 v14, v10;
	v14 =	vld.idx.msk [tilespmem:v3+s28+$0xFFFFFFA0], $0xffff  }
0x135: {  	v11 =	vld.idx.msk [tilespmem:v4+s28+$0x0], $0xffff;
	[tilespmem:s24+$0xFFFFFEA0] =	vst v9;
	v9 =	vmin.f32 v16, v13  }
0x136: {  	v16 =	vld.idx.msk [tilespmem:v3+s28+$0xFFFFFFB0], $0xffff;
	[tilespmem:s24+$0xFFFFFEE0] =	vst v9;
	v5 =	vmin.f32 v5, v15  }
0x137: {  	v9 =	vld.idx.msk [tilespmem:v3+s28+$0xFFFFFFC0], $0xffff;
	[tilespmem:s24+$0xFFFFFF20] =	vst v5;
	v5 =	vmin.f32 v20, v17  }
0x138: {  	v20 =	vld.idx.msk [tilespmem:v3+s28+$0xFFFFFFD0], $0xffff;
	[tilespmem:s24+$0xFFFFFF60] =	vst v5;
	v5 =	vmin.f32 v6, v19  }
0x139: {  	v6 =	vmin.f32 v18, v12;
	v18 =	vld.idx.msk [tilespmem:v3+s28+$0xFFFFFFE0], $0xffff;
	[tilespmem:s24+$0xFFFFFFA0] =	vst v5  }
0x13a: {  	[tilespmem:s24+$0xFFFFFE20] =	vst v6;
	v6 =	vmin.f32 v14, v8;
	v5 =	vld.idx.msk [tilespmem:v3+s28+$0xFFFFFFF0], $0xffff  }
0x13b: {  	v14 =	vld.idx.msk [tilespmem:v3+s28+$0xFFFFFF90], $0xffff;
	[tilespmem:s24+$0xFFFFFE70] =	vst v6;
	v7 =	vmin.f32 v11, v7  }
0x13c: {  	s26 =	simm.s32 $0x43F0;
	v11 =	vmin.f32 v24, v23;
	v6 =	vmin.f32 v16, v10;
	v16 =	vld.idx.msk [tilespmem:v4+s28+$0xFFFFFFA0], $0xffff;
	[tilespmem:s24+$0x0] =	vst v7  }
0x13d: {  	v7 =	vld.idx.msk [tilespmem:v0+s25+$0xFFFFFFC0], $0xffff;
	[tilespmem:s26+$0xFFFFFFD0] =	vst v11  }
0x13e: {  	v11 =	vld.idx.msk [tilespmem:v0+s25+$0xFFFFFFF0], $0xffff;
	[tilespmem:s24+$0xFFFFFEB0] =	vst v6;
	v6 =	vmin.f32 v9, v13  }
0x13f: {  	v9 =	vld.idx.msk [tilespmem:v4+s28+$0xFFFFFFB0], $0xffff;
	[tilespmem:s24+$0xFFFFFEF0] =	vst v6;
	v6 =	vmin.f32 v20, v15  }
0x140: {  	v20 =	vld.idx.msk [tilespmem:v4+s28+$0xFFFFFFC0], $0xffff;
	[tilespmem:s24+$0xFFFFFF30] =	vst v6  }
0x141: {  	v6 =	vmin.f32 v18, v17;
	v18 =	vld.idx.msk [tilespmem:v4+s28+$0xFFFFFFD0], $0xffff  }
0x142: {  	[tilespmem:s24+$0xFFFFFF70] =	vst v6;
	v6 =	vld.idx.msk [tilespmem:v0+s25+$0xFFFFFFB0], $0xffff  }
0x143: {  	v5 =	vmin.f32 v5, v19;
	v21 =	vld.idx.msk [tilespmem:v4+s28+$0xFFFFFFE0], $0xffff  }
0x144: {  	v14 =	vmin.f32 v14, v12;
	[tilespmem:s24+$0xFFFFFFB0] =	vst v5;
	v5 =	vld.idx.msk [tilespmem:v0+s25+$0xFFFFFFA0], $0xffff  }
0x145: {  	[tilespmem:s24+$0xFFFFFE30] =	vst v14;
	v8 =	vmin.f32 v16, v8;
	v14 =	vld.idx.msk [tilespmem:v2+s25+$0x0], $0xffff  }
0x146: {  	v16 =	vld.idx.msk [tilespmem:v1+s25+$0xFFFFFFF0], $0xffff;
	[tilespmem:s24+$0xFFFFFE80] =	vst v8;
	v8 =	vmin.f32 v9, v10  }
0x147: {  	v22 =	vld.idx.msk [tilespmem:v4+s28+$0xFFFFFFF0], $0xffff;
	[tilespmem:s24+$0xFFFFFEC0] =	vst v8;
	v8 =	vmin.f32 v20, v13  }
0x148: {  	v63 =	vld.idx.msk [tilespmem:v4+s28+$0xFFFFFF90], $0xffff;
	[tilespmem:s24+$0xFFFFFF00] =	vst v8;
	v8 =	vmin.f32 v18, v15  }
0x149: {  	v9 =	vld.idx.msk [tilespmem:v0+s25+$0xFFFFFFD0], $0xffff;
	[tilespmem:s24+$0xFFFFFF40] =	vst v8;
	v8 =	vmin.f32 v21, v17  }
0x14a: {  	v10 =	vld.idx.msk [tilespmem:v0+s25+$0xFFFFFFE0], $0xffff;
	v14 =	vmin.f32 v14, v23;
	[tilespmem:s24+$0xFFFFFF80] =	vst v8  }
0x14b: {  	v13 =	vld.idx.msk [tilespmem:v1+s25+$0xFFFFFFD0], $0xffff;
	v17 =	vmin.f32 v26, v5;
	[tilespmem:s26+$0xFFFFFFE0] =	vst v14  }
0x14c: {  	v15 =	vld.idx.msk [tilespmem:v1+s25+$0xFFFFFFE0], $0xffff;
	v8 =	vmin.f32 v22, v19;
	[tilespmem:s26+$0xFFFFFE50] =	vst v17  }
0x14d: {  	v16 =	vmin.f32 v16, v11;
	[tilespmem:s24+$0xFFFFFFC0] =	vst v8;
	v8 =	vld.idx.msk [tilespmem:v0+s25+$0xFFFFFF90], $0xffff  }
0x14e: {  	v14 =	vmin.f32 v27, v6;
	[tilespmem:s26+$0xFFFFFF90] =	vst v16;
	v17 =	vld.idx.msk [tilespmem:v3+s25+$0x0], $0xffff  }
0x14f: {  	[tilespmem:s26+$0xFFFFFE90] =	vst v14;
	v14 =	vmin.f32 v61, v7;
	v18 =	vld.idx.msk [tilespmem:v2+s25+$0xFFFFFFA0], $0xffff  }
0x150: {  	[tilespmem:s26+$0xFFFFFED0] =	vst v14;
	v13 =	vmin.f32 v13, v9;
	v14 =	vld.idx.msk [tilespmem:v2+s25+$0xFFFFFFB0], $0xffff  }
0x151: {  	[tilespmem:s26+$0xFFFFFF10] =	vst v13;
	v13 =	vmin.f32 v15, v10;
	v15 =	vld.idx.msk [tilespmem:v2+s25+$0xFFFFFFC0], $0xffff  }
0x152: {  	[tilespmem:s26+$0xFFFFFF50] =	vst v13;
	v13 =	vld.idx.msk [tilespmem:v2+s25+$0xFFFFFFD0], $0xffff;
	v19 =	vmin.f32 v25, v8  }
0x153: {  	v20 =	vld.idx.msk [tilespmem:v2+s25+$0xFFFFFFE0], $0xffff;
	v17 =	vmin.f32 v17, v23;
	[tilespmem:s26+$0xFFFFFE10] =	vst v19  }
0x154: {  	v16 =	vld.idx.msk [tilespmem:v2+s25+$0xFFFFFFF0], $0xffff;
	v18 =	vmin.f32 v18, v5;
	[tilespmem:s26+$0xFFFFFFF0] =	vst v17  }
0x155: {  	[tilespmem:s26+$0xFFFFFE60] =	vst v18;
	v14 =	vmin.f32 v14, v6;
	v19 =	vld.idx.msk [tilespmem:v2+s25+$0xFFFFFF90], $0xffff  }
0x156: {  	v17 =	vld.idx.msk [tilespmem:v4+s25+$0x0], $0xffff;
	[tilespmem:s26+$0xFFFFFEA0] =	vst v14;
	v14 =	vmin.f32 v15, v7  }
0x157: {  	v18 =	vld.idx.msk [tilespmem:v3+s25+$0xFFFFFFA0], $0xffff;
	[tilespmem:s26+$0xFFFFFEE0] =	vst v14;
	v13 =	vmin.f32 v13, v9  }
0x158: {  	v15 =	vld.idx.msk [tilespmem:v3+s25+$0xFFFFFFB0], $0xffff;
	[tilespmem:s26+$0xFFFFFF20] =	vst v13;
	v13 =	vmin.f32 v20, v10  }
0x159: {  	v14 =	vld.idx.msk [tilespmem:v3+s25+$0xFFFFFFC0], $0xffff;
	[tilespmem:s26+$0xFFFFFF60] =	vst v13;
	v13 =	vmin.f32 v16, v11  }
0x15a: {  	v20 =	vld.idx.msk [tilespmem:v3+s25+$0xFFFFFFD0], $0xffff;
	[tilespmem:s26+$0xFFFFFFA0] =	vst v13;
	v16 =	vmin.f32 v19, v8  }
0x15b: {  	v19 =	vld.idx.msk [tilespmem:v3+s25+$0xFFFFFFE0], $0xffff;
	v13 =	vmin.f32 v17, v23;
	[tilespmem:s26+$0xFFFFFE20] =	vst v16  }
0x15c: {  	v62 =	vld.idx.msk [tilespmem:v3+s25+$0xFFFFFFF0], $0xffff;
	v16 =	vmin.f32 v18, v5;
	[tilespmem:s26+$0x0] =	vst v13  }
0x15d: {  	v13 =	vmin.f32 v15, v6;
	v17 =	vld.idx.msk [tilespmem:v3+s25+$0xFFFFFF90], $0xffff;
	[tilespmem:s26+$0xFFFFFE70] =	vst v16  }
0x15e: {  	[tilespmem:s26+$0xFFFFFEB0] =	vst v13;
	v13 =	vmin.f32 v14, v7;
	v16 =	vld.idx.msk [tilespmem:v4+s25+$0xFFFFFFA0], $0xffff  }
0x15f: {  	v14 =	vld.idx.msk [tilespmem:v4+s25+$0xFFFFFFB0], $0xffff;
	[tilespmem:s26+$0xFFFFFEF0] =	vst v13;
	v15 =	vmin.f32 v20, v9  }
0x160: {  	v13 =	vld.idx.msk [tilespmem:v4+s25+$0xFFFFFFC0], $0xffff;
	[tilespmem:s26+$0xFFFFFF30] =	vst v15;
	v18 =	vmin.f32 v19, v10  }
0x161: {  	v15 =	vld.idx.msk [tilespmem:v4+s25+$0xFFFFFFD0], $0xffff;
	[tilespmem:s26+$0xFFFFFF70] =	vst v18;
	v18 =	vmin.f32 v62, v11  }
0x162: {  	v19 =	vmin.f32 v17, v8;
	v17 =	vld.idx.msk [tilespmem:v4+s25+$0xFFFFFFE0], $0xffff;
	[tilespmem:s26+$0xFFFFFFB0] =	vst v18  }
0x163: {  	s29 =	simm.s32 $0x970;
	s28 =	simm.s32 $0x88;
	v12 =	vmin.f32 v63, v12;
	[tilespmem:s26+$0xFFFFFE30] =	vst v19;
	v18 =	vld.idx.msk [tilespmem:v4+s25+$0xFFFFFFF0], $0xffff  }
.LBB2_6:
0x164: {  	v19 =	vld.idx.msk [tilespmem:v0+s29+$0x0], $0xffff;
	v5 =	vmin.f32 v16, v5;
	[tilespmem:s24+$0xFFFFFE40] =	vst v12;
	s24 =	smov.u32 s26  }
0x165: {  	s28 =	sadd.s32 $0x8, s28;
	v12 =	vld.idx.msk [tilespmem:v1+s29+$0x0], $0xffff;
	[tilespmem:s26+$0xFFFFFE80] =	vst v5;
	v5 =	vmin.f32 v14, v6  }
0x166: {  	p0 =	slt.u32 s28, $0xB8;
	v6 =	vmin.f32 v13, v7;
	v14 =	vld.idx.msk [tilespmem:v1+s29+$0xFFFFFF90], $0xffff;
	[tilespmem:s26+$0xFFFFFEC0] =	vst v5  }
0x167: {  	v5 =	vld.idx.msk [tilespmem:v0+s29+$0xFFFFFFA0], $0xffff;
	[tilespmem:s26+$0xFFFFFF00] =	vst v6;
	v6 =	vmin.f32 v15, v9  }
0x168: {  	v7 =	vmin.f32 v17, v10;
	v9 =	vld.idx.msk [tilespmem:v1+s29+$0xFFFFFFA0], $0xffff;
	[tilespmem:s26+$0xFFFFFF40] =	vst v6  }
0x169: {  	v6 =	vld.idx.msk [tilespmem:v0+s29+$0xFFFFFFB0], $0xffff;
	[tilespmem:s26+$0xFFFFFF80] =	vst v7;
	v7 =	vmin.f32 v18, v11  }
0x16a: {  	v10 =	vld.idx.msk [tilespmem:v1+s29+$0xFFFFFFB0], $0xffff;
	[tilespmem:s26+$0xFFFFFFC0] =	vst v7  }
0x16b: {  	v11 =	vmin.f32 v12, v19;
	s26 =	sadd.s32 $0x200, s26;
	v7 =	vld.idx.msk [tilespmem:v0+s29+$0xFFFFFFC0], $0xffff  }
0x16c: {  	v12 =	vld.idx.msk [tilespmem:v1+s29+$0xFFFFFFC0], $0xffff;
	[tilespmem:s26+$0xFFFFFFD0] =	vst v11  }
0x16d: {  	v13 =	vld.idx.msk [tilespmem:v2+s29+$0x0], $0xffff  }
0x16e: {  	v11 =	vmin.f32 v9, v5;
	v9 =	vld.idx.msk [tilespmem:v0+s29+$0xFFFFFFD0], $0xffff  }
0x16f: {  	[tilespmem:s26+$0xFFFFFE50] =	vst v11;
	v15 =	vld.idx.msk [tilespmem:v1+s29+$0xFFFFFFD0], $0xffff  }
0x170: {  	v11 =	vmin.f32 v10, v6;
	v10 =	vld.idx.msk [tilespmem:v0+s29+$0xFFFFFFE0], $0xffff  }
0x171: {  	[tilespmem:s26+$0xFFFFFE90] =	vst v11;
	v16 =	vld.idx.msk [tilespmem:v1+s29+$0xFFFFFFE0], $0xffff  }
0x172: {  	v12 =	vmin.f32 v12, v7;
	v11 =	vld.idx.msk [tilespmem:v0+s29+$0xFFFFFFF0], $0xffff  }
0x173: {  	v13 =	vmin.f32 v13, v19;
	[tilespmem:s26+$0xFFFFFED0] =	vst v12;
	v12 =	vld.idx.msk [tilespmem:v1+s29+$0xFFFFFFF0], $0xffff  }
0x174: {  	v20 =	vld.idx.msk [tilespmem:v0+s29+$0xFFFFFF90], $0xffff;
	[tilespmem:s26+$0xFFFFFFE0] =	vst v13  }
0x175: {  	v13 =	vmin.f32 v15, v9;
	v15 =	vld.idx.msk [tilespmem:v3+s29+$0x0], $0xffff  }
0x176: {  	v17 =	vld.idx.msk [tilespmem:v2+s29+$0xFFFFFFA0], $0xffff;
	[tilespmem:s26+$0xFFFFFF10] =	vst v13  }
0x177: {  	v16 =	vmin.f32 v16, v10;
	v13 =	vld.idx.msk [tilespmem:v2+s29+$0xFFFFFFB0], $0xffff  }
0x178: {  	v18 =	vld.idx.msk [tilespmem:v2+s29+$0xFFFFFFC0], $0xffff;
	[tilespmem:s26+$0xFFFFFF50] =	vst v16  }
0x179: {  	v12 =	vmin.f32 v12, v11;
	v16 =	vld.idx.msk [tilespmem:v2+s29+$0xFFFFFFD0], $0xffff  }
0x17a: {  	v14 =	vmin.f32 v14, v20;
	v21 =	vld.idx.msk [tilespmem:v2+s29+$0xFFFFFFE0], $0xffff;
	[tilespmem:s26+$0xFFFFFF90] =	vst v12  }
0x17b: {  	[tilespmem:s26+$0xFFFFFE10] =	vst v14;
	v12 =	vld.idx.msk [tilespmem:v2+s29+$0xFFFFFFF0], $0xffff;
	v14 =	vmin.f32 v15, v19  }
0x17c: {  	v17 =	vmin.f32 v17, v5;
	v15 =	vld.idx.msk [tilespmem:v2+s29+$0xFFFFFF90], $0xffff;
	[tilespmem:s26+$0xFFFFFFF0] =	vst v14  }
0x17d: {  	v13 =	vmin.f32 v13, v6;
	[tilespmem:s26+$0xFFFFFE60] =	vst v17;
	v14 =	vld.idx.msk [tilespmem:v4+s29+$0x0], $0xffff  }
0x17e: {  	v17 =	vld.idx.msk [tilespmem:v3+s29+$0xFFFFFFA0], $0xffff;
	[tilespmem:s26+$0xFFFFFEA0] =	vst v13;
	v13 =	vmin.f32 v18, v7  }
0x17f: {  	v18 =	vld.idx.msk [tilespmem:v3+s29+$0xFFFFFFB0], $0xffff;
	[tilespmem:s26+$0xFFFFFEE0] =	vst v13;
	v13 =	vmin.f32 v16, v9  }
0x180: {  	v22 =	vld.idx.msk [tilespmem:v3+s29+$0xFFFFFFC0], $0xffff;
	[tilespmem:s26+$0xFFFFFF20] =	vst v13;
	v13 =	vmin.f32 v21, v10  }
0x181: {  	v12 =	vmin.f32 v12, v11;
	v21 =	vld.idx.msk [tilespmem:v3+s29+$0xFFFFFFD0], $0xffff;
	[tilespmem:s26+$0xFFFFFF60] =	vst v13  }
0x182: {  	v13 =	vmin.f32 v15, v20;
	v15 =	vld.idx.msk [tilespmem:v3+s29+$0xFFFFFFE0], $0xffff;
	[tilespmem:s26+$0xFFFFFFA0] =	vst v12  }
0x183: {  	[tilespmem:s26+$0xFFFFFE20] =	vst v13;
	v12 =	vld.idx.msk [tilespmem:v3+s29+$0xFFFFFFF0], $0xffff;
	v13 =	vmin.f32 v14, v19  }
0x184: {  	v14 =	vmin.f32 v17, v5;
	v19 =	vld.idx.msk [tilespmem:v3+s29+$0xFFFFFF90], $0xffff;
	[tilespmem:s26+$0x0] =	vst v13  }
0x185: {  	v13 =	vmin.f32 v18, v6;
	[tilespmem:s26+$0xFFFFFE70] =	vst v14;
	v23 =	vld.idx.msk [tilespmem:v4+s25+$0xFFFFFF90], $0xffff;
	s25 =	smov.u32 s29  }
0x186: {  	v16 =	vld.idx.msk [tilespmem:v4+s29+$0xFFFFFFA0], $0xffff;
	[tilespmem:s26+$0xFFFFFEB0] =	vst v13;
	v13 =	vmin.f32 v22, v7  }
.Ltmp2:
0x187: {  	v17 =	vmin.f32 v21, v9;
	v14 =	vld.idx.msk [tilespmem:v4+s29+$0xFFFFFFB0], $0xffff;
	[tilespmem:s26+$0xFFFFFEF0] =	vst v13;
	(pc) =	sbr.rel @p0 .LBB2_6-.Ltmp2, $4  }
0x188: {  	v13 =	vld.idx.msk [tilespmem:v4+s29+$0xFFFFFFC0], $0xffff;
	[tilespmem:s26+$0xFFFFFF30] =	vst v17;
	v17 =	vmin.f32 v15, v10  }
0x189: {  	v12 =	vmin.f32 v12, v11;
	v15 =	vld.idx.msk [tilespmem:v4+s29+$0xFFFFFFD0], $0xffff;
	[tilespmem:s26+$0xFFFFFF70] =	vst v17  }
0x18a: {  	v18 =	vmin.f32 v19, v20;
	v17 =	vld.idx.msk [tilespmem:v4+s29+$0xFFFFFFE0], $0xffff;
	[tilespmem:s26+$0xFFFFFFB0] =	vst v12  }
0x18b: {  	s29 =	sadd.s32 $0x80, s29;
	v12 =	vmin.f32 v23, v8;
	v8 =	vmov v20;
	[tilespmem:s26+$0xFFFFFE30] =	vst v18;
	v18 =	vld.idx.msk [tilespmem:v4+s25+$0xFFFFFFF0], $0xffff  }
0x18c: {  	_ =	sdelay $0x2  }
0x18d: {  	v5 =	vmin.f32 v16, v5;
	[tilespmem:s24+$0xFFFFFE40] =	vst v12  }
0x18e: {  	[tilespmem:s26+$0xFFFFFE80] =	vst v5;
	v5 =	vmin.f32 v14, v6;
	v6 =	vld.idx.msk [tilespmem:v4+s25+$0xFFFFFF90], $0xffff  }
0x18f: {  	[tilespmem:s26+$0xFFFFFEC0] =	vst v5;
	v5 =	vmin.f32 v13, v7  }
0x190: {  	[tilespmem:s26+$0xFFFFFF00] =	vst v5;
	v5 =	vmin.f32 v15, v9  }
0x191: {  	[tilespmem:s26+$0xFFFFFF40] =	vst v5;
	v5 =	vmin.f32 v17, v10  }
0x192: {  	[tilespmem:s26+$0xFFFFFF80] =	vst v5;
	v5 =	vmin.f32 v18, v11  }
0x193: {  	[tilespmem:s26+$0xFFFFFFC0] =	vst v5;
	v5 =	vmin.f32 v6, v8  }
0x194: {  	s28 =	simm.s32 $0xC70;
	[tilespmem:s26+$0xFFFFFE40] =	vst v5  }
0x195: {  	[hbm4b:s6+s2] =	stream.linear.scatter [tilespmem:s16], [sflag:$0x1], $0x1000, $0x38;
	[tilespmem:$0xA000] =	vst v63  }
0x196: {  	v7 =	vld.idx.msk [tilespmem:v0+s28+$0x0], $0xffff  }
0x197: {  	v5 =	vld.idx.msk [tilespmem:v1+s28+$0x0], $0xffff  }
0x198: {  	v6 =	vld.idx.msk [tilespmem:v1+s28+$0xFFFFFF90], $0xffff  }
0x199: {  	v8 =	vld.idx.msk [tilespmem:v0+s28+$0xFFFFFFA0], $0xffff  }
0x19a: {  	v9 =	vld.idx.msk [tilespmem:v1+s28+$0xFFFFFFA0], $0xffff  }
0x19b: {  	v10 =	vld.idx.msk [tilespmem:v0+s28+$0xFFFFFFB0], $0xffff  }
0x19c: {  	v11 =	vld.idx.msk [tilespmem:v1+s28+$0xFFFFFFB0], $0xffff  }
0x19d: {  	v13 =	vld.idx.msk [tilespmem:v0+s28+$0xFFFFFFC0], $0xffff  }
0x19e: {  	v14 =	vld.idx.msk [tilespmem:v1+s28+$0xFFFFFFC0], $0xffff  }
0x19f: {  	v15 =	vld.idx.msk [tilespmem:v0+s28+$0xFFFFFFD0], $0xffff  }
0x1a0: {  	v16 =	vld.idx.msk [tilespmem:v1+s28+$0xFFFFFFD0], $0xffff  }
0x1a1: {  	v17 =	vld.idx.msk [tilespmem:v0+s28+$0xFFFFFFE0], $0xffff  }
0x1a2: {  	v18 =	vld.idx.msk [tilespmem:v1+s28+$0xFFFFFFE0], $0xffff  }
0x1a3: {  	v19 =	vld.idx.msk [tilespmem:v0+s28+$0xFFFFFFF0], $0xffff  }
0x1a4: {  	v20 =	vld.idx.msk [tilespmem:v1+s28+$0xFFFFFFF0], $0xffff  }
0x1a5: {  	s24 =	simm.s32 $0x51F0;
	s25 =	simm.s32 $0xCF0;
	v12 =	vld.idx.msk [tilespmem:v0+s28+$0xFFFFFF90], $0xffff;
	v5 =	vmin.f32 v5, v7  }
0x1a6: {  	v23 =	vld.idx.msk [tilespmem:v0+s25+$0x0], $0xffff;
	[tilespmem:s24+$0xFFFFFFD0] =	vst v5  }
0x1a7: {  	v5 =	vld.idx.msk [tilespmem:v2+s28+$0x0], $0xffff  }
0x1a8: {  	v24 =	vld.idx.msk [tilespmem:v1+s25+$0x0], $0xffff  }
0x1a9: {  	v25 =	vld.idx.msk [tilespmem:v1+s25+$0xFFFFFF90], $0xffff  }
0x1aa: {  	v26 =	vld.idx.msk [tilespmem:v1+s25+$0xFFFFFFA0], $0xffff;
	v9 =	vmin.f32 v9, v8  }
0x1ab: {  	v27 =	vld.idx.msk [tilespmem:v1+s25+$0xFFFFFFB0], $0xffff;
	v6 =	vmin.f32 v6, v12;
	[tilespmem:s24+$0xFFFFFE50] =	vst v9  }
0x1ac: {  	v61 =	vld.idx.msk [tilespmem:v1+s25+$0xFFFFFFC0], $0xffff;
	[tilespmem:s24+$0xFFFFFE10] =	vst v6;
	v5 =	vmin.f32 v5, v7  }
0x1ad: {  	[tilespmem:s24+$0xFFFFFFE0] =	vst v5;
	v5 =	vmin.f32 v11, v10;
	v11 =	vld.idx.msk [tilespmem:v2+s28+$0xFFFFFFA0], $0xffff  }
0x1ae: {  	v9 =	vld.idx.msk [tilespmem:v3+s28+$0x0], $0xffff;
	[tilespmem:s24+$0xFFFFFE90] =	vst v5;
	v5 =	vmin.f32 v14, v13  }
0x1af: {  	[tilespmem:s24+$0xFFFFFED0] =	vst v5;
	v5 =	vmin.f32 v16, v15;
	v14 =	vld.idx.msk [tilespmem:v2+s28+$0xFFFFFFB0], $0xffff  }
0x1b0: {  	[tilespmem:s24+$0xFFFFFF10] =	vst v5;
	v5 =	vmin.f32 v18, v17;
	v16 =	vld.idx.msk [tilespmem:v2+s28+$0xFFFFFFC0], $0xffff  }
0x1b1: {  	v18 =	vmin.f32 v20, v19;
	[tilespmem:s24+$0xFFFFFF50] =	vst v5;
	v5 =	vld.idx.msk [tilespmem:v2+s28+$0xFFFFFFD0], $0xffff  }
0x1b2: {  	[tilespmem:s24+$0xFFFFFF90] =	vst v18;
	v18 =	vld.idx.msk [tilespmem:v2+s28+$0xFFFFFF90], $0xffff  }
0x1b3: {  	v20 =	vld.idx.msk [tilespmem:v2+s28+$0xFFFFFFE0], $0xffff;
	v11 =	vmin.f32 v11, v8  }
0x1b4: {  	v6 =	vld.idx.msk [tilespmem:v2+s28+$0xFFFFFFF0], $0xffff;
	v9 =	vmin.f32 v9, v7;
	[tilespmem:s24+$0xFFFFFE60] =	vst v11  }
0x1b5: {  	[tilespmem:s24+$0xFFFFFFF0] =	vst v9;
	v9 =	vmin.f32 v14, v10;
	v14 =	vld.idx.msk [tilespmem:v3+s28+$0xFFFFFFA0], $0xffff  }
0x1b6: {  	v11 =	vld.idx.msk [tilespmem:v4+s28+$0x0], $0xffff;
	[tilespmem:s24+$0xFFFFFEA0] =	vst v9;
	v9 =	vmin.f32 v16, v13  }
0x1b7: {  	v16 =	vld.idx.msk [tilespmem:v3+s28+$0xFFFFFFB0], $0xffff;
	[tilespmem:s24+$0xFFFFFEE0] =	vst v9;
	v5 =	vmin.f32 v5, v15  }
0x1b8: {  	v9 =	vld.idx.msk [tilespmem:v3+s28+$0xFFFFFFC0], $0xffff;
	[tilespmem:s24+$0xFFFFFF20] =	vst v5;
	v5 =	vmin.f32 v20, v17  }
0x1b9: {  	v20 =	vld.idx.msk [tilespmem:v3+s28+$0xFFFFFFD0], $0xffff;
	[tilespmem:s24+$0xFFFFFF60] =	vst v5;
	v5 =	vmin.f32 v6, v19  }
0x1ba: {  	v6 =	vmin.f32 v18, v12;
	v18 =	vld.idx.msk [tilespmem:v3+s28+$0xFFFFFFE0], $0xffff;
	[tilespmem:s24+$0xFFFFFFA0] =	vst v5  }
0x1bb: {  	[tilespmem:s24+$0xFFFFFE20] =	vst v6;
	v6 =	vmin.f32 v14, v8;
	v5 =	vld.idx.msk [tilespmem:v3+s28+$0xFFFFFFF0], $0xffff  }
0x1bc: {  	v14 =	vld.idx.msk [tilespmem:v3+s28+$0xFFFFFF90], $0xffff;
	[tilespmem:s24+$0xFFFFFE70] =	vst v6;
	v7 =	vmin.f32 v11, v7  }
0x1bd: {  	s26 =	simm.s32 $0x53F0;
	v11 =	vmin.f32 v24, v23;
	v6 =	vmin.f32 v16, v10;
	v16 =	vld.idx.msk [tilespmem:v4+s28+$0xFFFFFFA0], $0xffff;
	[tilespmem:s24+$0x0] =	vst v7  }
0x1be: {  	v7 =	vld.idx.msk [tilespmem:v0+s25+$0xFFFFFFC0], $0xffff;
	[tilespmem:s26+$0xFFFFFFD0] =	vst v11  }
0x1bf: {  	v11 =	vld.idx.msk [tilespmem:v0+s25+$0xFFFFFFF0], $0xffff;
	[tilespmem:s24+$0xFFFFFEB0] =	vst v6;
	v6 =	vmin.f32 v9, v13  }
0x1c0: {  	v9 =	vld.idx.msk [tilespmem:v4+s28+$0xFFFFFFB0], $0xffff;
	[tilespmem:s24+$0xFFFFFEF0] =	vst v6;
	v6 =	vmin.f32 v20, v15  }
0x1c1: {  	v20 =	vld.idx.msk [tilespmem:v4+s28+$0xFFFFFFC0], $0xffff;
	[tilespmem:s24+$0xFFFFFF30] =	vst v6  }
0x1c2: {  	v6 =	vmin.f32 v18, v17;
	v18 =	vld.idx.msk [tilespmem:v4+s28+$0xFFFFFFD0], $0xffff  }
0x1c3: {  	[tilespmem:s24+$0xFFFFFF70] =	vst v6;
	v6 =	vld.idx.msk [tilespmem:v0+s25+$0xFFFFFFB0], $0xffff  }
0x1c4: {  	v5 =	vmin.f32 v5, v19;
	v21 =	vld.idx.msk [tilespmem:v4+s28+$0xFFFFFFE0], $0xffff  }
0x1c5: {  	v14 =	vmin.f32 v14, v12;
	[tilespmem:s24+$0xFFFFFFB0] =	vst v5;
	v5 =	vld.idx.msk [tilespmem:v0+s25+$0xFFFFFFA0], $0xffff  }
0x1c6: {  	[tilespmem:s24+$0xFFFFFE30] =	vst v14;
	v8 =	vmin.f32 v16, v8;
	v14 =	vld.idx.msk [tilespmem:v2+s25+$0x0], $0xffff  }
0x1c7: {  	v16 =	vld.idx.msk [tilespmem:v1+s25+$0xFFFFFFF0], $0xffff;
	[tilespmem:s24+$0xFFFFFE80] =	vst v8;
	v8 =	vmin.f32 v9, v10  }
0x1c8: {  	v22 =	vld.idx.msk [tilespmem:v4+s28+$0xFFFFFFF0], $0xffff;
	[tilespmem:s24+$0xFFFFFEC0] =	vst v8;
	v8 =	vmin.f32 v20, v13  }
0x1c9: {  	v63 =	vld.idx.msk [tilespmem:v4+s28+$0xFFFFFF90], $0xffff;
	[tilespmem:s24+$0xFFFFFF00] =	vst v8;
	v8 =	vmin.f32 v18, v15  }
0x1ca: {  	v9 =	vld.idx.msk [tilespmem:v0+s25+$0xFFFFFFD0], $0xffff;
	[tilespmem:s24+$0xFFFFFF40] =	vst v8;
	v8 =	vmin.f32 v21, v17  }
0x1cb: {  	v10 =	vld.idx.msk [tilespmem:v0+s25+$0xFFFFFFE0], $0xffff;
	v14 =	vmin.f32 v14, v23;
	[tilespmem:s24+$0xFFFFFF80] =	vst v8  }
0x1cc: {  	v13 =	vld.idx.msk [tilespmem:v1+s25+$0xFFFFFFD0], $0xffff;
	v17 =	vmin.f32 v26, v5;
	[tilespmem:s26+$0xFFFFFFE0] =	vst v14  }
0x1cd: {  	v15 =	vld.idx.msk [tilespmem:v1+s25+$0xFFFFFFE0], $0xffff;
	v8 =	vmin.f32 v22, v19;
	[tilespmem:s26+$0xFFFFFE50] =	vst v17  }
0x1ce: {  	v16 =	vmin.f32 v16, v11;
	[tilespmem:s24+$0xFFFFFFC0] =	vst v8;
	v8 =	vld.idx.msk [tilespmem:v0+s25+$0xFFFFFF90], $0xffff  }
0x1cf: {  	v14 =	vmin.f32 v27, v6;
	[tilespmem:s26+$0xFFFFFF90] =	vst v16;
	v17 =	vld.idx.msk [tilespmem:v3+s25+$0x0], $0xffff  }
0x1d0: {  	[tilespmem:s26+$0xFFFFFE90] =	vst v14;
	v14 =	vmin.f32 v61, v7;
	v18 =	vld.idx.msk [tilespmem:v2+s25+$0xFFFFFFA0], $0xffff  }
0x1d1: {  	[tilespmem:s26+$0xFFFFFED0] =	vst v14;
	v13 =	vmin.f32 v13, v9;
	v14 =	vld.idx.msk [tilespmem:v2+s25+$0xFFFFFFB0], $0xffff  }
0x1d2: {  	[tilespmem:s26+$0xFFFFFF10] =	vst v13;
	v13 =	vmin.f32 v15, v10;
	v15 =	vld.idx.msk [tilespmem:v2+s25+$0xFFFFFFC0], $0xffff  }
0x1d3: {  	[tilespmem:s26+$0xFFFFFF50] =	vst v13;
	v13 =	vld.idx.msk [tilespmem:v2+s25+$0xFFFFFFD0], $0xffff;
	v19 =	vmin.f32 v25, v8  }
0x1d4: {  	v20 =	vld.idx.msk [tilespmem:v2+s25+$0xFFFFFFE0], $0xffff;
	v17 =	vmin.f32 v17, v23;
	[tilespmem:s26+$0xFFFFFE10] =	vst v19  }
0x1d5: {  	v16 =	vld.idx.msk [tilespmem:v2+s25+$0xFFFFFFF0], $0xffff;
	v18 =	vmin.f32 v18, v5;
	[tilespmem:s26+$0xFFFFFFF0] =	vst v17  }
0x1d6: {  	[tilespmem:s26+$0xFFFFFE60] =	vst v18;
	v14 =	vmin.f32 v14, v6;
	v19 =	vld.idx.msk [tilespmem:v2+s25+$0xFFFFFF90], $0xffff  }
0x1d7: {  	v17 =	vld.idx.msk [tilespmem:v4+s25+$0x0], $0xffff;
	[tilespmem:s26+$0xFFFFFEA0] =	vst v14;
	v14 =	vmin.f32 v15, v7  }
0x1d8: {  	v18 =	vld.idx.msk [tilespmem:v3+s25+$0xFFFFFFA0], $0xffff;
	[tilespmem:s26+$0xFFFFFEE0] =	vst v14;
	v13 =	vmin.f32 v13, v9  }
0x1d9: {  	v15 =	vld.idx.msk [tilespmem:v3+s25+$0xFFFFFFB0], $0xffff;
	[tilespmem:s26+$0xFFFFFF20] =	vst v13;
	v13 =	vmin.f32 v20, v10  }
0x1da: {  	v14 =	vld.idx.msk [tilespmem:v3+s25+$0xFFFFFFC0], $0xffff;
	[tilespmem:s26+$0xFFFFFF60] =	vst v13;
	v13 =	vmin.f32 v16, v11  }
0x1db: {  	v20 =	vld.idx.msk [tilespmem:v3+s25+$0xFFFFFFD0], $0xffff;
	[tilespmem:s26+$0xFFFFFFA0] =	vst v13;
	v16 =	vmin.f32 v19, v8  }
0x1dc: {  	v19 =	vld.idx.msk [tilespmem:v3+s25+$0xFFFFFFE0], $0xffff;
	v13 =	vmin.f32 v17, v23;
	[tilespmem:s26+$0xFFFFFE20] =	vst v16  }
0x1dd: {  	v62 =	vld.idx.msk [tilespmem:v3+s25+$0xFFFFFFF0], $0xffff;
	v16 =	vmin.f32 v18, v5;
	[tilespmem:s26+$0x0] =	vst v13  }
0x1de: {  	v13 =	vmin.f32 v15, v6;
	v17 =	vld.idx.msk [tilespmem:v3+s25+$0xFFFFFF90], $0xffff;
	[tilespmem:s26+$0xFFFFFE70] =	vst v16  }
0x1df: {  	[tilespmem:s26+$0xFFFFFEB0] =	vst v13;
	v13 =	vmin.f32 v14, v7;
	v16 =	vld.idx.msk [tilespmem:v4+s25+$0xFFFFFFA0], $0xffff  }
0x1e0: {  	v14 =	vld.idx.msk [tilespmem:v4+s25+$0xFFFFFFB0], $0xffff;
	[tilespmem:s26+$0xFFFFFEF0] =	vst v13;
	v15 =	vmin.f32 v20, v9  }
0x1e1: {  	v13 =	vld.idx.msk [tilespmem:v4+s25+$0xFFFFFFC0], $0xffff;
	[tilespmem:s26+$0xFFFFFF30] =	vst v15;
	v18 =	vmin.f32 v19, v10  }
0x1e2: {  	v15 =	vld.idx.msk [tilespmem:v4+s25+$0xFFFFFFD0], $0xffff;
	[tilespmem:s26+$0xFFFFFF70] =	vst v18;
	v18 =	vmin.f32 v62, v11  }
0x1e3: {  	v19 =	vmin.f32 v17, v8;
	v17 =	vld.idx.msk [tilespmem:v4+s25+$0xFFFFFFE0], $0xffff;
	[tilespmem:s26+$0xFFFFFFB0] =	vst v18  }
0x1e4: {  	s29 =	simm.s32 $0xD70;
	s28 =	simm.s32 $0xC8;
	v12 =	vmin.f32 v63, v12;
	[tilespmem:s26+$0xFFFFFE30] =	vst v19;
	v18 =	vld.idx.msk [tilespmem:v4+s25+$0xFFFFFFF0], $0xffff  }
.LBB2_8:
0x1e5: {  	v19 =	vld.idx.msk [tilespmem:v0+s29+$0x0], $0xffff;
	v5 =	vmin.f32 v16, v5;
	[tilespmem:s24+$0xFFFFFE40] =	vst v12;
	s24 =	smov.u32 s26  }
0x1e6: {  	s28 =	sadd.s32 $0x8, s28;
	v12 =	vld.idx.msk [tilespmem:v1+s29+$0x0], $0xffff;
	[tilespmem:s26+$0xFFFFFE80] =	vst v5;
	v5 =	vmin.f32 v14, v6  }
0x1e7: {  	p0 =	slt.u32 s28, $0xF8;
	v6 =	vmin.f32 v13, v7;
	v14 =	vld.idx.msk [tilespmem:v1+s29+$0xFFFFFF90], $0xffff;
	[tilespmem:s26+$0xFFFFFEC0] =	vst v5  }
0x1e8: {  	v5 =	vld.idx.msk [tilespmem:v0+s29+$0xFFFFFFA0], $0xffff;
	[tilespmem:s26+$0xFFFFFF00] =	vst v6;
	v6 =	vmin.f32 v15, v9  }
0x1e9: {  	v7 =	vmin.f32 v17, v10;
	v9 =	vld.idx.msk [tilespmem:v1+s29+$0xFFFFFFA0], $0xffff;
	[tilespmem:s26+$0xFFFFFF40] =	vst v6  }
0x1ea: {  	v6 =	vld.idx.msk [tilespmem:v0+s29+$0xFFFFFFB0], $0xffff;
	[tilespmem:s26+$0xFFFFFF80] =	vst v7;
	v7 =	vmin.f32 v18, v11  }
0x1eb: {  	v10 =	vld.idx.msk [tilespmem:v1+s29+$0xFFFFFFB0], $0xffff;
	[tilespmem:s26+$0xFFFFFFC0] =	vst v7  }
0x1ec: {  	v11 =	vmin.f32 v12, v19;
	s26 =	sadd.s32 $0x200, s26;
	v7 =	vld.idx.msk [tilespmem:v0+s29+$0xFFFFFFC0], $0xffff  }
0x1ed: {  	v12 =	vld.idx.msk [tilespmem:v1+s29+$0xFFFFFFC0], $0xffff;
	[tilespmem:s26+$0xFFFFFFD0] =	vst v11  }
0x1ee: {  	v13 =	vld.idx.msk [tilespmem:v2+s29+$0x0], $0xffff  }
0x1ef: {  	v11 =	vmin.f32 v9, v5;
	v9 =	vld.idx.msk [tilespmem:v0+s29+$0xFFFFFFD0], $0xffff  }
0x1f0: {  	[tilespmem:s26+$0xFFFFFE50] =	vst v11;
	v15 =	vld.idx.msk [tilespmem:v1+s29+$0xFFFFFFD0], $0xffff  }
0x1f1: {  	v11 =	vmin.f32 v10, v6;
	v10 =	vld.idx.msk [tilespmem:v0+s29+$0xFFFFFFE0], $0xffff  }
0x1f2: {  	[tilespmem:s26+$0xFFFFFE90] =	vst v11;
	v16 =	vld.idx.msk [tilespmem:v1+s29+$0xFFFFFFE0], $0xffff  }
0x1f3: {  	v12 =	vmin.f32 v12, v7;
	v11 =	vld.idx.msk [tilespmem:v0+s29+$0xFFFFFFF0], $0xffff  }
0x1f4: {  	v13 =	vmin.f32 v13, v19;
	[tilespmem:s26+$0xFFFFFED0] =	vst v12;
	v12 =	vld.idx.msk [tilespmem:v1+s29+$0xFFFFFFF0], $0xffff  }
0x1f5: {  	v20 =	vld.idx.msk [tilespmem:v0+s29+$0xFFFFFF90], $0xffff;
	[tilespmem:s26+$0xFFFFFFE0] =	vst v13  }
0x1f6: {  	v13 =	vmin.f32 v15, v9;
	v15 =	vld.idx.msk [tilespmem:v3+s29+$0x0], $0xffff  }
0x1f7: {  	v17 =	vld.idx.msk [tilespmem:v2+s29+$0xFFFFFFA0], $0xffff;
	[tilespmem:s26+$0xFFFFFF10] =	vst v13  }
0x1f8: {  	v16 =	vmin.f32 v16, v10;
	v13 =	vld.idx.msk [tilespmem:v2+s29+$0xFFFFFFB0], $0xffff  }
0x1f9: {  	v18 =	vld.idx.msk [tilespmem:v2+s29+$0xFFFFFFC0], $0xffff;
	[tilespmem:s26+$0xFFFFFF50] =	vst v16  }
0x1fa: {  	v12 =	vmin.f32 v12, v11;
	v16 =	vld.idx.msk [tilespmem:v2+s29+$0xFFFFFFD0], $0xffff  }
0x1fb: {  	v14 =	vmin.f32 v14, v20;
	v21 =	vld.idx.msk [tilespmem:v2+s29+$0xFFFFFFE0], $0xffff;
	[tilespmem:s26+$0xFFFFFF90] =	vst v12  }
0x1fc: {  	[tilespmem:s26+$0xFFFFFE10] =	vst v14;
	v12 =	vld.idx.msk [tilespmem:v2+s29+$0xFFFFFFF0], $0xffff;
	v14 =	vmin.f32 v15, v19  }
0x1fd: {  	v17 =	vmin.f32 v17, v5;
	v15 =	vld.idx.msk [tilespmem:v2+s29+$0xFFFFFF90], $0xffff;
	[tilespmem:s26+$0xFFFFFFF0] =	vst v14  }
0x1fe: {  	v13 =	vmin.f32 v13, v6;
	[tilespmem:s26+$0xFFFFFE60] =	vst v17;
	v14 =	vld.idx.msk [tilespmem:v4+s29+$0x0], $0xffff  }
0x1ff: {  	v17 =	vld.idx.msk [tilespmem:v3+s29+$0xFFFFFFA0], $0xffff;
	[tilespmem:s26+$0xFFFFFEA0] =	vst v13;
	v13 =	vmin.f32 v18, v7  }
0x200: {  	v18 =	vld.idx.msk [tilespmem:v3+s29+$0xFFFFFFB0], $0xffff;
	[tilespmem:s26+$0xFFFFFEE0] =	vst v13;
	v13 =	vmin.f32 v16, v9  }
0x201: {  	v22 =	vld.idx.msk [tilespmem:v3+s29+$0xFFFFFFC0], $0xffff;
	[tilespmem:s26+$0xFFFFFF20] =	vst v13;
	v13 =	vmin.f32 v21, v10  }
0x202: {  	v12 =	vmin.f32 v12, v11;
	v21 =	vld.idx.msk [tilespmem:v3+s29+$0xFFFFFFD0], $0xffff;
	[tilespmem:s26+$0xFFFFFF60] =	vst v13  }
0x203: {  	v13 =	vmin.f32 v15, v20;
	v15 =	vld.idx.msk [tilespmem:v3+s29+$0xFFFFFFE0], $0xffff;
	[tilespmem:s26+$0xFFFFFFA0] =	vst v12  }
0x204: {  	[tilespmem:s26+$0xFFFFFE20] =	vst v13;
	v12 =	vld.idx.msk [tilespmem:v3+s29+$0xFFFFFFF0], $0xffff;
	v13 =	vmin.f32 v14, v19  }
0x205: {  	v14 =	vmin.f32 v17, v5;
	v19 =	vld.idx.msk [tilespmem:v3+s29+$0xFFFFFF90], $0xffff;
	[tilespmem:s26+$0x0] =	vst v13  }
0x206: {  	v13 =	vmin.f32 v18, v6;
	[tilespmem:s26+$0xFFFFFE70] =	vst v14;
	v23 =	vld.idx.msk [tilespmem:v4+s25+$0xFFFFFF90], $0xffff;
	s25 =	smov.u32 s29  }
0x207: {  	v16 =	vld.idx.msk [tilespmem:v4+s29+$0xFFFFFFA0], $0xffff;
	[tilespmem:s26+$0xFFFFFEB0] =	vst v13;
	v13 =	vmin.f32 v22, v7  }
.Ltmp3:
0x208: {  	v17 =	vmin.f32 v21, v9;
	v14 =	vld.idx.msk [tilespmem:v4+s29+$0xFFFFFFB0], $0xffff;
	[tilespmem:s26+$0xFFFFFEF0] =	vst v13;
	(pc) =	sbr.rel @p0 .LBB2_8-.Ltmp3, $4  }
0x209: {  	v13 =	vld.idx.msk [tilespmem:v4+s29+$0xFFFFFFC0], $0xffff;
	[tilespmem:s26+$0xFFFFFF30] =	vst v17;
	v17 =	vmin.f32 v15, v10  }
0x20a: {  	v12 =	vmin.f32 v12, v11;
	v15 =	vld.idx.msk [tilespmem:v4+s29+$0xFFFFFFD0], $0xffff;
	[tilespmem:s26+$0xFFFFFF70] =	vst v17  }
0x20b: {  	v18 =	vmin.f32 v19, v20;
	v17 =	vld.idx.msk [tilespmem:v4+s29+$0xFFFFFFE0], $0xffff;
	[tilespmem:s26+$0xFFFFFFB0] =	vst v12  }
0x20c: {  	s29 =	sadd.s32 $0x80, s29;
	v12 =	vmin.f32 v23, v8;
	v8 =	vmov v20;
	[tilespmem:s26+$0xFFFFFE30] =	vst v18;
	v18 =	vld.idx.msk [tilespmem:v4+s25+$0xFFFFFFF0], $0xffff  }
0x20d: {  	_ =	sdelay $0x2  }
0x20e: {  	v5 =	vmin.f32 v16, v5;
	[tilespmem:s24+$0xFFFFFE40] =	vst v12  }
0x20f: {  	[tilespmem:s26+$0xFFFFFE80] =	vst v5;
	v5 =	vmin.f32 v14, v6;
	v6 =	vld.idx.msk [tilespmem:v4+s25+$0xFFFFFF90], $0xffff  }
0x210: {  	[tilespmem:s26+$0xFFFFFEC0] =	vst v5;
	v5 =	vmin.f32 v13, v7  }
0x211: {  	[tilespmem:s26+$0xFFFFFF00] =	vst v5;
	v5 =	vmin.f32 v15, v9  }
0x212: {  	[tilespmem:s26+$0xFFFFFF40] =	vst v5;
	v5 =	vmin.f32 v17, v10  }
0x213: {  	[tilespmem:s26+$0xFFFFFF80] =	vst v5;
	v5 =	vmin.f32 v18, v11  }
0x214: {  	[tilespmem:s26+$0xFFFFFFC0] =	vst v5;
	v5 =	vmin.f32 v6, v8  }
0x215: {  	s28 =	simm.s32 $0x1070;
	[tilespmem:s26+$0xFFFFFE40] =	vst v5  }
0x216: {  	[hbm4b:s7+s2] =	stream.linear.scatter [tilespmem:s17], [sflag:$0x1], $0x1000, $0x38;
	[tilespmem:$0xA000] =	vst v63  }
0x217: {  	v7 =	vld.idx.msk [tilespmem:v0+s28+$0x0], $0xffff  }
0x218: {  	v5 =	vld.idx.msk [tilespmem:v1+s28+$0x0], $0xffff  }
0x219: {  	v6 =	vld.idx.msk [tilespmem:v1+s28+$0xFFFFFF90], $0xffff  }
0x21a: {  	v8 =	vld.idx.msk [tilespmem:v0+s28+$0xFFFFFFA0], $0xffff  }
0x21b: {  	v9 =	vld.idx.msk [tilespmem:v1+s28+$0xFFFFFFA0], $0xffff  }
0x21c: {  	v10 =	vld.idx.msk [tilespmem:v0+s28+$0xFFFFFFB0], $0xffff  }
0x21d: {  	v11 =	vld.idx.msk [tilespmem:v1+s28+$0xFFFFFFB0], $0xffff  }
0x21e: {  	v13 =	vld.idx.msk [tilespmem:v0+s28+$0xFFFFFFC0], $0xffff  }
0x21f: {  	v14 =	vld.idx.msk [tilespmem:v1+s28+$0xFFFFFFC0], $0xffff  }
0x220: {  	v15 =	vld.idx.msk [tilespmem:v0+s28+$0xFFFFFFD0], $0xffff  }
0x221: {  	v16 =	vld.idx.msk [tilespmem:v1+s28+$0xFFFFFFD0], $0xffff  }
0x222: {  	v17 =	vld.idx.msk [tilespmem:v0+s28+$0xFFFFFFE0], $0xffff  }
0x223: {  	v18 =	vld.idx.msk [tilespmem:v1+s28+$0xFFFFFFE0], $0xffff  }
0x224: {  	v19 =	vld.idx.msk [tilespmem:v0+s28+$0xFFFFFFF0], $0xffff  }
0x225: {  	v20 =	vld.idx.msk [tilespmem:v1+s28+$0xFFFFFFF0], $0xffff  }
0x226: {  	s24 =	simm.s32 $0x61F0;
	s25 =	simm.s32 $0x10F0;
	v12 =	vld.idx.msk [tilespmem:v0+s28+$0xFFFFFF90], $0xffff;
	v5 =	vmin.f32 v5, v7  }
0x227: {  	v23 =	vld.idx.msk [tilespmem:v0+s25+$0x0], $0xffff;
	[tilespmem:s24+$0xFFFFFFD0] =	vst v5  }
0x228: {  	v5 =	vld.idx.msk [tilespmem:v2+s28+$0x0], $0xffff  }
0x229: {  	v24 =	vld.idx.msk [tilespmem:v1+s25+$0x0], $0xffff  }
0x22a: {  	v25 =	vld.idx.msk [tilespmem:v1+s25+$0xFFFFFF90], $0xffff  }
0x22b: {  	v26 =	vld.idx.msk [tilespmem:v1+s25+$0xFFFFFFA0], $0xffff;
	v9 =	vmin.f32 v9, v8  }
0x22c: {  	v27 =	vld.idx.msk [tilespmem:v1+s25+$0xFFFFFFB0], $0xffff;
	v6 =	vmin.f32 v6, v12;
	[tilespmem:s24+$0xFFFFFE50] =	vst v9  }
0x22d: {  	v61 =	vld.idx.msk [tilespmem:v1+s25+$0xFFFFFFC0], $0xffff;
	[tilespmem:s24+$0xFFFFFE10] =	vst v6;
	v5 =	vmin.f32 v5, v7  }
0x22e: {  	[tilespmem:s24+$0xFFFFFFE0] =	vst v5;
	v5 =	vmin.f32 v11, v10;
	v11 =	vld.idx.msk [tilespmem:v2+s28+$0xFFFFFFA0], $0xffff  }
0x22f: {  	v9 =	vld.idx.msk [tilespmem:v3+s28+$0x0], $0xffff;
	[tilespmem:s24+$0xFFFFFE90] =	vst v5;
	v5 =	vmin.f32 v14, v13  }
0x230: {  	[tilespmem:s24+$0xFFFFFED0] =	vst v5;
	v5 =	vmin.f32 v16, v15;
	v14 =	vld.idx.msk [tilespmem:v2+s28+$0xFFFFFFB0], $0xffff  }
0x231: {  	[tilespmem:s24+$0xFFFFFF10] =	vst v5;
	v5 =	vmin.f32 v18, v17;
	v16 =	vld.idx.msk [tilespmem:v2+s28+$0xFFFFFFC0], $0xffff  }
0x232: {  	v18 =	vmin.f32 v20, v19;
	[tilespmem:s24+$0xFFFFFF50] =	vst v5;
	v5 =	vld.idx.msk [tilespmem:v2+s28+$0xFFFFFFD0], $0xffff  }
0x233: {  	[tilespmem:s24+$0xFFFFFF90] =	vst v18;
	v18 =	vld.idx.msk [tilespmem:v2+s28+$0xFFFFFF90], $0xffff  }
0x234: {  	v20 =	vld.idx.msk [tilespmem:v2+s28+$0xFFFFFFE0], $0xffff;
	v11 =	vmin.f32 v11, v8  }
0x235: {  	v6 =	vld.idx.msk [tilespmem:v2+s28+$0xFFFFFFF0], $0xffff;
	v9 =	vmin.f32 v9, v7;
	[tilespmem:s24+$0xFFFFFE60] =	vst v11  }
0x236: {  	[tilespmem:s24+$0xFFFFFFF0] =	vst v9;
	v9 =	vmin.f32 v14, v10;
	v14 =	vld.idx.msk [tilespmem:v3+s28+$0xFFFFFFA0], $0xffff  }
0x237: {  	v11 =	vld.idx.msk [tilespmem:v4+s28+$0x0], $0xffff;
	[tilespmem:s24+$0xFFFFFEA0] =	vst v9;
	v9 =	vmin.f32 v16, v13  }
0x238: {  	v16 =	vld.idx.msk [tilespmem:v3+s28+$0xFFFFFFB0], $0xffff;
	[tilespmem:s24+$0xFFFFFEE0] =	vst v9;
	v5 =	vmin.f32 v5, v15  }
0x239: {  	v9 =	vld.idx.msk [tilespmem:v3+s28+$0xFFFFFFC0], $0xffff;
	[tilespmem:s24+$0xFFFFFF20] =	vst v5;
	v5 =	vmin.f32 v20, v17  }
0x23a: {  	v20 =	vld.idx.msk [tilespmem:v3+s28+$0xFFFFFFD0], $0xffff;
	[tilespmem:s24+$0xFFFFFF60] =	vst v5;
	v5 =	vmin.f32 v6, v19  }
0x23b: {  	v6 =	vmin.f32 v18, v12;
	v18 =	vld.idx.msk [tilespmem:v3+s28+$0xFFFFFFE0], $0xffff;
	[tilespmem:s24+$0xFFFFFFA0] =	vst v5  }
0x23c: {  	[tilespmem:s24+$0xFFFFFE20] =	vst v6;
	v6 =	vmin.f32 v14, v8;
	v5 =	vld.idx.msk [tilespmem:v3+s28+$0xFFFFFFF0], $0xffff  }
0x23d: {  	v14 =	vld.idx.msk [tilespmem:v3+s28+$0xFFFFFF90], $0xffff;
	[tilespmem:s24+$0xFFFFFE70] =	vst v6;
	v7 =	vmin.f32 v11, v7  }
0x23e: {  	s26 =	simm.s32 $0x63F0;
	v11 =	vmin.f32 v24, v23;
	v6 =	vmin.f32 v16, v10;
	v16 =	vld.idx.msk [tilespmem:v4+s28+$0xFFFFFFA0], $0xffff;
	[tilespmem:s24+$0x0] =	vst v7  }
0x23f: {  	v7 =	vld.idx.msk [tilespmem:v0+s25+$0xFFFFFFC0], $0xffff;
	[tilespmem:s26+$0xFFFFFFD0] =	vst v11  }
0x240: {  	v11 =	vld.idx.msk [tilespmem:v0+s25+$0xFFFFFFF0], $0xffff;
	[tilespmem:s24+$0xFFFFFEB0] =	vst v6;
	v6 =	vmin.f32 v9, v13  }
0x241: {  	v9 =	vld.idx.msk [tilespmem:v4+s28+$0xFFFFFFB0], $0xffff;
	[tilespmem:s24+$0xFFFFFEF0] =	vst v6;
	v6 =	vmin.f32 v20, v15  }
0x242: {  	v20 =	vld.idx.msk [tilespmem:v4+s28+$0xFFFFFFC0], $0xffff;
	[tilespmem:s24+$0xFFFFFF30] =	vst v6  }
0x243: {  	v6 =	vmin.f32 v18, v17;
	v18 =	vld.idx.msk [tilespmem:v4+s28+$0xFFFFFFD0], $0xffff  }
0x244: {  	[tilespmem:s24+$0xFFFFFF70] =	vst v6;
	v6 =	vld.idx.msk [tilespmem:v0+s25+$0xFFFFFFB0], $0xffff  }
0x245: {  	v5 =	vmin.f32 v5, v19;
	v21 =	vld.idx.msk [tilespmem:v4+s28+$0xFFFFFFE0], $0xffff  }
0x246: {  	v14 =	vmin.f32 v14, v12;
	[tilespmem:s24+$0xFFFFFFB0] =	vst v5;
	v5 =	vld.idx.msk [tilespmem:v0+s25+$0xFFFFFFA0], $0xffff  }
0x247: {  	[tilespmem:s24+$0xFFFFFE30] =	vst v14;
	v8 =	vmin.f32 v16, v8;
	v14 =	vld.idx.msk [tilespmem:v2+s25+$0x0], $0xffff  }
0x248: {  	v16 =	vld.idx.msk [tilespmem:v1+s25+$0xFFFFFFF0], $0xffff;
	[tilespmem:s24+$0xFFFFFE80] =	vst v8;
	v8 =	vmin.f32 v9, v10  }
0x249: {  	v22 =	vld.idx.msk [tilespmem:v4+s28+$0xFFFFFFF0], $0xffff;
	[tilespmem:s24+$0xFFFFFEC0] =	vst v8;
	v8 =	vmin.f32 v20, v13  }
0x24a: {  	v63 =	vld.idx.msk [tilespmem:v4+s28+$0xFFFFFF90], $0xffff;
	[tilespmem:s24+$0xFFFFFF00] =	vst v8;
	v8 =	vmin.f32 v18, v15  }
0x24b: {  	v9 =	vld.idx.msk [tilespmem:v0+s25+$0xFFFFFFD0], $0xffff;
	[tilespmem:s24+$0xFFFFFF40] =	vst v8;
	v8 =	vmin.f32 v21, v17  }
0x24c: {  	v10 =	vld.idx.msk [tilespmem:v0+s25+$0xFFFFFFE0], $0xffff;
	v14 =	vmin.f32 v14, v23;
	[tilespmem:s24+$0xFFFFFF80] =	vst v8  }
0x24d: {  	v13 =	vld.idx.msk [tilespmem:v1+s25+$0xFFFFFFD0], $0xffff;
	v17 =	vmin.f32 v26, v5;
	[tilespmem:s26+$0xFFFFFFE0] =	vst v14  }
0x24e: {  	v15 =	vld.idx.msk [tilespmem:v1+s25+$0xFFFFFFE0], $0xffff;
	v8 =	vmin.f32 v22, v19;
	[tilespmem:s26+$0xFFFFFE50] =	vst v17  }
0x24f: {  	v16 =	vmin.f32 v16, v11;
	[tilespmem:s24+$0xFFFFFFC0] =	vst v8;
	v8 =	vld.idx.msk [tilespmem:v0+s25+$0xFFFFFF90], $0xffff  }
0x250: {  	v14 =	vmin.f32 v27, v6;
	[tilespmem:s26+$0xFFFFFF90] =	vst v16;
	v17 =	vld.idx.msk [tilespmem:v3+s25+$0x0], $0xffff  }
0x251: {  	[tilespmem:s26+$0xFFFFFE90] =	vst v14;
	v14 =	vmin.f32 v61, v7;
	v18 =	vld.idx.msk [tilespmem:v2+s25+$0xFFFFFFA0], $0xffff  }
0x252: {  	[tilespmem:s26+$0xFFFFFED0] =	vst v14;
	v13 =	vmin.f32 v13, v9;
	v14 =	vld.idx.msk [tilespmem:v2+s25+$0xFFFFFFB0], $0xffff  }
0x253: {  	[tilespmem:s26+$0xFFFFFF10] =	vst v13;
	v13 =	vmin.f32 v15, v10;
	v15 =	vld.idx.msk [tilespmem:v2+s25+$0xFFFFFFC0], $0xffff  }
0x254: {  	[tilespmem:s26+$0xFFFFFF50] =	vst v13;
	v13 =	vld.idx.msk [tilespmem:v2+s25+$0xFFFFFFD0], $0xffff;
	v19 =	vmin.f32 v25, v8  }
0x255: {  	v20 =	vld.idx.msk [tilespmem:v2+s25+$0xFFFFFFE0], $0xffff;
	v17 =	vmin.f32 v17, v23;
	[tilespmem:s26+$0xFFFFFE10] =	vst v19  }
0x256: {  	v16 =	vld.idx.msk [tilespmem:v2+s25+$0xFFFFFFF0], $0xffff;
	v18 =	vmin.f32 v18, v5;
	[tilespmem:s26+$0xFFFFFFF0] =	vst v17  }
0x257: {  	[tilespmem:s26+$0xFFFFFE60] =	vst v18;
	v14 =	vmin.f32 v14, v6;
	v19 =	vld.idx.msk [tilespmem:v2+s25+$0xFFFFFF90], $0xffff  }
0x258: {  	v17 =	vld.idx.msk [tilespmem:v4+s25+$0x0], $0xffff;
	[tilespmem:s26+$0xFFFFFEA0] =	vst v14;
	v14 =	vmin.f32 v15, v7  }
0x259: {  	v18 =	vld.idx.msk [tilespmem:v3+s25+$0xFFFFFFA0], $0xffff;
	[tilespmem:s26+$0xFFFFFEE0] =	vst v14;
	v13 =	vmin.f32 v13, v9  }
0x25a: {  	v15 =	vld.idx.msk [tilespmem:v3+s25+$0xFFFFFFB0], $0xffff;
	[tilespmem:s26+$0xFFFFFF20] =	vst v13;
	v13 =	vmin.f32 v20, v10  }
0x25b: {  	v14 =	vld.idx.msk [tilespmem:v3+s25+$0xFFFFFFC0], $0xffff;
	[tilespmem:s26+$0xFFFFFF60] =	vst v13;
	v13 =	vmin.f32 v16, v11  }
0x25c: {  	v20 =	vld.idx.msk [tilespmem:v3+s25+$0xFFFFFFD0], $0xffff;
	[tilespmem:s26+$0xFFFFFFA0] =	vst v13;
	v16 =	vmin.f32 v19, v8  }
0x25d: {  	v19 =	vld.idx.msk [tilespmem:v3+s25+$0xFFFFFFE0], $0xffff;
	v13 =	vmin.f32 v17, v23;
	[tilespmem:s26+$0xFFFFFE20] =	vst v16  }
0x25e: {  	v62 =	vld.idx.msk [tilespmem:v3+s25+$0xFFFFFFF0], $0xffff;
	v16 =	vmin.f32 v18, v5;
	[tilespmem:s26+$0x0] =	vst v13  }
0x25f: {  	v13 =	vmin.f32 v15, v6;
	v17 =	vld.idx.msk [tilespmem:v3+s25+$0xFFFFFF90], $0xffff;
	[tilespmem:s26+$0xFFFFFE70] =	vst v16  }
0x260: {  	[tilespmem:s26+$0xFFFFFEB0] =	vst v13;
	v13 =	vmin.f32 v14, v7;
	v16 =	vld.idx.msk [tilespmem:v4+s25+$0xFFFFFFA0], $0xffff  }
0x261: {  	v14 =	vld.idx.msk [tilespmem:v4+s25+$0xFFFFFFB0], $0xffff;
	[tilespmem:s26+$0xFFFFFEF0] =	vst v13;
	v15 =	vmin.f32 v20, v9  }
0x262: {  	v13 =	vld.idx.msk [tilespmem:v4+s25+$0xFFFFFFC0], $0xffff;
	[tilespmem:s26+$0xFFFFFF30] =	vst v15;
	v18 =	vmin.f32 v19, v10  }
0x263: {  	v15 =	vld.idx.msk [tilespmem:v4+s25+$0xFFFFFFD0], $0xffff;
	[tilespmem:s26+$0xFFFFFF70] =	vst v18;
	v18 =	vmin.f32 v62, v11  }
0x264: {  	v19 =	vmin.f32 v17, v8;
	v17 =	vld.idx.msk [tilespmem:v4+s25+$0xFFFFFFE0], $0xffff;
	[tilespmem:s26+$0xFFFFFFB0] =	vst v18  }
0x265: {  	s29 =	simm.s32 $0x1170;
	s28 =	simm.s32 $0x108;
	v12 =	vmin.f32 v63, v12;
	[tilespmem:s26+$0xFFFFFE30] =	vst v19;
	v18 =	vld.idx.msk [tilespmem:v4+s25+$0xFFFFFFF0], $0xffff  }
.LBB2_10:
0x266: {  	v19 =	vld.idx.msk [tilespmem:v0+s29+$0x0], $0xffff;
	v5 =	vmin.f32 v16, v5;
	[tilespmem:s24+$0xFFFFFE40] =	vst v12;
	s24 =	smov.u32 s26  }
0x267: {  	s28 =	sadd.s32 $0x8, s28;
	v12 =	vld.idx.msk [tilespmem:v1+s29+$0x0], $0xffff;
	[tilespmem:s26+$0xFFFFFE80] =	vst v5;
	v5 =	vmin.f32 v14, v6  }
0x268: {  	p0 =	slt.u32 s28, $0x138;
	v6 =	vmin.f32 v13, v7;
	v14 =	vld.idx.msk [tilespmem:v1+s29+$0xFFFFFF90], $0xffff;
	[tilespmem:s26+$0xFFFFFEC0] =	vst v5  }
0x269: {  	v5 =	vld.idx.msk [tilespmem:v0+s29+$0xFFFFFFA0], $0xffff;
	[tilespmem:s26+$0xFFFFFF00] =	vst v6;
	v6 =	vmin.f32 v15, v9  }
0x26a: {  	v7 =	vmin.f32 v17, v10;
	v9 =	vld.idx.msk [tilespmem:v1+s29+$0xFFFFFFA0], $0xffff;
	[tilespmem:s26+$0xFFFFFF40] =	vst v6  }
0x26b: {  	v6 =	vld.idx.msk [tilespmem:v0+s29+$0xFFFFFFB0], $0xffff;
	[tilespmem:s26+$0xFFFFFF80] =	vst v7;
	v7 =	vmin.f32 v18, v11  }
0x26c: {  	v10 =	vld.idx.msk [tilespmem:v1+s29+$0xFFFFFFB0], $0xffff;
	[tilespmem:s26+$0xFFFFFFC0] =	vst v7  }
0x26d: {  	v11 =	vmin.f32 v12, v19;
	s26 =	sadd.s32 $0x200, s26;
	v7 =	vld.idx.msk [tilespmem:v0+s29+$0xFFFFFFC0], $0xffff  }
0x26e: {  	v12 =	vld.idx.msk [tilespmem:v1+s29+$0xFFFFFFC0], $0xffff;
	[tilespmem:s26+$0xFFFFFFD0] =	vst v11  }
0x26f: {  	v13 =	vld.idx.msk [tilespmem:v2+s29+$0x0], $0xffff  }
0x270: {  	v11 =	vmin.f32 v9, v5;
	v9 =	vld.idx.msk [tilespmem:v0+s29+$0xFFFFFFD0], $0xffff  }
0x271: {  	[tilespmem:s26+$0xFFFFFE50] =	vst v11;
	v15 =	vld.idx.msk [tilespmem:v1+s29+$0xFFFFFFD0], $0xffff  }
0x272: {  	v11 =	vmin.f32 v10, v6;
	v10 =	vld.idx.msk [tilespmem:v0+s29+$0xFFFFFFE0], $0xffff  }
0x273: {  	[tilespmem:s26+$0xFFFFFE90] =	vst v11;
	v16 =	vld.idx.msk [tilespmem:v1+s29+$0xFFFFFFE0], $0xffff  }
0x274: {  	v12 =	vmin.f32 v12, v7;
	v11 =	vld.idx.msk [tilespmem:v0+s29+$0xFFFFFFF0], $0xffff  }
0x275: {  	v13 =	vmin.f32 v13, v19;
	[tilespmem:s26+$0xFFFFFED0] =	vst v12;
	v12 =	vld.idx.msk [tilespmem:v1+s29+$0xFFFFFFF0], $0xffff  }
0x276: {  	v20 =	vld.idx.msk [tilespmem:v0+s29+$0xFFFFFF90], $0xffff;
	[tilespmem:s26+$0xFFFFFFE0] =	vst v13  }
0x277: {  	v13 =	vmin.f32 v15, v9;
	v15 =	vld.idx.msk [tilespmem:v3+s29+$0x0], $0xffff  }
0x278: {  	v17 =	vld.idx.msk [tilespmem:v2+s29+$0xFFFFFFA0], $0xffff;
	[tilespmem:s26+$0xFFFFFF10] =	vst v13  }
0x279: {  	v16 =	vmin.f32 v16, v10;
	v13 =	vld.idx.msk [tilespmem:v2+s29+$0xFFFFFFB0], $0xffff  }
0x27a: {  	v18 =	vld.idx.msk [tilespmem:v2+s29+$0xFFFFFFC0], $0xffff;
	[tilespmem:s26+$0xFFFFFF50] =	vst v16  }
0x27b: {  	v12 =	vmin.f32 v12, v11;
	v16 =	vld.idx.msk [tilespmem:v2+s29+$0xFFFFFFD0], $0xffff  }
0x27c: {  	v14 =	vmin.f32 v14, v20;
	v21 =	vld.idx.msk [tilespmem:v2+s29+$0xFFFFFFE0], $0xffff;
	[tilespmem:s26+$0xFFFFFF90] =	vst v12  }
0x27d: {  	[tilespmem:s26+$0xFFFFFE10] =	vst v14;
	v12 =	vld.idx.msk [tilespmem:v2+s29+$0xFFFFFFF0], $0xffff;
	v14 =	vmin.f32 v15, v19  }
0x27e: {  	v17 =	vmin.f32 v17, v5;
	v15 =	vld.idx.msk [tilespmem:v2+s29+$0xFFFFFF90], $0xffff;
	[tilespmem:s26+$0xFFFFFFF0] =	vst v14  }
0x27f: {  	v13 =	vmin.f32 v13, v6;
	[tilespmem:s26+$0xFFFFFE60] =	vst v17;
	v14 =	vld.idx.msk [tilespmem:v4+s29+$0x0], $0xffff  }
0x280: {  	v17 =	vld.idx.msk [tilespmem:v3+s29+$0xFFFFFFA0], $0xffff;
	[tilespmem:s26+$0xFFFFFEA0] =	vst v13;
	v13 =	vmin.f32 v18, v7  }
0x281: {  	v18 =	vld.idx.msk [tilespmem:v3+s29+$0xFFFFFFB0], $0xffff;
	[tilespmem:s26+$0xFFFFFEE0] =	vst v13;
	v13 =	vmin.f32 v16, v9  }
0x282: {  	v22 =	vld.idx.msk [tilespmem:v3+s29+$0xFFFFFFC0], $0xffff;
	[tilespmem:s26+$0xFFFFFF20] =	vst v13;
	v13 =	vmin.f32 v21, v10  }
0x283: {  	v12 =	vmin.f32 v12, v11;
	v21 =	vld.idx.msk [tilespmem:v3+s29+$0xFFFFFFD0], $0xffff;
	[tilespmem:s26+$0xFFFFFF60] =	vst v13  }
0x284: {  	v13 =	vmin.f32 v15, v20;
	v15 =	vld.idx.msk [tilespmem:v3+s29+$0xFFFFFFE0], $0xffff;
	[tilespmem:s26+$0xFFFFFFA0] =	vst v12  }
0x285: {  	[tilespmem:s26+$0xFFFFFE20] =	vst v13;
	v12 =	vld.idx.msk [tilespmem:v3+s29+$0xFFFFFFF0], $0xffff;
	v13 =	vmin.f32 v14, v19  }
0x286: {  	v14 =	vmin.f32 v17, v5;
	v19 =	vld.idx.msk [tilespmem:v3+s29+$0xFFFFFF90], $0xffff;
	[tilespmem:s26+$0x0] =	vst v13  }
0x287: {  	v13 =	vmin.f32 v18, v6;
	[tilespmem:s26+$0xFFFFFE70] =	vst v14;
	v23 =	vld.idx.msk [tilespmem:v4+s25+$0xFFFFFF90], $0xffff;
	s25 =	smov.u32 s29  }
0x288: {  	v16 =	vld.idx.msk [tilespmem:v4+s29+$0xFFFFFFA0], $0xffff;
	[tilespmem:s26+$0xFFFFFEB0] =	vst v13;
	v13 =	vmin.f32 v22, v7  }
.Ltmp4:
0x289: {  	v17 =	vmin.f32 v21, v9;
	v14 =	vld.idx.msk [tilespmem:v4+s29+$0xFFFFFFB0], $0xffff;
	[tilespmem:s26+$0xFFFFFEF0] =	vst v13;
	(pc) =	sbr.rel @p0 .LBB2_10-.Ltmp4, $4  }
0x28a: {  	v13 =	vld.idx.msk [tilespmem:v4+s29+$0xFFFFFFC0], $0xffff;
	[tilespmem:s26+$0xFFFFFF30] =	vst v17;
	v17 =	vmin.f32 v15, v10  }
0x28b: {  	v12 =	vmin.f32 v12, v11;
	v15 =	vld.idx.msk [tilespmem:v4+s29+$0xFFFFFFD0], $0xffff;
	[tilespmem:s26+$0xFFFFFF70] =	vst v17  }
0x28c: {  	v18 =	vmin.f32 v19, v20;
	v17 =	vld.idx.msk [tilespmem:v4+s29+$0xFFFFFFE0], $0xffff;
	[tilespmem:s26+$0xFFFFFFB0] =	vst v12  }
0x28d: {  	s29 =	sadd.s32 $0x80, s29;
	v12 =	vmin.f32 v23, v8;
	v8 =	vmov v20;
	[tilespmem:s26+$0xFFFFFE30] =	vst v18;
	v18 =	vld.idx.msk [tilespmem:v4+s25+$0xFFFFFFF0], $0xffff  }
0x28e: {  	_ =	sdelay $0x2  }
0x28f: {  	v5 =	vmin.f32 v16, v5;
	[tilespmem:s24+$0xFFFFFE40] =	vst v12  }
0x290: {  	[tilespmem:s26+$0xFFFFFE80] =	vst v5;
	v5 =	vmin.f32 v14, v6;
	v6 =	vld.idx.msk [tilespmem:v4+s25+$0xFFFFFF90], $0xffff  }
0x291: {  	[tilespmem:s26+$0xFFFFFEC0] =	vst v5;
	v5 =	vmin.f32 v13, v7  }
0x292: {  	[tilespmem:s26+$0xFFFFFF00] =	vst v5;
	v5 =	vmin.f32 v15, v9  }
0x293: {  	[tilespmem:s26+$0xFFFFFF40] =	vst v5;
	v5 =	vmin.f32 v17, v10  }
0x294: {  	[tilespmem:s26+$0xFFFFFF80] =	vst v5;
	v5 =	vmin.f32 v18, v11  }
0x295: {  	[tilespmem:s26+$0xFFFFFFC0] =	vst v5;
	v5 =	vmin.f32 v6, v8  }
0x296: {  	s28 =	simm.s32 $0x1470;
	[tilespmem:s26+$0xFFFFFE40] =	vst v5  }
0x297: {  	[hbm4b:s8+s2] =	stream.linear.scatter [tilespmem:s18], [sflag:$0x1], $0x1000, $0x38;
	[tilespmem:$0xA000] =	vst v63  }
0x298: {  	v7 =	vld.idx.msk [tilespmem:v0+s28+$0x0], $0xffff  }
0x299: {  	v5 =	vld.idx.msk [tilespmem:v1+s28+$0x0], $0xffff  }
0x29a: {  	v6 =	vld.idx.msk [tilespmem:v1+s28+$0xFFFFFF90], $0xffff  }
0x29b: {  	v8 =	vld.idx.msk [tilespmem:v0+s28+$0xFFFFFFA0], $0xffff  }
0x29c: {  	v9 =	vld.idx.msk [tilespmem:v1+s28+$0xFFFFFFA0], $0xffff  }
0x29d: {  	v10 =	vld.idx.msk [tilespmem:v0+s28+$0xFFFFFFB0], $0xffff  }
0x29e: {  	v11 =	vld.idx.msk [tilespmem:v1+s28+$0xFFFFFFB0], $0xffff  }
0x29f: {  	v13 =	vld.idx.msk [tilespmem:v0+s28+$0xFFFFFFC0], $0xffff  }
0x2a0: {  	v14 =	vld.idx.msk [tilespmem:v1+s28+$0xFFFFFFC0], $0xffff  }
0x2a1: {  	v15 =	vld.idx.msk [tilespmem:v0+s28+$0xFFFFFFD0], $0xffff  }
0x2a2: {  	v16 =	vld.idx.msk [tilespmem:v1+s28+$0xFFFFFFD0], $0xffff  }
0x2a3: {  	v17 =	vld.idx.msk [tilespmem:v0+s28+$0xFFFFFFE0], $0xffff  }
0x2a4: {  	v18 =	vld.idx.msk [tilespmem:v1+s28+$0xFFFFFFE0], $0xffff  }
0x2a5: {  	v19 =	vld.idx.msk [tilespmem:v0+s28+$0xFFFFFFF0], $0xffff  }
0x2a6: {  	v20 =	vld.idx.msk [tilespmem:v1+s28+$0xFFFFFFF0], $0xffff  }
0x2a7: {  	s24 =	simm.s32 $0x71F0;
	s25 =	simm.s32 $0x14F0;
	v12 =	vld.idx.msk [tilespmem:v0+s28+$0xFFFFFF90], $0xffff;
	v5 =	vmin.f32 v5, v7  }
0x2a8: {  	v23 =	vld.idx.msk [tilespmem:v0+s25+$0x0], $0xffff;
	[tilespmem:s24+$0xFFFFFFD0] =	vst v5  }
0x2a9: {  	v5 =	vld.idx.msk [tilespmem:v2+s28+$0x0], $0xffff  }
0x2aa: {  	v24 =	vld.idx.msk [tilespmem:v1+s25+$0x0], $0xffff  }
0x2ab: {  	v25 =	vld.idx.msk [tilespmem:v1+s25+$0xFFFFFF90], $0xffff  }
0x2ac: {  	v26 =	vld.idx.msk [tilespmem:v1+s25+$0xFFFFFFA0], $0xffff;
	v9 =	vmin.f32 v9, v8  }
0x2ad: {  	v27 =	vld.idx.msk [tilespmem:v1+s25+$0xFFFFFFB0], $0xffff;
	v6 =	vmin.f32 v6, v12;
	[tilespmem:s24+$0xFFFFFE50] =	vst v9  }
0x2ae: {  	v61 =	vld.idx.msk [tilespmem:v1+s25+$0xFFFFFFC0], $0xffff;
	[tilespmem:s24+$0xFFFFFE10] =	vst v6;
	v5 =	vmin.f32 v5, v7  }
0x2af: {  	[tilespmem:s24+$0xFFFFFFE0] =	vst v5;
	v5 =	vmin.f32 v11, v10;
	v11 =	vld.idx.msk [tilespmem:v2+s28+$0xFFFFFFA0], $0xffff  }
0x2b0: {  	v9 =	vld.idx.msk [tilespmem:v3+s28+$0x0], $0xffff;
	[tilespmem:s24+$0xFFFFFE90] =	vst v5;
	v5 =	vmin.f32 v14, v13  }
0x2b1: {  	[tilespmem:s24+$0xFFFFFED0] =	vst v5;
	v5 =	vmin.f32 v16, v15;
	v14 =	vld.idx.msk [tilespmem:v2+s28+$0xFFFFFFB0], $0xffff  }
0x2b2: {  	[tilespmem:s24+$0xFFFFFF10] =	vst v5;
	v5 =	vmin.f32 v18, v17;
	v16 =	vld.idx.msk [tilespmem:v2+s28+$0xFFFFFFC0], $0xffff  }
0x2b3: {  	v18 =	vmin.f32 v20, v19;
	[tilespmem:s24+$0xFFFFFF50] =	vst v5;
	v5 =	vld.idx.msk [tilespmem:v2+s28+$0xFFFFFFD0], $0xffff  }
0x2b4: {  	[tilespmem:s24+$0xFFFFFF90] =	vst v18;
	v18 =	vld.idx.msk [tilespmem:v2+s28+$0xFFFFFF90], $0xffff  }
0x2b5: {  	v20 =	vld.idx.msk [tilespmem:v2+s28+$0xFFFFFFE0], $0xffff;
	v11 =	vmin.f32 v11, v8  }
0x2b6: {  	v6 =	vld.idx.msk [tilespmem:v2+s28+$0xFFFFFFF0], $0xffff;
	v9 =	vmin.f32 v9, v7;
	[tilespmem:s24+$0xFFFFFE60] =	vst v11  }
0x2b7: {  	[tilespmem:s24+$0xFFFFFFF0] =	vst v9;
	v9 =	vmin.f32 v14, v10;
	v14 =	vld.idx.msk [tilespmem:v3+s28+$0xFFFFFFA0], $0xffff  }
0x2b8: {  	v11 =	vld.idx.msk [tilespmem:v4+s28+$0x0], $0xffff;
	[tilespmem:s24+$0xFFFFFEA0] =	vst v9;
	v9 =	vmin.f32 v16, v13  }
0x2b9: {  	v16 =	vld.idx.msk [tilespmem:v3+s28+$0xFFFFFFB0], $0xffff;
	[tilespmem:s24+$0xFFFFFEE0] =	vst v9;
	v5 =	vmin.f32 v5, v15  }
0x2ba: {  	v9 =	vld.idx.msk [tilespmem:v3+s28+$0xFFFFFFC0], $0xffff;
	[tilespmem:s24+$0xFFFFFF20] =	vst v5;
	v5 =	vmin.f32 v20, v17  }
0x2bb: {  	v20 =	vld.idx.msk [tilespmem:v3+s28+$0xFFFFFFD0], $0xffff;
	[tilespmem:s24+$0xFFFFFF60] =	vst v5;
	v5 =	vmin.f32 v6, v19  }
0x2bc: {  	v6 =	vmin.f32 v18, v12;
	v18 =	vld.idx.msk [tilespmem:v3+s28+$0xFFFFFFE0], $0xffff;
	[tilespmem:s24+$0xFFFFFFA0] =	vst v5  }
0x2bd: {  	[tilespmem:s24+$0xFFFFFE20] =	vst v6;
	v6 =	vmin.f32 v14, v8;
	v5 =	vld.idx.msk [tilespmem:v3+s28+$0xFFFFFFF0], $0xffff  }
0x2be: {  	v14 =	vld.idx.msk [tilespmem:v3+s28+$0xFFFFFF90], $0xffff;
	[tilespmem:s24+$0xFFFFFE70] =	vst v6;
	v7 =	vmin.f32 v11, v7  }
0x2bf: {  	s26 =	simm.s32 $0x73F0;
	v11 =	vmin.f32 v24, v23;
	v6 =	vmin.f32 v16, v10;
	v16 =	vld.idx.msk [tilespmem:v4+s28+$0xFFFFFFA0], $0xffff;
	[tilespmem:s24+$0x0] =	vst v7  }
0x2c0: {  	v7 =	vld.idx.msk [tilespmem:v0+s25+$0xFFFFFFC0], $0xffff;
	[tilespmem:s26+$0xFFFFFFD0] =	vst v11  }
0x2c1: {  	v11 =	vld.idx.msk [tilespmem:v0+s25+$0xFFFFFFF0], $0xffff;
	[tilespmem:s24+$0xFFFFFEB0] =	vst v6;
	v6 =	vmin.f32 v9, v13  }
0x2c2: {  	v9 =	vld.idx.msk [tilespmem:v4+s28+$0xFFFFFFB0], $0xffff;
	[tilespmem:s24+$0xFFFFFEF0] =	vst v6;
	v6 =	vmin.f32 v20, v15  }
0x2c3: {  	v20 =	vld.idx.msk [tilespmem:v4+s28+$0xFFFFFFC0], $0xffff;
	[tilespmem:s24+$0xFFFFFF30] =	vst v6  }
0x2c4: {  	v6 =	vmin.f32 v18, v17;
	v18 =	vld.idx.msk [tilespmem:v4+s28+$0xFFFFFFD0], $0xffff  }
0x2c5: {  	[tilespmem:s24+$0xFFFFFF70] =	vst v6;
	v6 =	vld.idx.msk [tilespmem:v0+s25+$0xFFFFFFB0], $0xffff  }
0x2c6: {  	v5 =	vmin.f32 v5, v19;
	v21 =	vld.idx.msk [tilespmem:v4+s28+$0xFFFFFFE0], $0xffff  }
0x2c7: {  	v14 =	vmin.f32 v14, v12;
	[tilespmem:s24+$0xFFFFFFB0] =	vst v5;
	v5 =	vld.idx.msk [tilespmem:v0+s25+$0xFFFFFFA0], $0xffff  }
0x2c8: {  	[tilespmem:s24+$0xFFFFFE30] =	vst v14;
	v8 =	vmin.f32 v16, v8;
	v14 =	vld.idx.msk [tilespmem:v2+s25+$0x0], $0xffff  }
0x2c9: {  	v16 =	vld.idx.msk [tilespmem:v1+s25+$0xFFFFFFF0], $0xffff;
	[tilespmem:s24+$0xFFFFFE80] =	vst v8;
	v8 =	vmin.f32 v9, v10  }
0x2ca: {  	v22 =	vld.idx.msk [tilespmem:v4+s28+$0xFFFFFFF0], $0xffff;
	[tilespmem:s24+$0xFFFFFEC0] =	vst v8;
	v8 =	vmin.f32 v20, v13  }
0x2cb: {  	v63 =	vld.idx.msk [tilespmem:v4+s28+$0xFFFFFF90], $0xffff;
	[tilespmem:s24+$0xFFFFFF00] =	vst v8;
	v8 =	vmin.f32 v18, v15  }
0x2cc: {  	v9 =	vld.idx.msk [tilespmem:v0+s25+$0xFFFFFFD0], $0xffff;
	[tilespmem:s24+$0xFFFFFF40] =	vst v8;
	v8 =	vmin.f32 v21, v17  }
0x2cd: {  	v10 =	vld.idx.msk [tilespmem:v0+s25+$0xFFFFFFE0], $0xffff;
	v14 =	vmin.f32 v14, v23;
	[tilespmem:s24+$0xFFFFFF80] =	vst v8  }
0x2ce: {  	v13 =	vld.idx.msk [tilespmem:v1+s25+$0xFFFFFFD0], $0xffff;
	v17 =	vmin.f32 v26, v5;
	[tilespmem:s26+$0xFFFFFFE0] =	vst v14  }
0x2cf: {  	v15 =	vld.idx.msk [tilespmem:v1+s25+$0xFFFFFFE0], $0xffff;
	v8 =	vmin.f32 v22, v19;
	[tilespmem:s26+$0xFFFFFE50] =	vst v17  }
0x2d0: {  	v16 =	vmin.f32 v16, v11;
	[tilespmem:s24+$0xFFFFFFC0] =	vst v8;
	v8 =	vld.idx.msk [tilespmem:v0+s25+$0xFFFFFF90], $0xffff  }
0x2d1: {  	v14 =	vmin.f32 v27, v6;
	[tilespmem:s26+$0xFFFFFF90] =	vst v16;
	v17 =	vld.idx.msk [tilespmem:v3+s25+$0x0], $0xffff  }
0x2d2: {  	[tilespmem:s26+$0xFFFFFE90] =	vst v14;
	v14 =	vmin.f32 v61, v7;
	v18 =	vld.idx.msk [tilespmem:v2+s25+$0xFFFFFFA0], $0xffff  }
0x2d3: {  	[tilespmem:s26+$0xFFFFFED0] =	vst v14;
	v13 =	vmin.f32 v13, v9;
	v14 =	vld.idx.msk [tilespmem:v2+s25+$0xFFFFFFB0], $0xffff  }
0x2d4: {  	[tilespmem:s26+$0xFFFFFF10] =	vst v13;
	v13 =	vmin.f32 v15, v10;
	v15 =	vld.idx.msk [tilespmem:v2+s25+$0xFFFFFFC0], $0xffff  }
0x2d5: {  	[tilespmem:s26+$0xFFFFFF50] =	vst v13;
	v13 =	vld.idx.msk [tilespmem:v2+s25+$0xFFFFFFD0], $0xffff;
	v19 =	vmin.f32 v25, v8  }
0x2d6: {  	v20 =	vld.idx.msk [tilespmem:v2+s25+$0xFFFFFFE0], $0xffff;
	v17 =	vmin.f32 v17, v23;
	[tilespmem:s26+$0xFFFFFE10] =	vst v19  }
0x2d7: {  	v16 =	vld.idx.msk [tilespmem:v2+s25+$0xFFFFFFF0], $0xffff;
	v18 =	vmin.f32 v18, v5;
	[tilespmem:s26+$0xFFFFFFF0] =	vst v17  }
0x2d8: {  	[tilespmem:s26+$0xFFFFFE60] =	vst v18;
	v14 =	vmin.f32 v14, v6;
	v19 =	vld.idx.msk [tilespmem:v2+s25+$0xFFFFFF90], $0xffff  }
0x2d9: {  	v17 =	vld.idx.msk [tilespmem:v4+s25+$0x0], $0xffff;
	[tilespmem:s26+$0xFFFFFEA0] =	vst v14;
	v14 =	vmin.f32 v15, v7  }
0x2da: {  	v18 =	vld.idx.msk [tilespmem:v3+s25+$0xFFFFFFA0], $0xffff;
	[tilespmem:s26+$0xFFFFFEE0] =	vst v14;
	v13 =	vmin.f32 v13, v9  }
0x2db: {  	v15 =	vld.idx.msk [tilespmem:v3+s25+$0xFFFFFFB0], $0xffff;
	[tilespmem:s26+$0xFFFFFF20] =	vst v13;
	v13 =	vmin.f32 v20, v10  }
0x2dc: {  	v14 =	vld.idx.msk [tilespmem:v3+s25+$0xFFFFFFC0], $0xffff;
	[tilespmem:s26+$0xFFFFFF60] =	vst v13;
	v13 =	vmin.f32 v16, v11  }
0x2dd: {  	v20 =	vld.idx.msk [tilespmem:v3+s25+$0xFFFFFFD0], $0xffff;
	[tilespmem:s26+$0xFFFFFFA0] =	vst v13;
	v16 =	vmin.f32 v19, v8  }
0x2de: {  	v19 =	vld.idx.msk [tilespmem:v3+s25+$0xFFFFFFE0], $0xffff;
	v13 =	vmin.f32 v17, v23;
	[tilespmem:s26+$0xFFFFFE20] =	vst v16  }
0x2df: {  	v62 =	vld.idx.msk [tilespmem:v3+s25+$0xFFFFFFF0], $0xffff;
	v16 =	vmin.f32 v18, v5;
	[tilespmem:s26+$0x0] =	vst v13  }
0x2e0: {  	v13 =	vmin.f32 v15, v6;
	v17 =	vld.idx.msk [tilespmem:v3+s25+$0xFFFFFF90], $0xffff;
	[tilespmem:s26+$0xFFFFFE70] =	vst v16  }
0x2e1: {  	[tilespmem:s26+$0xFFFFFEB0] =	vst v13;
	v13 =	vmin.f32 v14, v7;
	v16 =	vld.idx.msk [tilespmem:v4+s25+$0xFFFFFFA0], $0xffff  }
0x2e2: {  	v14 =	vld.idx.msk [tilespmem:v4+s25+$0xFFFFFFB0], $0xffff;
	[tilespmem:s26+$0xFFFFFEF0] =	vst v13;
	v15 =	vmin.f32 v20, v9  }
0x2e3: {  	v13 =	vld.idx.msk [tilespmem:v4+s25+$0xFFFFFFC0], $0xffff;
	[tilespmem:s26+$0xFFFFFF30] =	vst v15;
	v18 =	vmin.f32 v19, v10  }
0x2e4: {  	v15 =	vld.idx.msk [tilespmem:v4+s25+$0xFFFFFFD0], $0xffff;
	[tilespmem:s26+$0xFFFFFF70] =	vst v18;
	v18 =	vmin.f32 v62, v11  }
0x2e5: {  	v19 =	vmin.f32 v17, v8;
	v17 =	vld.idx.msk [tilespmem:v4+s25+$0xFFFFFFE0], $0xffff;
	[tilespmem:s26+$0xFFFFFFB0] =	vst v18  }
0x2e6: {  	s29 =	simm.s32 $0x1570;
	s28 =	simm.s32 $0x148;
	v12 =	vmin.f32 v63, v12;
	[tilespmem:s26+$0xFFFFFE30] =	vst v19;
	v18 =	vld.idx.msk [tilespmem:v4+s25+$0xFFFFFFF0], $0xffff  }
.LBB2_12:
0x2e7: {  	v19 =	vld.idx.msk [tilespmem:v0+s29+$0x0], $0xffff;
	v5 =	vmin.f32 v16, v5;
	[tilespmem:s24+$0xFFFFFE40] =	vst v12;
	s24 =	smov.u32 s26  }
0x2e8: {  	s28 =	sadd.s32 $0x8, s28;
	v12 =	vld.idx.msk [tilespmem:v1+s29+$0x0], $0xffff;
	[tilespmem:s26+$0xFFFFFE80] =	vst v5;
	v5 =	vmin.f32 v14, v6  }
0x2e9: {  	p0 =	slt.u32 s28, $0x178;
	v6 =	vmin.f32 v13, v7;
	v14 =	vld.idx.msk [tilespmem:v1+s29+$0xFFFFFF90], $0xffff;
	[tilespmem:s26+$0xFFFFFEC0] =	vst v5  }
0x2ea: {  	v5 =	vld.idx.msk [tilespmem:v0+s29+$0xFFFFFFA0], $0xffff;
	[tilespmem:s26+$0xFFFFFF00] =	vst v6;
	v6 =	vmin.f32 v15, v9  }
0x2eb: {  	v7 =	vmin.f32 v17, v10;
	v9 =	vld.idx.msk [tilespmem:v1+s29+$0xFFFFFFA0], $0xffff;
	[tilespmem:s26+$0xFFFFFF40] =	vst v6  }
0x2ec: {  	v6 =	vld.idx.msk [tilespmem:v0+s29+$0xFFFFFFB0], $0xffff;
	[tilespmem:s26+$0xFFFFFF80] =	vst v7;
	v7 =	vmin.f32 v18, v11  }
0x2ed: {  	v10 =	vld.idx.msk [tilespmem:v1+s29+$0xFFFFFFB0], $0xffff;
	[tilespmem:s26+$0xFFFFFFC0] =	vst v7  }
0x2ee: {  	v11 =	vmin.f32 v12, v19;
	s26 =	sadd.s32 $0x200, s26;
	v7 =	vld.idx.msk [tilespmem:v0+s29+$0xFFFFFFC0], $0xffff  }
0x2ef: {  	v12 =	vld.idx.msk [tilespmem:v1+s29+$0xFFFFFFC0], $0xffff;
	[tilespmem:s26+$0xFFFFFFD0] =	vst v11  }
0x2f0: {  	v13 =	vld.idx.msk [tilespmem:v2+s29+$0x0], $0xffff  }
0x2f1: {  	v11 =	vmin.f32 v9, v5;
	v9 =	vld.idx.msk [tilespmem:v0+s29+$0xFFFFFFD0], $0xffff  }
0x2f2: {  	[tilespmem:s26+$0xFFFFFE50] =	vst v11;
	v15 =	vld.idx.msk [tilespmem:v1+s29+$0xFFFFFFD0], $0xffff  }
0x2f3: {  	v11 =	vmin.f32 v10, v6;
	v10 =	vld.idx.msk [tilespmem:v0+s29+$0xFFFFFFE0], $0xffff  }
0x2f4: {  	[tilespmem:s26+$0xFFFFFE90] =	vst v11;
	v16 =	vld.idx.msk [tilespmem:v1+s29+$0xFFFFFFE0], $0xffff  }
0x2f5: {  	v12 =	vmin.f32 v12, v7;
	v11 =	vld.idx.msk [tilespmem:v0+s29+$0xFFFFFFF0], $0xffff  }
0x2f6: {  	v13 =	vmin.f32 v13, v19;
	[tilespmem:s26+$0xFFFFFED0] =	vst v12;
	v12 =	vld.idx.msk [tilespmem:v1+s29+$0xFFFFFFF0], $0xffff  }
0x2f7: {  	v20 =	vld.idx.msk [tilespmem:v0+s29+$0xFFFFFF90], $0xffff;
	[tilespmem:s26+$0xFFFFFFE0] =	vst v13  }
0x2f8: {  	v13 =	vmin.f32 v15, v9;
	v15 =	vld.idx.msk [tilespmem:v3+s29+$0x0], $0xffff  }
0x2f9: {  	v17 =	vld.idx.msk [tilespmem:v2+s29+$0xFFFFFFA0], $0xffff;
	[tilespmem:s26+$0xFFFFFF10] =	vst v13  }
0x2fa: {  	v16 =	vmin.f32 v16, v10;
	v13 =	vld.idx.msk [tilespmem:v2+s29+$0xFFFFFFB0], $0xffff  }
0x2fb: {  	v18 =	vld.idx.msk [tilespmem:v2+s29+$0xFFFFFFC0], $0xffff;
	[tilespmem:s26+$0xFFFFFF50] =	vst v16  }
0x2fc: {  	v12 =	vmin.f32 v12, v11;
	v16 =	vld.idx.msk [tilespmem:v2+s29+$0xFFFFFFD0], $0xffff  }
0x2fd: {  	v14 =	vmin.f32 v14, v20;
	v21 =	vld.idx.msk [tilespmem:v2+s29+$0xFFFFFFE0], $0xffff;
	[tilespmem:s26+$0xFFFFFF90] =	vst v12  }
0x2fe: {  	[tilespmem:s26+$0xFFFFFE10] =	vst v14;
	v12 =	vld.idx.msk [tilespmem:v2+s29+$0xFFFFFFF0], $0xffff;
	v14 =	vmin.f32 v15, v19  }
0x2ff: {  	v17 =	vmin.f32 v17, v5;
	v15 =	vld.idx.msk [tilespmem:v2+s29+$0xFFFFFF90], $0xffff;
	[tilespmem:s26+$0xFFFFFFF0] =	vst v14  }
0x300: {  	v13 =	vmin.f32 v13, v6;
	[tilespmem:s26+$0xFFFFFE60] =	vst v17;
	v14 =	vld.idx.msk [tilespmem:v4+s29+$0x0], $0xffff  }
0x301: {  	v17 =	vld.idx.msk [tilespmem:v3+s29+$0xFFFFFFA0], $0xffff;
	[tilespmem:s26+$0xFFFFFEA0] =	vst v13;
	v13 =	vmin.f32 v18, v7  }
0x302: {  	v18 =	vld.idx.msk [tilespmem:v3+s29+$0xFFFFFFB0], $0xffff;
	[tilespmem:s26+$0xFFFFFEE0] =	vst v13;
	v13 =	vmin.f32 v16, v9  }
0x303: {  	v22 =	vld.idx.msk [tilespmem:v3+s29+$0xFFFFFFC0], $0xffff;
	[tilespmem:s26+$0xFFFFFF20] =	vst v13;
	v13 =	vmin.f32 v21, v10  }
0x304: {  	v12 =	vmin.f32 v12, v11;
	v21 =	vld.idx.msk [tilespmem:v3+s29+$0xFFFFFFD0], $0xffff;
	[tilespmem:s26+$0xFFFFFF60] =	vst v13  }
0x305: {  	v13 =	vmin.f32 v15, v20;
	v15 =	vld.idx.msk [tilespmem:v3+s29+$0xFFFFFFE0], $0xffff;
	[tilespmem:s26+$0xFFFFFFA0] =	vst v12  }
0x306: {  	[tilespmem:s26+$0xFFFFFE20] =	vst v13;
	v12 =	vld.idx.msk [tilespmem:v3+s29+$0xFFFFFFF0], $0xffff;
	v13 =	vmin.f32 v14, v19  }
0x307: {  	v14 =	vmin.f32 v17, v5;
	v19 =	vld.idx.msk [tilespmem:v3+s29+$0xFFFFFF90], $0xffff;
	[tilespmem:s26+$0x0] =	vst v13  }
0x308: {  	v13 =	vmin.f32 v18, v6;
	[tilespmem:s26+$0xFFFFFE70] =	vst v14;
	v23 =	vld.idx.msk [tilespmem:v4+s25+$0xFFFFFF90], $0xffff;
	s25 =	smov.u32 s29  }
0x309: {  	v16 =	vld.idx.msk [tilespmem:v4+s29+$0xFFFFFFA0], $0xffff;
	[tilespmem:s26+$0xFFFFFEB0] =	vst v13;
	v13 =	vmin.f32 v22, v7  }
.Ltmp5:
0x30a: {  	v17 =	vmin.f32 v21, v9;
	v14 =	vld.idx.msk [tilespmem:v4+s29+$0xFFFFFFB0], $0xffff;
	[tilespmem:s26+$0xFFFFFEF0] =	vst v13;
	(pc) =	sbr.rel @p0 .LBB2_12-.Ltmp5, $4  }
0x30b: {  	v13 =	vld.idx.msk [tilespmem:v4+s29+$0xFFFFFFC0], $0xffff;
	[tilespmem:s26+$0xFFFFFF30] =	vst v17;
	v17 =	vmin.f32 v15, v10  }
0x30c: {  	v12 =	vmin.f32 v12, v11;
	v15 =	vld.idx.msk [tilespmem:v4+s29+$0xFFFFFFD0], $0xffff;
	[tilespmem:s26+$0xFFFFFF70] =	vst v17  }
0x30d: {  	v18 =	vmin.f32 v19, v20;
	v17 =	vld.idx.msk [tilespmem:v4+s29+$0xFFFFFFE0], $0xffff;
	[tilespmem:s26+$0xFFFFFFB0] =	vst v12  }
0x30e: {  	s29 =	sadd.s32 $0x80, s29;
	v12 =	vmin.f32 v23, v8;
	v8 =	vmov v20;
	[tilespmem:s26+$0xFFFFFE30] =	vst v18;
	v18 =	vld.idx.msk [tilespmem:v4+s25+$0xFFFFFFF0], $0xffff  }
0x30f: {  	_ =	sdelay $0x2  }
0x310: {  	v5 =	vmin.f32 v16, v5;
	[tilespmem:s24+$0xFFFFFE40] =	vst v12  }
0x311: {  	[tilespmem:s26+$0xFFFFFE80] =	vst v5;
	v5 =	vmin.f32 v14, v6;
	v6 =	vld.idx.msk [tilespmem:v4+s25+$0xFFFFFF90], $0xffff  }
0x312: {  	[tilespmem:s26+$0xFFFFFEC0] =	vst v5;
	v5 =	vmin.f32 v13, v7  }
0x313: {  	[tilespmem:s26+$0xFFFFFF00] =	vst v5;
	v5 =	vmin.f32 v15, v9  }
0x314: {  	[tilespmem:s26+$0xFFFFFF40] =	vst v5;
	v5 =	vmin.f32 v17, v10  }
0x315: {  	[tilespmem:s26+$0xFFFFFF80] =	vst v5;
	v5 =	vmin.f32 v18, v11  }
0x316: {  	[tilespmem:s26+$0xFFFFFFC0] =	vst v5;
	v5 =	vmin.f32 v6, v8  }
0x317: {  	s28 =	simm.s32 $0x1870;
	[tilespmem:s26+$0xFFFFFE40] =	vst v5  }
0x318: {  	[hbm4b:s9+s2] =	stream.linear.scatter [tilespmem:s19], [sflag:$0x1], $0x1000, $0x38;
	[tilespmem:$0xA000] =	vst v63  }
0x319: {  	v7 =	vld.idx.msk [tilespmem:v0+s28+$0x0], $0xffff  }
0x31a: {  	v5 =	vld.idx.msk [tilespmem:v1+s28+$0x0], $0xffff  }
0x31b: {  	v6 =	vld.idx.msk [tilespmem:v1+s28+$0xFFFFFF90], $0xffff  }
0x31c: {  	v8 =	vld.idx.msk [tilespmem:v0+s28+$0xFFFFFFA0], $0xffff  }
0x31d: {  	v9 =	vld.idx.msk [tilespmem:v1+s28+$0xFFFFFFA0], $0xffff  }
0x31e: {  	v10 =	vld.idx.msk [tilespmem:v0+s28+$0xFFFFFFB0], $0xffff  }
0x31f: {  	v11 =	vld.idx.msk [tilespmem:v1+s28+$0xFFFFFFB0], $0xffff  }
0x320: {  	v13 =	vld.idx.msk [tilespmem:v0+s28+$0xFFFFFFC0], $0xffff  }
0x321: {  	v14 =	vld.idx.msk [tilespmem:v1+s28+$0xFFFFFFC0], $0xffff  }
0x322: {  	v15 =	vld.idx.msk [tilespmem:v0+s28+$0xFFFFFFD0], $0xffff  }
0x323: {  	v16 =	vld.idx.msk [tilespmem:v1+s28+$0xFFFFFFD0], $0xffff  }
0x324: {  	v17 =	vld.idx.msk [tilespmem:v0+s28+$0xFFFFFFE0], $0xffff  }
0x325: {  	v18 =	vld.idx.msk [tilespmem:v1+s28+$0xFFFFFFE0], $0xffff  }
0x326: {  	v19 =	vld.idx.msk [tilespmem:v0+s28+$0xFFFFFFF0], $0xffff  }
0x327: {  	v20 =	vld.idx.msk [tilespmem:v1+s28+$0xFFFFFFF0], $0xffff  }
0x328: {  	s24 =	simm.s32 $0x81F0;
	s25 =	simm.s32 $0x18F0;
	v12 =	vld.idx.msk [tilespmem:v0+s28+$0xFFFFFF90], $0xffff;
	v5 =	vmin.f32 v5, v7  }
0x329: {  	v23 =	vld.idx.msk [tilespmem:v0+s25+$0x0], $0xffff;
	[tilespmem:s24+$0xFFFFFFD0] =	vst v5  }
0x32a: {  	v5 =	vld.idx.msk [tilespmem:v2+s28+$0x0], $0xffff  }
0x32b: {  	v24 =	vld.idx.msk [tilespmem:v1+s25+$0x0], $0xffff  }
0x32c: {  	v25 =	vld.idx.msk [tilespmem:v1+s25+$0xFFFFFF90], $0xffff  }
0x32d: {  	v26 =	vld.idx.msk [tilespmem:v1+s25+$0xFFFFFFA0], $0xffff;
	v9 =	vmin.f32 v9, v8  }
0x32e: {  	v27 =	vld.idx.msk [tilespmem:v1+s25+$0xFFFFFFB0], $0xffff;
	v6 =	vmin.f32 v6, v12;
	[tilespmem:s24+$0xFFFFFE50] =	vst v9  }
0x32f: {  	v61 =	vld.idx.msk [tilespmem:v1+s25+$0xFFFFFFC0], $0xffff;
	[tilespmem:s24+$0xFFFFFE10] =	vst v6;
	v5 =	vmin.f32 v5, v7  }
0x330: {  	[tilespmem:s24+$0xFFFFFFE0] =	vst v5;
	v5 =	vmin.f32 v11, v10;
	v11 =	vld.idx.msk [tilespmem:v2+s28+$0xFFFFFFA0], $0xffff  }
0x331: {  	v9 =	vld.idx.msk [tilespmem:v3+s28+$0x0], $0xffff;
	[tilespmem:s24+$0xFFFFFE90] =	vst v5;
	v5 =	vmin.f32 v14, v13  }
0x332: {  	[tilespmem:s24+$0xFFFFFED0] =	vst v5;
	v5 =	vmin.f32 v16, v15;
	v14 =	vld.idx.msk [tilespmem:v2+s28+$0xFFFFFFB0], $0xffff  }
0x333: {  	[tilespmem:s24+$0xFFFFFF10] =	vst v5;
	v5 =	vmin.f32 v18, v17;
	v16 =	vld.idx.msk [tilespmem:v2+s28+$0xFFFFFFC0], $0xffff  }
0x334: {  	v18 =	vmin.f32 v20, v19;
	[tilespmem:s24+$0xFFFFFF50] =	vst v5;
	v5 =	vld.idx.msk [tilespmem:v2+s28+$0xFFFFFFD0], $0xffff  }
0x335: {  	[tilespmem:s24+$0xFFFFFF90] =	vst v18;
	v18 =	vld.idx.msk [tilespmem:v2+s28+$0xFFFFFF90], $0xffff  }
0x336: {  	v20 =	vld.idx.msk [tilespmem:v2+s28+$0xFFFFFFE0], $0xffff;
	v11 =	vmin.f32 v11, v8  }
0x337: {  	v6 =	vld.idx.msk [tilespmem:v2+s28+$0xFFFFFFF0], $0xffff;
	v9 =	vmin.f32 v9, v7;
	[tilespmem:s24+$0xFFFFFE60] =	vst v11  }
0x338: {  	[tilespmem:s24+$0xFFFFFFF0] =	vst v9;
	v9 =	vmin.f32 v14, v10;
	v14 =	vld.idx.msk [tilespmem:v3+s28+$0xFFFFFFA0], $0xffff  }
0x339: {  	v11 =	vld.idx.msk [tilespmem:v4+s28+$0x0], $0xffff;
	[tilespmem:s24+$0xFFFFFEA0] =	vst v9;
	v9 =	vmin.f32 v16, v13  }
0x33a: {  	v16 =	vld.idx.msk [tilespmem:v3+s28+$0xFFFFFFB0], $0xffff;
	[tilespmem:s24+$0xFFFFFEE0] =	vst v9;
	v5 =	vmin.f32 v5, v15  }
0x33b: {  	v9 =	vld.idx.msk [tilespmem:v3+s28+$0xFFFFFFC0], $0xffff;
	[tilespmem:s24+$0xFFFFFF20] =	vst v5;
	v5 =	vmin.f32 v20, v17  }
0x33c: {  	v20 =	vld.idx.msk [tilespmem:v3+s28+$0xFFFFFFD0], $0xffff;
	[tilespmem:s24+$0xFFFFFF60] =	vst v5;
	v5 =	vmin.f32 v6, v19  }
0x33d: {  	v6 =	vmin.f32 v18, v12;
	v18 =	vld.idx.msk [tilespmem:v3+s28+$0xFFFFFFE0], $0xffff;
	[tilespmem:s24+$0xFFFFFFA0] =	vst v5  }
0x33e: {  	[tilespmem:s24+$0xFFFFFE20] =	vst v6;
	v6 =	vmin.f32 v14, v8;
	v5 =	vld.idx.msk [tilespmem:v3+s28+$0xFFFFFFF0], $0xffff  }
0x33f: {  	v14 =	vld.idx.msk [tilespmem:v3+s28+$0xFFFFFF90], $0xffff;
	[tilespmem:s24+$0xFFFFFE70] =	vst v6;
	v7 =	vmin.f32 v11, v7  }
0x340: {  	s26 =	simm.s32 $0x83F0;
	v11 =	vmin.f32 v24, v23;
	v6 =	vmin.f32 v16, v10;
	v16 =	vld.idx.msk [tilespmem:v4+s28+$0xFFFFFFA0], $0xffff;
	[tilespmem:s24+$0x0] =	vst v7  }
0x341: {  	v7 =	vld.idx.msk [tilespmem:v0+s25+$0xFFFFFFC0], $0xffff;
	[tilespmem:s26+$0xFFFFFFD0] =	vst v11  }
0x342: {  	v11 =	vld.idx.msk [tilespmem:v0+s25+$0xFFFFFFF0], $0xffff;
	[tilespmem:s24+$0xFFFFFEB0] =	vst v6;
	v6 =	vmin.f32 v9, v13  }
0x343: {  	v9 =	vld.idx.msk [tilespmem:v4+s28+$0xFFFFFFB0], $0xffff;
	[tilespmem:s24+$0xFFFFFEF0] =	vst v6;
	v6 =	vmin.f32 v20, v15  }
0x344: {  	v20 =	vld.idx.msk [tilespmem:v4+s28+$0xFFFFFFC0], $0xffff;
	[tilespmem:s24+$0xFFFFFF30] =	vst v6  }
0x345: {  	v6 =	vmin.f32 v18, v17;
	v18 =	vld.idx.msk [tilespmem:v4+s28+$0xFFFFFFD0], $0xffff  }
0x346: {  	[tilespmem:s24+$0xFFFFFF70] =	vst v6;
	v6 =	vld.idx.msk [tilespmem:v0+s25+$0xFFFFFFB0], $0xffff  }
0x347: {  	v5 =	vmin.f32 v5, v19;
	v21 =	vld.idx.msk [tilespmem:v4+s28+$0xFFFFFFE0], $0xffff  }
0x348: {  	v14 =	vmin.f32 v14, v12;
	[tilespmem:s24+$0xFFFFFFB0] =	vst v5;
	v5 =	vld.idx.msk [tilespmem:v0+s25+$0xFFFFFFA0], $0xffff  }
0x349: {  	[tilespmem:s24+$0xFFFFFE30] =	vst v14;
	v8 =	vmin.f32 v16, v8;
	v14 =	vld.idx.msk [tilespmem:v2+s25+$0x0], $0xffff  }
0x34a: {  	v16 =	vld.idx.msk [tilespmem:v1+s25+$0xFFFFFFF0], $0xffff;
	[tilespmem:s24+$0xFFFFFE80] =	vst v8;
	v8 =	vmin.f32 v9, v10  }
0x34b: {  	v22 =	vld.idx.msk [tilespmem:v4+s28+$0xFFFFFFF0], $0xffff;
	[tilespmem:s24+$0xFFFFFEC0] =	vst v8;
	v8 =	vmin.f32 v20, v13  }
0x34c: {  	v63 =	vld.idx.msk [tilespmem:v4+s28+$0xFFFFFF90], $0xffff;
	[tilespmem:s24+$0xFFFFFF00] =	vst v8;
	v8 =	vmin.f32 v18, v15  }
0x34d: {  	v9 =	vld.idx.msk [tilespmem:v0+s25+$0xFFFFFFD0], $0xffff;
	[tilespmem:s24+$0xFFFFFF40] =	vst v8;
	v8 =	vmin.f32 v21, v17  }
0x34e: {  	v10 =	vld.idx.msk [tilespmem:v0+s25+$0xFFFFFFE0], $0xffff;
	v14 =	vmin.f32 v14, v23;
	[tilespmem:s24+$0xFFFFFF80] =	vst v8  }
0x34f: {  	v13 =	vld.idx.msk [tilespmem:v1+s25+$0xFFFFFFD0], $0xffff;
	v17 =	vmin.f32 v26, v5;
	[tilespmem:s26+$0xFFFFFFE0] =	vst v14  }
0x350: {  	v15 =	vld.idx.msk [tilespmem:v1+s25+$0xFFFFFFE0], $0xffff;
	v8 =	vmin.f32 v22, v19;
	[tilespmem:s26+$0xFFFFFE50] =	vst v17  }
0x351: {  	v16 =	vmin.f32 v16, v11;
	[tilespmem:s24+$0xFFFFFFC0] =	vst v8;
	v8 =	vld.idx.msk [tilespmem:v0+s25+$0xFFFFFF90], $0xffff  }
0x352: {  	v14 =	vmin.f32 v27, v6;
	[tilespmem:s26+$0xFFFFFF90] =	vst v16;
	v17 =	vld.idx.msk [tilespmem:v3+s25+$0x0], $0xffff  }
0x353: {  	[tilespmem:s26+$0xFFFFFE90] =	vst v14;
	v14 =	vmin.f32 v61, v7;
	v18 =	vld.idx.msk [tilespmem:v2+s25+$0xFFFFFFA0], $0xffff  }
0x354: {  	[tilespmem:s26+$0xFFFFFED0] =	vst v14;
	v13 =	vmin.f32 v13, v9;
	v14 =	vld.idx.msk [tilespmem:v2+s25+$0xFFFFFFB0], $0xffff  }
0x355: {  	[tilespmem:s26+$0xFFFFFF10] =	vst v13;
	v13 =	vmin.f32 v15, v10;
	v15 =	vld.idx.msk [tilespmem:v2+s25+$0xFFFFFFC0], $0xffff  }
0x356: {  	[tilespmem:s26+$0xFFFFFF50] =	vst v13;
	v13 =	vld.idx.msk [tilespmem:v2+s25+$0xFFFFFFD0], $0xffff;
	v19 =	vmin.f32 v25, v8  }
0x357: {  	v20 =	vld.idx.msk [tilespmem:v2+s25+$0xFFFFFFE0], $0xffff;
	v17 =	vmin.f32 v17, v23;
	[tilespmem:s26+$0xFFFFFE10] =	vst v19  }
0x358: {  	v16 =	vld.idx.msk [tilespmem:v2+s25+$0xFFFFFFF0], $0xffff;
	v18 =	vmin.f32 v18, v5;
	[tilespmem:s26+$0xFFFFFFF0] =	vst v17  }
0x359: {  	[tilespmem:s26+$0xFFFFFE60] =	vst v18;
	v14 =	vmin.f32 v14, v6;
	v19 =	vld.idx.msk [tilespmem:v2+s25+$0xFFFFFF90], $0xffff  }
0x35a: {  	v17 =	vld.idx.msk [tilespmem:v4+s25+$0x0], $0xffff;
	[tilespmem:s26+$0xFFFFFEA0] =	vst v14;
	v14 =	vmin.f32 v15, v7  }
0x35b: {  	v18 =	vld.idx.msk [tilespmem:v3+s25+$0xFFFFFFA0], $0xffff;
	[tilespmem:s26+$0xFFFFFEE0] =	vst v14;
	v13 =	vmin.f32 v13, v9  }
0x35c: {  	v15 =	vld.idx.msk [tilespmem:v3+s25+$0xFFFFFFB0], $0xffff;
	[tilespmem:s26+$0xFFFFFF20] =	vst v13;
	v13 =	vmin.f32 v20, v10  }
0x35d: {  	v14 =	vld.idx.msk [tilespmem:v3+s25+$0xFFFFFFC0], $0xffff;
	[tilespmem:s26+$0xFFFFFF60] =	vst v13;
	v13 =	vmin.f32 v16, v11  }
0x35e: {  	v20 =	vld.idx.msk [tilespmem:v3+s25+$0xFFFFFFD0], $0xffff;
	[tilespmem:s26+$0xFFFFFFA0] =	vst v13;
	v16 =	vmin.f32 v19, v8  }
0x35f: {  	v19 =	vld.idx.msk [tilespmem:v3+s25+$0xFFFFFFE0], $0xffff;
	v13 =	vmin.f32 v17, v23;
	[tilespmem:s26+$0xFFFFFE20] =	vst v16  }
0x360: {  	v62 =	vld.idx.msk [tilespmem:v3+s25+$0xFFFFFFF0], $0xffff;
	v16 =	vmin.f32 v18, v5;
	[tilespmem:s26+$0x0] =	vst v13  }
0x361: {  	v13 =	vmin.f32 v15, v6;
	v17 =	vld.idx.msk [tilespmem:v3+s25+$0xFFFFFF90], $0xffff;
	[tilespmem:s26+$0xFFFFFE70] =	vst v16  }
0x362: {  	[tilespmem:s26+$0xFFFFFEB0] =	vst v13;
	v13 =	vmin.f32 v14, v7;
	v16 =	vld.idx.msk [tilespmem:v4+s25+$0xFFFFFFA0], $0xffff  }
0x363: {  	v14 =	vld.idx.msk [tilespmem:v4+s25+$0xFFFFFFB0], $0xffff;
	[tilespmem:s26+$0xFFFFFEF0] =	vst v13;
	v15 =	vmin.f32 v20, v9  }
0x364: {  	v13 =	vld.idx.msk [tilespmem:v4+s25+$0xFFFFFFC0], $0xffff;
	[tilespmem:s26+$0xFFFFFF30] =	vst v15;
	v18 =	vmin.f32 v19, v10  }
0x365: {  	v15 =	vld.idx.msk [tilespmem:v4+s25+$0xFFFFFFD0], $0xffff;
	[tilespmem:s26+$0xFFFFFF70] =	vst v18;
	v18 =	vmin.f32 v62, v11  }
0x366: {  	v19 =	vmin.f32 v17, v8;
	v17 =	vld.idx.msk [tilespmem:v4+s25+$0xFFFFFFE0], $0xffff;
	[tilespmem:s26+$0xFFFFFFB0] =	vst v18  }
0x367: {  	s29 =	simm.s32 $0x1970;
	s28 =	simm.s32 $0x188;
	v12 =	vmin.f32 v63, v12;
	[tilespmem:s26+$0xFFFFFE30] =	vst v19;
	v18 =	vld.idx.msk [tilespmem:v4+s25+$0xFFFFFFF0], $0xffff  }
.LBB2_14:
0x368: {  	v19 =	vld.idx.msk [tilespmem:v0+s29+$0x0], $0xffff;
	v5 =	vmin.f32 v16, v5;
	[tilespmem:s24+$0xFFFFFE40] =	vst v12;
	s24 =	smov.u32 s26  }
0x369: {  	s28 =	sadd.s32 $0x8, s28;
	v12 =	vld.idx.msk [tilespmem:v1+s29+$0x0], $0xffff;
	[tilespmem:s26+$0xFFFFFE80] =	vst v5;
	v5 =	vmin.f32 v14, v6  }
0x36a: {  	p0 =	slt.u32 s28, $0x1B8;
	v6 =	vmin.f32 v13, v7;
	v14 =	vld.idx.msk [tilespmem:v1+s29+$0xFFFFFF90], $0xffff;
	[tilespmem:s26+$0xFFFFFEC0] =	vst v5  }
0x36b: {  	v5 =	vld.idx.msk [tilespmem:v0+s29+$0xFFFFFFA0], $0xffff;
	[tilespmem:s26+$0xFFFFFF00] =	vst v6;
	v6 =	vmin.f32 v15, v9  }
0x36c: {  	v7 =	vmin.f32 v17, v10;
	v9 =	vld.idx.msk [tilespmem:v1+s29+$0xFFFFFFA0], $0xffff;
	[tilespmem:s26+$0xFFFFFF40] =	vst v6  }
0x36d: {  	v6 =	vld.idx.msk [tilespmem:v0+s29+$0xFFFFFFB0], $0xffff;
	[tilespmem:s26+$0xFFFFFF80] =	vst v7;
	v7 =	vmin.f32 v18, v11  }
0x36e: {  	v10 =	vld.idx.msk [tilespmem:v1+s29+$0xFFFFFFB0], $0xffff;
	[tilespmem:s26+$0xFFFFFFC0] =	vst v7  }
0x36f: {  	v11 =	vmin.f32 v12, v19;
	s26 =	sadd.s32 $0x200, s26;
	v7 =	vld.idx.msk [tilespmem:v0+s29+$0xFFFFFFC0], $0xffff  }
0x370: {  	v12 =	vld.idx.msk [tilespmem:v1+s29+$0xFFFFFFC0], $0xffff;
	[tilespmem:s26+$0xFFFFFFD0] =	vst v11  }
0x371: {  	v13 =	vld.idx.msk [tilespmem:v2+s29+$0x0], $0xffff  }
0x372: {  	v11 =	vmin.f32 v9, v5;
	v9 =	vld.idx.msk [tilespmem:v0+s29+$0xFFFFFFD0], $0xffff  }
0x373: {  	[tilespmem:s26+$0xFFFFFE50] =	vst v11;
	v15 =	vld.idx.msk [tilespmem:v1+s29+$0xFFFFFFD0], $0xffff  }
0x374: {  	v11 =	vmin.f32 v10, v6;
	v10 =	vld.idx.msk [tilespmem:v0+s29+$0xFFFFFFE0], $0xffff  }
0x375: {  	[tilespmem:s26+$0xFFFFFE90] =	vst v11;
	v16 =	vld.idx.msk [tilespmem:v1+s29+$0xFFFFFFE0], $0xffff  }
0x376: {  	v12 =	vmin.f32 v12, v7;
	v11 =	vld.idx.msk [tilespmem:v0+s29+$0xFFFFFFF0], $0xffff  }
0x377: {  	v13 =	vmin.f32 v13, v19;
	[tilespmem:s26+$0xFFFFFED0] =	vst v12;
	v12 =	vld.idx.msk [tilespmem:v1+s29+$0xFFFFFFF0], $0xffff  }
0x378: {  	v20 =	vld.idx.msk [tilespmem:v0+s29+$0xFFFFFF90], $0xffff;
	[tilespmem:s26+$0xFFFFFFE0] =	vst v13  }
0x379: {  	v13 =	vmin.f32 v15, v9;
	v15 =	vld.idx.msk [tilespmem:v3+s29+$0x0], $0xffff  }
0x37a: {  	v17 =	vld.idx.msk [tilespmem:v2+s29+$0xFFFFFFA0], $0xffff;
	[tilespmem:s26+$0xFFFFFF10] =	vst v13  }
0x37b: {  	v16 =	vmin.f32 v16, v10;
	v13 =	vld.idx.msk [tilespmem:v2+s29+$0xFFFFFFB0], $0xffff  }
0x37c: {  	v18 =	vld.idx.msk [tilespmem:v2+s29+$0xFFFFFFC0], $0xffff;
	[tilespmem:s26+$0xFFFFFF50] =	vst v16  }
0x37d: {  	v12 =	vmin.f32 v12, v11;
	v16 =	vld.idx.msk [tilespmem:v2+s29+$0xFFFFFFD0], $0xffff  }
0x37e: {  	v14 =	vmin.f32 v14, v20;
	v21 =	vld.idx.msk [tilespmem:v2+s29+$0xFFFFFFE0], $0xffff;
	[tilespmem:s26+$0xFFFFFF90] =	vst v12  }
0x37f: {  	[tilespmem:s26+$0xFFFFFE10] =	vst v14;
	v12 =	vld.idx.msk [tilespmem:v2+s29+$0xFFFFFFF0], $0xffff;
	v14 =	vmin.f32 v15, v19  }
0x380: {  	v17 =	vmin.f32 v17, v5;
	v15 =	vld.idx.msk [tilespmem:v2+s29+$0xFFFFFF90], $0xffff;
	[tilespmem:s26+$0xFFFFFFF0] =	vst v14  }
0x381: {  	v13 =	vmin.f32 v13, v6;
	[tilespmem:s26+$0xFFFFFE60] =	vst v17;
	v14 =	vld.idx.msk [tilespmem:v4+s29+$0x0], $0xffff  }
0x382: {  	v17 =	vld.idx.msk [tilespmem:v3+s29+$0xFFFFFFA0], $0xffff;
	[tilespmem:s26+$0xFFFFFEA0] =	vst v13;
	v13 =	vmin.f32 v18, v7  }
0x383: {  	v18 =	vld.idx.msk [tilespmem:v3+s29+$0xFFFFFFB0], $0xffff;
	[tilespmem:s26+$0xFFFFFEE0] =	vst v13;
	v13 =	vmin.f32 v16, v9  }
0x384: {  	v22 =	vld.idx.msk [tilespmem:v3+s29+$0xFFFFFFC0], $0xffff;
	[tilespmem:s26+$0xFFFFFF20] =	vst v13;
	v13 =	vmin.f32 v21, v10  }
0x385: {  	v12 =	vmin.f32 v12, v11;
	v21 =	vld.idx.msk [tilespmem:v3+s29+$0xFFFFFFD0], $0xffff;
	[tilespmem:s26+$0xFFFFFF60] =	vst v13  }
0x386: {  	v13 =	vmin.f32 v15, v20;
	v15 =	vld.idx.msk [tilespmem:v3+s29+$0xFFFFFFE0], $0xffff;
	[tilespmem:s26+$0xFFFFFFA0] =	vst v12  }
0x387: {  	[tilespmem:s26+$0xFFFFFE20] =	vst v13;
	v12 =	vld.idx.msk [tilespmem:v3+s29+$0xFFFFFFF0], $0xffff;
	v13 =	vmin.f32 v14, v19  }
0x388: {  	v14 =	vmin.f32 v17, v5;
	v19 =	vld.idx.msk [tilespmem:v3+s29+$0xFFFFFF90], $0xffff;
	[tilespmem:s26+$0x0] =	vst v13  }
0x389: {  	v13 =	vmin.f32 v18, v6;
	[tilespmem:s26+$0xFFFFFE70] =	vst v14;
	v23 =	vld.idx.msk [tilespmem:v4+s25+$0xFFFFFF90], $0xffff;
	s25 =	smov.u32 s29  }
0x38a: {  	v16 =	vld.idx.msk [tilespmem:v4+s29+$0xFFFFFFA0], $0xffff;
	[tilespmem:s26+$0xFFFFFEB0] =	vst v13;
	v13 =	vmin.f32 v22, v7  }
.Ltmp6:
0x38b: {  	v17 =	vmin.f32 v21, v9;
	v14 =	vld.idx.msk [tilespmem:v4+s29+$0xFFFFFFB0], $0xffff;
	[tilespmem:s26+$0xFFFFFEF0] =	vst v13;
	(pc) =	sbr.rel @p0 .LBB2_14-.Ltmp6, $4  }
0x38c: {  	v13 =	vld.idx.msk [tilespmem:v4+s29+$0xFFFFFFC0], $0xffff;
	[tilespmem:s26+$0xFFFFFF30] =	vst v17;
	v17 =	vmin.f32 v15, v10  }
0x38d: {  	v12 =	vmin.f32 v12, v11;
	v15 =	vld.idx.msk [tilespmem:v4+s29+$0xFFFFFFD0], $0xffff;
	[tilespmem:s26+$0xFFFFFF70] =	vst v17  }
0x38e: {  	v18 =	vmin.f32 v19, v20;
	v17 =	vld.idx.msk [tilespmem:v4+s29+$0xFFFFFFE0], $0xffff;
	[tilespmem:s26+$0xFFFFFFB0] =	vst v12  }
0x38f: {  	s29 =	sadd.s32 $0x80, s29;
	v12 =	vmin.f32 v23, v8;
	v8 =	vmov v20;
	[tilespmem:s26+$0xFFFFFE30] =	vst v18;
	v18 =	vld.idx.msk [tilespmem:v4+s25+$0xFFFFFFF0], $0xffff  }
0x390: {  	_ =	sdelay $0x2  }
0x391: {  	v5 =	vmin.f32 v16, v5;
	[tilespmem:s24+$0xFFFFFE40] =	vst v12  }
0x392: {  	[tilespmem:s26+$0xFFFFFE80] =	vst v5;
	v5 =	vmin.f32 v14, v6;
	v6 =	vld.idx.msk [tilespmem:v4+s25+$0xFFFFFF90], $0xffff  }
0x393: {  	[tilespmem:s26+$0xFFFFFEC0] =	vst v5;
	v5 =	vmin.f32 v13, v7  }
0x394: {  	[tilespmem:s26+$0xFFFFFF00] =	vst v5;
	v5 =	vmin.f32 v15, v9  }
0x395: {  	[tilespmem:s26+$0xFFFFFF40] =	vst v5;
	v5 =	vmin.f32 v17, v10  }
0x396: {  	[tilespmem:s26+$0xFFFFFF80] =	vst v5;
	v5 =	vmin.f32 v18, v11  }
0x397: {  	[tilespmem:s26+$0xFFFFFFC0] =	vst v5;
	v5 =	vmin.f32 v6, v8  }
0x398: {  	s28 =	simm.s32 $0x1C70;
	[tilespmem:s26+$0xFFFFFE40] =	vst v5  }
0x399: {  	[hbm4b:s10+s2] =	stream.linear.scatter [tilespmem:s20], [sflag:$0x1], $0x1000, $0x38;
	[tilespmem:$0xA000] =	vst v63  }
0x39a: {  	v7 =	vld.idx.msk [tilespmem:v0+s28+$0x0], $0xffff  }
0x39b: {  	v5 =	vld.idx.msk [tilespmem:v1+s28+$0x0], $0xffff  }
0x39c: {  	v6 =	vld.idx.msk [tilespmem:v1+s28+$0xFFFFFF90], $0xffff  }
0x39d: {  	v8 =	vld.idx.msk [tilespmem:v0+s28+$0xFFFFFFA0], $0xffff  }
0x39e: {  	v9 =	vld.idx.msk [tilespmem:v1+s28+$0xFFFFFFA0], $0xffff  }
0x39f: {  	v10 =	vld.idx.msk [tilespmem:v0+s28+$0xFFFFFFB0], $0xffff  }
0x3a0: {  	v11 =	vld.idx.msk [tilespmem:v1+s28+$0xFFFFFFB0], $0xffff  }
0x3a1: {  	v13 =	vld.idx.msk [tilespmem:v0+s28+$0xFFFFFFC0], $0xffff  }
0x3a2: {  	v14 =	vld.idx.msk [tilespmem:v1+s28+$0xFFFFFFC0], $0xffff  }
0x3a3: {  	v15 =	vld.idx.msk [tilespmem:v0+s28+$0xFFFFFFD0], $0xffff  }
0x3a4: {  	v16 =	vld.idx.msk [tilespmem:v1+s28+$0xFFFFFFD0], $0xffff  }
0x3a5: {  	v17 =	vld.idx.msk [tilespmem:v0+s28+$0xFFFFFFE0], $0xffff  }
0x3a6: {  	v18 =	vld.idx.msk [tilespmem:v1+s28+$0xFFFFFFE0], $0xffff  }
0x3a7: {  	v19 =	vld.idx.msk [tilespmem:v0+s28+$0xFFFFFFF0], $0xffff  }
0x3a8: {  	v20 =	vld.idx.msk [tilespmem:v1+s28+$0xFFFFFFF0], $0xffff  }
0x3a9: {  	s24 =	simm.s32 $0x91F0;
	s25 =	simm.s32 $0x1CF0;
	v12 =	vld.idx.msk [tilespmem:v0+s28+$0xFFFFFF90], $0xffff;
	v5 =	vmin.f32 v5, v7  }
0x3aa: {  	v23 =	vld.idx.msk [tilespmem:v0+s25+$0x0], $0xffff;
	[tilespmem:s24+$0xFFFFFFD0] =	vst v5  }
0x3ab: {  	v5 =	vld.idx.msk [tilespmem:v2+s28+$0x0], $0xffff  }
0x3ac: {  	v24 =	vld.idx.msk [tilespmem:v1+s25+$0x0], $0xffff  }
0x3ad: {  	v25 =	vld.idx.msk [tilespmem:v1+s25+$0xFFFFFF90], $0xffff  }
0x3ae: {  	v26 =	vld.idx.msk [tilespmem:v1+s25+$0xFFFFFFA0], $0xffff;
	v9 =	vmin.f32 v9, v8  }
0x3af: {  	v27 =	vld.idx.msk [tilespmem:v1+s25+$0xFFFFFFB0], $0xffff;
	v6 =	vmin.f32 v6, v12;
	[tilespmem:s24+$0xFFFFFE50] =	vst v9  }
0x3b0: {  	v61 =	vld.idx.msk [tilespmem:v1+s25+$0xFFFFFFC0], $0xffff;
	[tilespmem:s24+$0xFFFFFE10] =	vst v6;
	v5 =	vmin.f32 v5, v7  }
0x3b1: {  	[tilespmem:s24+$0xFFFFFFE0] =	vst v5;
	v5 =	vmin.f32 v11, v10;
	v11 =	vld.idx.msk [tilespmem:v2+s28+$0xFFFFFFA0], $0xffff  }
0x3b2: {  	v9 =	vld.idx.msk [tilespmem:v3+s28+$0x0], $0xffff;
	[tilespmem:s24+$0xFFFFFE90] =	vst v5;
	v5 =	vmin.f32 v14, v13  }
0x3b3: {  	[tilespmem:s24+$0xFFFFFED0] =	vst v5;
	v5 =	vmin.f32 v16, v15;
	v14 =	vld.idx.msk [tilespmem:v2+s28+$0xFFFFFFB0], $0xffff  }
0x3b4: {  	[tilespmem:s24+$0xFFFFFF10] =	vst v5;
	v5 =	vmin.f32 v18, v17;
	v16 =	vld.idx.msk [tilespmem:v2+s28+$0xFFFFFFC0], $0xffff  }
0x3b5: {  	v18 =	vmin.f32 v20, v19;
	[tilespmem:s24+$0xFFFFFF50] =	vst v5;
	v5 =	vld.idx.msk [tilespmem:v2+s28+$0xFFFFFFD0], $0xffff  }
0x3b6: {  	[tilespmem:s24+$0xFFFFFF90] =	vst v18;
	v18 =	vld.idx.msk [tilespmem:v2+s28+$0xFFFFFF90], $0xffff  }
0x3b7: {  	v20 =	vld.idx.msk [tilespmem:v2+s28+$0xFFFFFFE0], $0xffff;
	v11 =	vmin.f32 v11, v8  }
0x3b8: {  	v6 =	vld.idx.msk [tilespmem:v2+s28+$0xFFFFFFF0], $0xffff;
	v9 =	vmin.f32 v9, v7;
	[tilespmem:s24+$0xFFFFFE60] =	vst v11  }
0x3b9: {  	[tilespmem:s24+$0xFFFFFFF0] =	vst v9;
	v9 =	vmin.f32 v14, v10;
	v14 =	vld.idx.msk [tilespmem:v3+s28+$0xFFFFFFA0], $0xffff  }
0x3ba: {  	v11 =	vld.idx.msk [tilespmem:v4+s28+$0x0], $0xffff;
	[tilespmem:s24+$0xFFFFFEA0] =	vst v9;
	v9 =	vmin.f32 v16, v13  }
0x3bb: {  	v16 =	vld.idx.msk [tilespmem:v3+s28+$0xFFFFFFB0], $0xffff;
	[tilespmem:s24+$0xFFFFFEE0] =	vst v9;
	v5 =	vmin.f32 v5, v15  }
0x3bc: {  	v9 =	vld.idx.msk [tilespmem:v3+s28+$0xFFFFFFC0], $0xffff;
	[tilespmem:s24+$0xFFFFFF20] =	vst v5;
	v5 =	vmin.f32 v20, v17  }
0x3bd: {  	v20 =	vld.idx.msk [tilespmem:v3+s28+$0xFFFFFFD0], $0xffff;
	[tilespmem:s24+$0xFFFFFF60] =	vst v5;
	v5 =	vmin.f32 v6, v19  }
0x3be: {  	v6 =	vmin.f32 v18, v12;
	v18 =	vld.idx.msk [tilespmem:v3+s28+$0xFFFFFFE0], $0xffff;
	[tilespmem:s24+$0xFFFFFFA0] =	vst v5  }
0x3bf: {  	[tilespmem:s24+$0xFFFFFE20] =	vst v6;
	v6 =	vmin.f32 v14, v8;
	v5 =	vld.idx.msk [tilespmem:v3+s28+$0xFFFFFFF0], $0xffff  }
0x3c0: {  	v14 =	vld.idx.msk [tilespmem:v3+s28+$0xFFFFFF90], $0xffff;
	[tilespmem:s24+$0xFFFFFE70] =	vst v6;
	v7 =	vmin.f32 v11, v7  }
0x3c1: {  	s26 =	simm.s32 $0x93F0;
	v11 =	vmin.f32 v24, v23;
	v6 =	vmin.f32 v16, v10;
	v16 =	vld.idx.msk [tilespmem:v4+s28+$0xFFFFFFA0], $0xffff;
	[tilespmem:s24+$0x0] =	vst v7  }
0x3c2: {  	v7 =	vld.idx.msk [tilespmem:v0+s25+$0xFFFFFFC0], $0xffff;
	[tilespmem:s26+$0xFFFFFFD0] =	vst v11  }
0x3c3: {  	v11 =	vld.idx.msk [tilespmem:v0+s25+$0xFFFFFFF0], $0xffff;
	[tilespmem:s24+$0xFFFFFEB0] =	vst v6;
	v6 =	vmin.f32 v9, v13  }
0x3c4: {  	v9 =	vld.idx.msk [tilespmem:v4+s28+$0xFFFFFFB0], $0xffff;
	[tilespmem:s24+$0xFFFFFEF0] =	vst v6;
	v6 =	vmin.f32 v20, v15  }
0x3c5: {  	v20 =	vld.idx.msk [tilespmem:v4+s28+$0xFFFFFFC0], $0xffff;
	[tilespmem:s24+$0xFFFFFF30] =	vst v6  }
0x3c6: {  	v6 =	vmin.f32 v18, v17;
	v18 =	vld.idx.msk [tilespmem:v4+s28+$0xFFFFFFD0], $0xffff  }
0x3c7: {  	[tilespmem:s24+$0xFFFFFF70] =	vst v6;
	v6 =	vld.idx.msk [tilespmem:v0+s25+$0xFFFFFFB0], $0xffff  }
0x3c8: {  	v5 =	vmin.f32 v5, v19;
	v21 =	vld.idx.msk [tilespmem:v4+s28+$0xFFFFFFE0], $0xffff  }
0x3c9: {  	v14 =	vmin.f32 v14, v12;
	[tilespmem:s24+$0xFFFFFFB0] =	vst v5;
	v5 =	vld.idx.msk [tilespmem:v0+s25+$0xFFFFFFA0], $0xffff  }
0x3ca: {  	[tilespmem:s24+$0xFFFFFE30] =	vst v14;
	v8 =	vmin.f32 v16, v8;
	v14 =	vld.idx.msk [tilespmem:v2+s25+$0x0], $0xffff  }
0x3cb: {  	v16 =	vld.idx.msk [tilespmem:v1+s25+$0xFFFFFFF0], $0xffff;
	[tilespmem:s24+$0xFFFFFE80] =	vst v8;
	v8 =	vmin.f32 v9, v10  }
0x3cc: {  	v22 =	vld.idx.msk [tilespmem:v4+s28+$0xFFFFFFF0], $0xffff;
	[tilespmem:s24+$0xFFFFFEC0] =	vst v8;
	v8 =	vmin.f32 v20, v13  }
0x3cd: {  	v63 =	vld.idx.msk [tilespmem:v4+s28+$0xFFFFFF90], $0xffff;
	[tilespmem:s24+$0xFFFFFF00] =	vst v8;
	v8 =	vmin.f32 v18, v15  }
0x3ce: {  	v9 =	vld.idx.msk [tilespmem:v0+s25+$0xFFFFFFD0], $0xffff;
	[tilespmem:s24+$0xFFFFFF40] =	vst v8;
	v8 =	vmin.f32 v21, v17  }
0x3cf: {  	v10 =	vld.idx.msk [tilespmem:v0+s25+$0xFFFFFFE0], $0xffff;
	v14 =	vmin.f32 v14, v23;
	[tilespmem:s24+$0xFFFFFF80] =	vst v8  }
0x3d0: {  	v13 =	vld.idx.msk [tilespmem:v1+s25+$0xFFFFFFD0], $0xffff;
	v17 =	vmin.f32 v26, v5;
	[tilespmem:s26+$0xFFFFFFE0] =	vst v14  }
0x3d1: {  	v15 =	vld.idx.msk [tilespmem:v1+s25+$0xFFFFFFE0], $0xffff;
	v8 =	vmin.f32 v22, v19;
	[tilespmem:s26+$0xFFFFFE50] =	vst v17  }
0x3d2: {  	v16 =	vmin.f32 v16, v11;
	[tilespmem:s24+$0xFFFFFFC0] =	vst v8;
	v8 =	vld.idx.msk [tilespmem:v0+s25+$0xFFFFFF90], $0xffff  }
0x3d3: {  	v14 =	vmin.f32 v27, v6;
	[tilespmem:s26+$0xFFFFFF90] =	vst v16;
	v17 =	vld.idx.msk [tilespmem:v3+s25+$0x0], $0xffff  }
0x3d4: {  	[tilespmem:s26+$0xFFFFFE90] =	vst v14;
	v14 =	vmin.f32 v61, v7;
	v18 =	vld.idx.msk [tilespmem:v2+s25+$0xFFFFFFA0], $0xffff  }
0x3d5: {  	[tilespmem:s26+$0xFFFFFED0] =	vst v14;
	v13 =	vmin.f32 v13, v9;
	v14 =	vld.idx.msk [tilespmem:v2+s25+$0xFFFFFFB0], $0xffff  }
0x3d6: {  	[tilespmem:s26+$0xFFFFFF10] =	vst v13;
	v13 =	vmin.f32 v15, v10;
	v15 =	vld.idx.msk [tilespmem:v2+s25+$0xFFFFFFC0], $0xffff  }
0x3d7: {  	[tilespmem:s26+$0xFFFFFF50] =	vst v13;
	v13 =	vld.idx.msk [tilespmem:v2+s25+$0xFFFFFFD0], $0xffff;
	v19 =	vmin.f32 v25, v8  }
0x3d8: {  	v20 =	vld.idx.msk [tilespmem:v2+s25+$0xFFFFFFE0], $0xffff;
	v17 =	vmin.f32 v17, v23;
	[tilespmem:s26+$0xFFFFFE10] =	vst v19  }
0x3d9: {  	v16 =	vld.idx.msk [tilespmem:v2+s25+$0xFFFFFFF0], $0xffff;
	v18 =	vmin.f32 v18, v5;
	[tilespmem:s26+$0xFFFFFFF0] =	vst v17  }
0x3da: {  	[tilespmem:s26+$0xFFFFFE60] =	vst v18;
	v14 =	vmin.f32 v14, v6;
	v19 =	vld.idx.msk [tilespmem:v2+s25+$0xFFFFFF90], $0xffff  }
0x3db: {  	v17 =	vld.idx.msk [tilespmem:v4+s25+$0x0], $0xffff;
	[tilespmem:s26+$0xFFFFFEA0] =	vst v14;
	v14 =	vmin.f32 v15, v7  }
0x3dc: {  	v18 =	vld.idx.msk [tilespmem:v3+s25+$0xFFFFFFA0], $0xffff;
	[tilespmem:s26+$0xFFFFFEE0] =	vst v14;
	v13 =	vmin.f32 v13, v9  }
0x3dd: {  	v15 =	vld.idx.msk [tilespmem:v3+s25+$0xFFFFFFB0], $0xffff;
	[tilespmem:s26+$0xFFFFFF20] =	vst v13;
	v13 =	vmin.f32 v20, v10  }
0x3de: {  	v14 =	vld.idx.msk [tilespmem:v3+s25+$0xFFFFFFC0], $0xffff;
	[tilespmem:s26+$0xFFFFFF60] =	vst v13;
	v13 =	vmin.f32 v16, v11  }
0x3df: {  	v20 =	vld.idx.msk [tilespmem:v3+s25+$0xFFFFFFD0], $0xffff;
	[tilespmem:s26+$0xFFFFFFA0] =	vst v13;
	v16 =	vmin.f32 v19, v8  }
0x3e0: {  	v19 =	vld.idx.msk [tilespmem:v3+s25+$0xFFFFFFE0], $0xffff;
	v13 =	vmin.f32 v17, v23;
	[tilespmem:s26+$0xFFFFFE20] =	vst v16  }
0x3e1: {  	v62 =	vld.idx.msk [tilespmem:v3+s25+$0xFFFFFFF0], $0xffff;
	v16 =	vmin.f32 v18, v5;
	[tilespmem:s26+$0x0] =	vst v13  }
0x3e2: {  	v13 =	vmin.f32 v15, v6;
	v17 =	vld.idx.msk [tilespmem:v3+s25+$0xFFFFFF90], $0xffff;
	[tilespmem:s26+$0xFFFFFE70] =	vst v16  }
0x3e3: {  	[tilespmem:s26+$0xFFFFFEB0] =	vst v13;
	v13 =	vmin.f32 v14, v7;
	v16 =	vld.idx.msk [tilespmem:v4+s25+$0xFFFFFFA0], $0xffff  }
0x3e4: {  	v14 =	vld.idx.msk [tilespmem:v4+s25+$0xFFFFFFB0], $0xffff;
	[tilespmem:s26+$0xFFFFFEF0] =	vst v13;
	v15 =	vmin.f32 v20, v9  }
0x3e5: {  	v13 =	vld.idx.msk [tilespmem:v4+s25+$0xFFFFFFC0], $0xffff;
	[tilespmem:s26+$0xFFFFFF30] =	vst v15;
	v18 =	vmin.f32 v19, v10  }
0x3e6: {  	v15 =	vld.idx.msk [tilespmem:v4+s25+$0xFFFFFFD0], $0xffff;
	[tilespmem:s26+$0xFFFFFF70] =	vst v18;
	v18 =	vmin.f32 v62, v11  }
0x3e7: {  	v19 =	vmin.f32 v17, v8;
	v17 =	vld.idx.msk [tilespmem:v4+s25+$0xFFFFFFE0], $0xffff;
	[tilespmem:s26+$0xFFFFFFB0] =	vst v18  }
0x3e8: {  	s29 =	simm.s32 $0x1D70;
	s28 =	simm.s32 $0x1C8;
	v12 =	vmin.f32 v63, v12;
	[tilespmem:s26+$0xFFFFFE30] =	vst v19;
	v18 =	vld.idx.msk [tilespmem:v4+s25+$0xFFFFFFF0], $0xffff  }
.LBB2_16:
0x3e9: {  	v19 =	vld.idx.msk [tilespmem:v0+s29+$0x0], $0xffff;
	v5 =	vmin.f32 v16, v5;
	[tilespmem:s24+$0xFFFFFE40] =	vst v12;
	s24 =	smov.u32 s26  }
0x3ea: {  	s28 =	sadd.s32 $0x8, s28;
	v12 =	vld.idx.msk [tilespmem:v1+s29+$0x0], $0xffff;
	[tilespmem:s26+$0xFFFFFE80] =	vst v5;
	v5 =	vmin.f32 v14, v6  }
0x3eb: {  	p0 =	slt.u32 s28, $0x1F8;
	v6 =	vmin.f32 v13, v7;
	v14 =	vld.idx.msk [tilespmem:v1+s29+$0xFFFFFF90], $0xffff;
	[tilespmem:s26+$0xFFFFFEC0] =	vst v5  }
0x3ec: {  	v5 =	vld.idx.msk [tilespmem:v0+s29+$0xFFFFFFA0], $0xffff;
	[tilespmem:s26+$0xFFFFFF00] =	vst v6;
	v6 =	vmin.f32 v15, v9  }
0x3ed: {  	v7 =	vmin.f32 v17, v10;
	v9 =	vld.idx.msk [tilespmem:v1+s29+$0xFFFFFFA0], $0xffff;
	[tilespmem:s26+$0xFFFFFF40] =	vst v6  }
0x3ee: {  	v6 =	vld.idx.msk [tilespmem:v0+s29+$0xFFFFFFB0], $0xffff;
	[tilespmem:s26+$0xFFFFFF80] =	vst v7;
	v7 =	vmin.f32 v18, v11  }
0x3ef: {  	v10 =	vld.idx.msk [tilespmem:v1+s29+$0xFFFFFFB0], $0xffff;
	[tilespmem:s26+$0xFFFFFFC0] =	vst v7  }
0x3f0: {  	v11 =	vmin.f32 v12, v19;
	s26 =	sadd.s32 $0x200, s26;
	v7 =	vld.idx.msk [tilespmem:v0+s29+$0xFFFFFFC0], $0xffff  }
0x3f1: {  	v12 =	vld.idx.msk [tilespmem:v1+s29+$0xFFFFFFC0], $0xffff;
	[tilespmem:s26+$0xFFFFFFD0] =	vst v11  }
0x3f2: {  	v13 =	vld.idx.msk [tilespmem:v2+s29+$0x0], $0xffff  }
0x3f3: {  	v11 =	vmin.f32 v9, v5;
	v9 =	vld.idx.msk [tilespmem:v0+s29+$0xFFFFFFD0], $0xffff  }
0x3f4: {  	[tilespmem:s26+$0xFFFFFE50] =	vst v11;
	v15 =	vld.idx.msk [tilespmem:v1+s29+$0xFFFFFFD0], $0xffff  }
0x3f5: {  	v11 =	vmin.f32 v10, v6;
	v10 =	vld.idx.msk [tilespmem:v0+s29+$0xFFFFFFE0], $0xffff  }
0x3f6: {  	[tilespmem:s26+$0xFFFFFE90] =	vst v11;
	v16 =	vld.idx.msk [tilespmem:v1+s29+$0xFFFFFFE0], $0xffff  }
0x3f7: {  	v12 =	vmin.f32 v12, v7;
	v11 =	vld.idx.msk [tilespmem:v0+s29+$0xFFFFFFF0], $0xffff  }
0x3f8: {  	v13 =	vmin.f32 v13, v19;
	[tilespmem:s26+$0xFFFFFED0] =	vst v12;
	v12 =	vld.idx.msk [tilespmem:v1+s29+$0xFFFFFFF0], $0xffff  }
0x3f9: {  	v20 =	vld.idx.msk [tilespmem:v0+s29+$0xFFFFFF90], $0xffff;
	[tilespmem:s26+$0xFFFFFFE0] =	vst v13  }
0x3fa: {  	v13 =	vmin.f32 v15, v9;
	v15 =	vld.idx.msk [tilespmem:v3+s29+$0x0], $0xffff  }
0x3fb: {  	v17 =	vld.idx.msk [tilespmem:v2+s29+$0xFFFFFFA0], $0xffff;
	[tilespmem:s26+$0xFFFFFF10] =	vst v13  }
0x3fc: {  	v16 =	vmin.f32 v16, v10;
	v13 =	vld.idx.msk [tilespmem:v2+s29+$0xFFFFFFB0], $0xffff  }
0x3fd: {  	v18 =	vld.idx.msk [tilespmem:v2+s29+$0xFFFFFFC0], $0xffff;
	[tilespmem:s26+$0xFFFFFF50] =	vst v16  }
0x3fe: {  	v12 =	vmin.f32 v12, v11;
	v16 =	vld.idx.msk [tilespmem:v2+s29+$0xFFFFFFD0], $0xffff  }
0x3ff: {  	v14 =	vmin.f32 v14, v20;
	v21 =	vld.idx.msk [tilespmem:v2+s29+$0xFFFFFFE0], $0xffff;
	[tilespmem:s26+$0xFFFFFF90] =	vst v12  }
0x400: {  	[tilespmem:s26+$0xFFFFFE10] =	vst v14;
	v12 =	vld.idx.msk [tilespmem:v2+s29+$0xFFFFFFF0], $0xffff;
	v14 =	vmin.f32 v15, v19  }
0x401: {  	v17 =	vmin.f32 v17, v5;
	v15 =	vld.idx.msk [tilespmem:v2+s29+$0xFFFFFF90], $0xffff;
	[tilespmem:s26+$0xFFFFFFF0] =	vst v14  }
0x402: {  	v13 =	vmin.f32 v13, v6;
	[tilespmem:s26+$0xFFFFFE60] =	vst v17;
	v14 =	vld.idx.msk [tilespmem:v4+s29+$0x0], $0xffff  }
0x403: {  	v17 =	vld.idx.msk [tilespmem:v3+s29+$0xFFFFFFA0], $0xffff;
	[tilespmem:s26+$0xFFFFFEA0] =	vst v13;
	v13 =	vmin.f32 v18, v7  }
0x404: {  	v18 =	vld.idx.msk [tilespmem:v3+s29+$0xFFFFFFB0], $0xffff;
	[tilespmem:s26+$0xFFFFFEE0] =	vst v13;
	v13 =	vmin.f32 v16, v9  }
0x405: {  	v22 =	vld.idx.msk [tilespmem:v3+s29+$0xFFFFFFC0], $0xffff;
	[tilespmem:s26+$0xFFFFFF20] =	vst v13;
	v13 =	vmin.f32 v21, v10  }
0x406: {  	v12 =	vmin.f32 v12, v11;
	v21 =	vld.idx.msk [tilespmem:v3+s29+$0xFFFFFFD0], $0xffff;
	[tilespmem:s26+$0xFFFFFF60] =	vst v13  }
0x407: {  	v13 =	vmin.f32 v15, v20;
	v15 =	vld.idx.msk [tilespmem:v3+s29+$0xFFFFFFE0], $0xffff;
	[tilespmem:s26+$0xFFFFFFA0] =	vst v12  }
0x408: {  	[tilespmem:s26+$0xFFFFFE20] =	vst v13;
	v12 =	vld.idx.msk [tilespmem:v3+s29+$0xFFFFFFF0], $0xffff;
	v13 =	vmin.f32 v14, v19  }
0x409: {  	v14 =	vmin.f32 v17, v5;
	v19 =	vld.idx.msk [tilespmem:v3+s29+$0xFFFFFF90], $0xffff;
	[tilespmem:s26+$0x0] =	vst v13  }
0x40a: {  	v13 =	vmin.f32 v18, v6;
	[tilespmem:s26+$0xFFFFFE70] =	vst v14;
	v23 =	vld.idx.msk [tilespmem:v4+s25+$0xFFFFFF90], $0xffff;
	s25 =	smov.u32 s29  }
0x40b: {  	v16 =	vld.idx.msk [tilespmem:v4+s29+$0xFFFFFFA0], $0xffff;
	[tilespmem:s26+$0xFFFFFEB0] =	vst v13;
	v13 =	vmin.f32 v22, v7  }
.Ltmp7:
0x40c: {  	v17 =	vmin.f32 v21, v9;
	v14 =	vld.idx.msk [tilespmem:v4+s29+$0xFFFFFFB0], $0xffff;
	[tilespmem:s26+$0xFFFFFEF0] =	vst v13;
	(pc) =	sbr.rel @p0 .LBB2_16-.Ltmp7, $4  }
0x40d: {  	v13 =	vld.idx.msk [tilespmem:v4+s29+$0xFFFFFFC0], $0xffff;
	[tilespmem:s26+$0xFFFFFF30] =	vst v17;
	v17 =	vmin.f32 v15, v10  }
0x40e: {  	v12 =	vmin.f32 v12, v11;
	v15 =	vld.idx.msk [tilespmem:v4+s29+$0xFFFFFFD0], $0xffff;
	[tilespmem:s26+$0xFFFFFF70] =	vst v17  }
0x40f: {  	v18 =	vmin.f32 v19, v20;
	v17 =	vld.idx.msk [tilespmem:v4+s29+$0xFFFFFFE0], $0xffff;
	[tilespmem:s26+$0xFFFFFFB0] =	vst v12  }
0x410: {  	s29 =	sadd.s32 $0x80, s29;
	v12 =	vmin.f32 v23, v8;
	v8 =	vmov v20;
	[tilespmem:s26+$0xFFFFFE30] =	vst v18;
	v18 =	vld.idx.msk [tilespmem:v4+s25+$0xFFFFFFF0], $0xffff  }
0x411: {  	_ =	sdelay $0x2  }
0x412: {  	v5 =	vmin.f32 v16, v5;
	[tilespmem:s24+$0xFFFFFE40] =	vst v12  }
0x413: {  	[tilespmem:s26+$0xFFFFFE80] =	vst v5;
	v5 =	vmin.f32 v14, v6;
	v6 =	vld.idx.msk [tilespmem:v4+s25+$0xFFFFFF90], $0xffff  }
0x414: {  	[tilespmem:s26+$0xFFFFFEC0] =	vst v5;
	v5 =	vmin.f32 v13, v7  }
0x415: {  	[tilespmem:s26+$0xFFFFFF00] =	vst v5;
	v5 =	vmin.f32 v15, v9  }
0x416: {  	[tilespmem:s26+$0xFFFFFF40] =	vst v5;
	v5 =	vmin.f32 v17, v10  }
0x417: {  	[tilespmem:s26+$0xFFFFFF80] =	vst v5;
	v5 =	vmin.f32 v18, v11  }
0x418: {  	[tilespmem:s26+$0xFFFFFFC0] =	vst v5;
	v5 =	vmin.f32 v6, v8  }
0x419: {  	[tilespmem:s26+$0xFFFFFE40] =	vst v5  }
0x41a: {  	[hbm4b:s11+s2] =	stream.linear.scatter [tilespmem:s21], [sflag:$0x1], $0x1000, $0x38;
	[tilespmem:$0xA000] =	vst v63  }
0x41b: {  	_ =	swait.ge [sflag:s22], $0x1000  }
0x41c: {  	[sflag:s22] =	ssyncset.done $0x0  }
0x41d: {  	[sflag:s22] =	ssyncadd.s32 $0xFFFFF000  }
0x41e: {  	_ =	swait.ge [sflag:s22], $0x1000  }
0x41f: {  	[sflag:s22] =	ssyncset.done $0x0  }
0x420: {  	[sflag:s22] =	ssyncadd.s32 $0xFFFFF000  }
0x421: {  	_ =	swait.ge [sflag:s22], $0x1000  }
0x422: {  	[sflag:s22] =	ssyncset.done $0x0  }
0x423: {  	[sflag:s22] =	ssyncadd.s32 $0xFFFFF000  }
0x424: {  	_ =	swait.ge [sflag:s22], $0x1000  }
0x425: {  	[sflag:s22] =	ssyncset.done $0x0  }
0x426: {  	[sflag:s22] =	ssyncadd.s32 $0xFFFFF000  }
0x427: {  	_ =	swait.ge [sflag:s22], $0x1000  }
0x428: {  	[sflag:s22] =	ssyncset.done $0x0  }
0x429: {  	[sflag:s22] =	ssyncadd.s32 $0xFFFFF000  }
0x42a: {  	_ =	swait.ge [sflag:s22], $0x1000  }
0x42b: {  	[sflag:s22] =	ssyncset.done $0x0  }
0x42c: {  	s23 =	sadd.s32 $0x1, s23;
	[sflag:s22] =	ssyncadd.s32 $0xFFFFF000  }
0x42d: {  	p0 =	sne.s32 s23, s12;
	_ =	swait.ge [sflag:s22], $0x1000  }
.Ltmp8:
0x42e: {  	[sflag:s22] =	ssyncset.done $0x0;
	(pc) =	sbr.rel @p0 .LBB2_1-.Ltmp8, $4  }
0x42f: {  	[sflag:s22] =	ssyncadd.s32 $0xFFFFF000  }
0x430: {  	_ =	swait.ge [sflag:s22], $0x1000  }
0x431: {  	[sflag:s22] =	ssyncset.done $0x0  }
0x432: {  	[sflag:s22] =	ssyncadd.s32 $0xFFFFF000  }
0x433: {  	_ =	sfence.sel $0x180000  }
0x434: {  	[bflag:$0x0] =	sbarrier.arrive $0xFFFF  }
0x435: {  	p0 =	sne.s32 s1, $0x0;
	_ =	strace $0x90000047  }
0x436: {  	s0 =	sadd.s32 @!p0 $0x100000, s0;
	[bflag:$0x2] =	sbarrier.arrive $0xFFFF  }
0x437: {  	[sflag:s0] =	ssyncadd.tile.s32 @!p0 $0x1;
	_ =	shalt  }
.Lfunc_end2:
_tile_overlayer_lowered:
.L_overlay_start_2:
0x438: {  	(tag) =	ssettag $0x2  }
0x439: {  	s0 =	rddreg [dreg:$0x0];
	s2 =	stileid.u32  }
0x43a: {  	s1 =	rddreg [dreg:$0x1];
	p0 =	sne.s32 s2, $0x0  }
0x43b: {  	s3 =	rddreg [dreg:$0x2];
	[bflag:$0x3] =	sbarrier.arrive $0xFFFF;
	s2 =	simm.s32 @!p0 $0x1C02  }
0x43c: {  	[timem:s3], [sflag:s2] =	dma.local @!p0 [hbm:s0], s1  }
0x43d: {  	s0 =	simm.s32 @!p0 $0x2  }
0x43e: {  	_ =	swait.ge @!p0 [sflag:s0], s1  }
0x43f: {  	s1 =	ssub.s32 @!p0 $0x0, s1;
	[sflag:s0] =	ssyncset.done @!p0 $0x0  }
0x440: {  	[sflag:s0] =	ssyncadd.s32 @!p0 s1  }
0x441: {  	[bflag:$0x3] =	sbarrier.arrive $0xFFFF  }
0x442: {  	_ =	shalt  }

</sc_bundles>
